<compile_context>
chip_gen: v7x
topology: tpu7x:2x2x1
jax: 0.10.2.dev20260603
libtpu: 0.0.44.dev20260713+nightly
codegen_flags: <defaults>
</compile_context>

<pallas_src>
import functools

import jax
import jax.numpy as jnp
import numpy as np
from jax import lax
from jax.experimental import pallas as pl
from jax.experimental.pallas import tpu as pltpu
from jax.experimental.pallas import tpu_sc as plsc

N_Q = 10000
N_L = 2048
E = 320000
C = 128
AGGW = 144

NC = 2
NS = 16
NW = NC * NS
EPW = E // NW
N_QP = 10240
QPT = N_QP // NS

_MESH = plsc.VectorSubcoreMesh(core_axis_name="c", subcore_axis_name="s")
_SC_PARAMS = pltpu.CompilerParams(needs_layout_passes=False,
                                  use_tc_tiling_on_sc=False)

_SIGMA = np.concatenate(
    [32 * g + np.concatenate([2 * np.arange(16), 2 * np.arange(16) + 1])
     for g in range(4)])



CEA = 2000
NCHA = EPW // CEA


@functools.partial(
    pl.kernel,
    out_type=jax.ShapeDtypeStruct((4, E), jnp.float32),
    mesh=_MESH,
    compiler_params=_SC_PARAMS,
    scratch_types=[
        pltpu.VMEM((N_L * 2,), jnp.float32),
        pltpu.VMEM((N_Q * 2,), jnp.float32),
        pltpu.VMEM((2, CEA), jnp.int32),
        pltpu.VMEM((4, CEA), jnp.float32),
    ],
)
def _gather_kin(ei_hbm, lat_hbm, qp_hbm, kin_hbm, lat_v, qp_v, ei_v, kin_v):
    wid = lax.axis_index("s") * NC + lax.axis_index("c")
    base = wid * EPW
    pltpu.sync_copy(lat_hbm, lat_v)
    pltpu.sync_copy(qp_hbm, qp_v)

    def chunk_body(ci, _):
        e0 = base + ci * CEA
        pltpu.sync_copy(ei_hbm.at[:, pl.ds(e0, CEA)], ei_v)

        def sub(i, _):
            sv = ei_v[1, pl.ds(i * 16, 16)] * 2
            dv = ei_v[0, pl.ds(i * 16, 16)] * 2
            kin_v[0, pl.ds(i * 16, 16)] = plsc.load_gather(lat_v, [sv])
            kin_v[1, pl.ds(i * 16, 16)] = plsc.load_gather(lat_v, [sv + 1])
            kin_v[2, pl.ds(i * 16, 16)] = plsc.load_gather(qp_v, [dv])
            kin_v[3, pl.ds(i * 16, 16)] = plsc.load_gather(qp_v, [dv + 1])
            return 0

        lax.fori_loop(0, CEA // 16, sub, 0)
        pltpu.sync_copy(kin_v, kin_hbm.at[:, pl.ds(e0, CEA)])
        return 0

    lax.fori_loop(0, NCHA, chunk_body, 0)



EB = 2560


def _edge_mlp_body(kin_ref, w1_ref, b1_ref, w2_ref, b2_ref, w3_ref, b3_ref,
                   k_ref):
    kin = kin_ref[...].astype(jnp.bfloat16)
    h = jax.nn.gelu(
        jnp.dot(w1_ref[...], kin, preferred_element_type=jnp.float32)
        + b1_ref[...][:, None])
    h = jax.nn.gelu(
        jnp.dot(w2_ref[...], h.astype(jnp.bfloat16),
                preferred_element_type=jnp.float32)
        + b2_ref[...][:, None])
    k = lax.dot_general(h.astype(jnp.bfloat16), w3_ref[...],
                        (((0,), (0,)), ((), ())),
                        preferred_element_type=jnp.float32)
    k_ref[...] = (k + b3_ref[...][None, :]).astype(jnp.bfloat16)


def _edge_mlp(kin_t, w1t, b1, w2t, b2, w3, b3):
    full = lambda shape: pl.BlockSpec(shape, lambda i: tuple(0 for _ in shape))
    return pl.pallas_call(
        _edge_mlp_body,
        grid=(E // EB,),
        in_specs=[
            pl.BlockSpec((4, EB), lambda i: (0, i)),
            full((64, 4)), full((64,)),
            full((64, 64)), full((64,)),
            full((64, C)), full((C,)),
        ],
        out_specs=pl.BlockSpec((EB, C), lambda i: (i, 0)),
        out_shape=jax.ShapeDtypeStruct((E, C), jnp.bfloat16),
    )(kin_t, w1t, b1, w2t, b2, w3, b3)



CE = 40
NCH = EPW // CE


@functools.partial(
    pl.kernel,
    out_type=(jax.ShapeDtypeStruct((NC, N_QP, C), jnp.float32),
              jax.ShapeDtypeStruct((NC, N_QP, 16), jnp.float32)),
    mesh=_MESH,
    compiler_params=_SC_PARAMS,
    scratch_types=[
        [pltpu.VMEM((2, CE), jnp.int32) for _ in range(4)],
        [pltpu.VMEM((CE, C), jnp.bfloat16) for _ in range(4)],
        [pltpu.VMEM((CE, C), jnp.bfloat16) for _ in range(4)],
        [pltpu.VMEM((CE, AGGW), jnp.float32) for _ in range(2)],
        pltpu.VMEM_SHARED((N_QP, AGGW), jnp.float32),
        [pltpu.SemaphoreType.DMA for _ in range(4)],
        [pltpu.SemaphoreType.DMA for _ in range(4)],
        [pltpu.SemaphoreType.DMA for _ in range(4)],
        [pltpu.SemaphoreType.DMA for _ in range(2)],
    ],
)
def _scatter_agg(ei_hbm, k_hbm, rnd_hbm, outm_hbm, outc_hbm,
                 ib, kv, fv, mv, agg_sh, semd, semk, semf, semsc):
    cid = lax.axis_index("c")
    sid = lax.axis_index("s")
    wid = sid * NC + cid
    base = wid * EPW
    z16 = jnp.zeros((16,), jnp.float32)
    cnt16 = (lax.iota(jnp.int32, 16) == 0).astype(jnp.float32)

    def zrow(i, _):
        for j in range(AGGW // 16):
            mv[0][i, pl.ds(j * 16, 16)] = z16
        return 0

    lax.fori_loop(0, CE, zrow, 0)

    def zcp(i, _):
        pltpu.sync_copy(mv[0], agg_sh.at[pl.ds(sid * QPT + i * CE, CE)])
        return 0

    lax.fori_loop(0, QPT // CE, zcp, 0)

    def crow(i, _):
        mv[0][i, pl.ds(C, 16)] = cnt16
        mv[1][i, pl.ds(C, 16)] = cnt16
        return 0

    lax.fori_loop(0, CE, crow, 0)
    plsc.subcore_barrier()

    def issue_ib(ci, r):
        pltpu.async_copy(ei_hbm.at[:, pl.ds(base + ci * CE, CE)], ib[r],
                         semd[r])

    def issue_k(ci, r):
        pltpu.async_copy(k_hbm.at[pl.ds(base + ci * CE, CE)], kv[r], semk[r])

    def issue_f(r):
        pltpu.async_copy(rnd_hbm.at[ib[r].at[1]], fv[r], semf[r])

    def wait_d(r):
        pltpu.make_async_copy(ei_hbm.at[:, pl.ds(base, CE)], ib[r],
                              semd[r]).wait()

    def wait_k(r):
        pltpu.make_async_copy(k_hbm.at[pl.ds(base, CE)], kv[r], semk[r]).wait()

    def wait_f(r):
        pltpu.make_async_copy(rnd_hbm.at[ib[r].at[1]], fv[r], semf[r]).wait()

    def compute(r, m):
        def erow(h, _):
            for d in range(2):
                e = h * 2 + d
                for g in range(4):
                    prod = (kv[r][e, pl.ds(g * 32, 32)]
                            * fv[r][e, pl.ds(g * 32, 32)])
                    pa, pb = plsc.unpack(prod,
                                         format=plsc.PackFormat.INTERLEAVED)
                    mv[m][e, pl.ds(g * 32, 16)] = pa
                    mv[m][e, pl.ds(g * 32 + 16, 16)] = pb
            return 0

        lax.fori_loop(0, CE // 2, erow, 0)

    def issue_sc(r, m):
        pltpu.async_copy(mv[m], agg_sh.at[ib[r].at[0]], semsc[m], add=True)

    def wait_sc(m):
        pltpu.make_async_copy(mv[m], agg_sh.at[ib[0].at[0]], semsc[m]).wait()

    issue_ib(0, 0)
    issue_ib(1, 1)
    issue_k(0, 0)
    issue_k(1, 1)
    wait_d(0)
    issue_f(0)
    wait_d(1)
    issue_f(1)
    wait_k(0)
    wait_f(0)
    issue_ib(2, 2)
    issue_k(2, 2)
    compute(0, 0)
    issue_sc(0, 0)
    wait_d(2)
    issue_f(2)
    wait_k(1)
    wait_f(1)
    issue_ib(3, 3)
    issue_k(3, 3)
    compute(1, 1)
    issue_sc(1, 1)

    def quad(cj, _):
        for u in range(4):
            ci = 2 + 4 * cj + u
            r = (2 + u) % 4
            nr = (3 + u) % 4
            r2 = u
            m = u % 2

            @pl.when(ci + 1 < NCH)
            def _():
                wait_d(nr)
                issue_f(nr)

            wait_k(r)
            wait_f(r)
            wait_sc(m)

            @pl.when(ci + 2 < NCH)
            def _():
                issue_ib(ci + 2, r2)
                issue_k(ci + 2, r2)

            compute(r, m)
            issue_sc(r, m)
        return 0

    lax.fori_loop(0, (NCH - 2) // 4, quad, 0)
    wait_sc(0)
    wait_sc(1)
    plsc.subcore_barrier()

    def rd(i, _):
        r0 = sid * QPT + i * CE
        pltpu.sync_copy(agg_sh.at[pl.ds(r0, CE), pl.ds(0, C)],
                        outm_hbm.at[cid, pl.ds(r0, CE)])
        pltpu.sync_copy(agg_sh.at[pl.ds(r0, CE), pl.ds(C, 16)],
                        outc_hbm.at[cid, pl.ds(r0, CE)])
        return 0

    lax.fori_loop(0, QPT // CE, rd, 0)



RB = 400


def _proj_body(m0_ref, m1_ref, c0_ref, c1_ref, w1_ref, b1_ref, w2_ref,
               b2_ref, out_ref):
    agg = m0_ref[0] + m1_ref[0]
    cnt = jnp.sum(c0_ref[0] + c1_ref[0], axis=1, keepdims=True)
    decoded = agg / jnp.maximum(cnt, 1.0)
    p = jax.nn.gelu(
        jnp.dot(decoded, w1_ref[...], preferred_element_type=jnp.float32)
        + b1_ref[...][None, :])
    out_ref[...] = (
        jnp.dot(p, w2_ref[...], preferred_element_type=jnp.float32)
        + b2_ref[...][None, :])


def _proj(m, c, w1, b1, w2, b2):
    full = lambda shape: pl.BlockSpec(shape, lambda i: tuple(0 for _ in shape))
    return pl.pallas_call(
        _proj_body,
        grid=(N_Q // RB,),
        in_specs=[
            pl.BlockSpec((1, RB, C), lambda i: (0, i, 0)),
            pl.BlockSpec((1, RB, C), lambda i: (1, i, 0)),
            pl.BlockSpec((1, RB, 16), lambda i: (0, i, 0)),
            pl.BlockSpec((1, RB, 16), lambda i: (1, i, 0)),
            full((C, 256)), full((256,)),
            full((256, C)), full((C,)),
        ],
        out_specs=pl.BlockSpec((RB, C), lambda i: (i, 0)),
        out_shape=jax.ShapeDtypeStruct((N_Q, C), jnp.float32),
    )(m, m, c, c, w1, b1, w2, b2)



def kernel(rndata_flat, phys_pos_query, batch_idx_phys_query,
           latent_tokens_pos, latent_tokens_batch_idx, edge_index,
           Wk1, bk1, Wk2, bk2, Wk3, bk3, Wp1, bp1, Wp2, bp2):
    kin_t = _gather_kin(edge_index, latent_tokens_pos.reshape(-1),
                        phys_pos_query.reshape(-1))
    k = _edge_mlp(kin_t, Wk1.T.astype(jnp.bfloat16), bk1,
                  Wk2.T.astype(jnp.bfloat16), bk2,
                  Wk3.astype(jnp.bfloat16), bk3)
    aggm, aggc = _scatter_agg(edge_index, k,
                              rndata_flat.astype(jnp.bfloat16))
    out = _proj(aggm, aggc, Wp1[_SIGMA], bp1, Wp2, bp2)
    return out

# --- scband reference (transcript-rebuilt; emitter-appended) ---
"""Pipeline reference for scband-gnodecoder-36112085024917 (READ-ONLY COPY).

The authoritative reference and input builder live on the scoring server;
editing this copy changes nothing except your own understanding.
"""

import jax, jax.numpy as jnp
import numpy as np

N_QUERY = 10000
N_LATENT = 2048
N_EDGES = 320000
C_IN = 128
C_OUT = 128
COORD = 2


def setup_inputs(seed: int = 0) -> dict:
    key = jax.random.key(seed)
    ks = jax.random.split(key, 12)
    rndata_flat = jax.random.normal(ks[0], (N_LATENT, C_IN), dtype=jnp.float32)
    phys_pos_query = jax.random.uniform(ks[1], (N_QUERY, COORD), dtype=jnp.float32)
    latent_tokens_pos = jax.random.uniform(ks[2], (N_LATENT, COORD), dtype=jnp.float32)
    batch_idx_phys_query = jnp.zeros((N_QUERY,), dtype=jnp.int32)
    latent_tokens_batch_idx = jnp.zeros((N_LATENT,), dtype=jnp.int32)
    dst = jax.random.randint(ks[3], (N_EDGES,), 0, N_QUERY, dtype=jnp.int32)
    src = jax.random.randint(ks[4], (N_EDGES,), 0, N_LATENT, dtype=jnp.int32)
    edge_index = jnp.stack([dst, src], axis=0)

    def lin(k, fan_in, fan_out):
        kw, kb = jax.random.split(k)
        W = jax.random.normal(kw, (fan_in, fan_out), dtype=jnp.float32) / np.sqrt(fan_in)
        b = jax.random.normal(kb, (fan_out,), dtype=jnp.float32) * 0.01
        return W, b

    Wk1, bk1 = lin(ks[5], 2 * COORD, 64)
    Wk2, bk2 = lin(ks[6], 64, 64)
    Wk3, bk3 = lin(ks[7], 64, C_IN)
    Wp1, bp1 = lin(ks[8], C_IN, 256)
    Wp2, bp2 = lin(ks[9], 256, C_OUT)
    return {
        "rndata_flat": rndata_flat,
        "phys_pos_query": phys_pos_query,
        "batch_idx_phys_query": batch_idx_phys_query,
        "latent_tokens_pos": latent_tokens_pos,
        "latent_tokens_batch_idx": latent_tokens_batch_idx,
        "edge_index": edge_index,
        "Wk1": Wk1, "bk1": bk1, "Wk2": Wk2, "bk2": bk2, "Wk3": Wk3, "bk3": bk3,
        "Wp1": Wp1, "bp1": bp1, "Wp2": Wp2, "bp2": bp2,
    }


def reference(rndata_flat, phys_pos_query, batch_idx_phys_query, latent_tokens_pos,
              latent_tokens_batch_idx, edge_index,
              Wk1, bk1, Wk2, bk2, Wk3, bk3, Wp1, bp1, Wp2, bp2):
    # GNODecoder.forward with default MAGNOConfig: scales=[1.0], precomputed edges,
    # IntegralTransform(transform_type='linear'), no geoembed, no scale weights.
    dst = edge_index[0]  # query / x indices
    src = edge_index[1]  # latent / y indices

    # kernel MLP input: concat(y_pos[src], x_pos[dst]) -> [E, 2*coord_dim]
    rep = jnp.take(latent_tokens_pos, src, axis=0)
    self_feat = jnp.take(phys_pos_query, dst, axis=0)
    kin = jnp.concatenate([rep, self_feat], axis=-1)
    h = jax.nn.gelu(kin @ Wk1 + bk1)
    h = jax.nn.gelu(h @ Wk2 + bk2)
    k = h @ Wk3 + bk3  # [E, C_IN]

    # linear transform: k(x, y) * f(y), then mean over neighbors per query node
    f_src = jnp.take(rndata_flat, src, axis=0)
    msg = k * f_src
    agg = jax.ops.segment_sum(msg, dst, num_segments=N_QUERY)
    counts = jax.ops.segment_sum(jnp.ones((N_EDGES,), jnp.float32), dst, num_segments=N_QUERY)
    decoded = agg / jnp.maximum(counts, 1.0)[:, None]  # [N_QUERY, C_IN]

    # projection ChannelMLP: 2 layers (1x1 conv == per-node linear), gelu in between
    p = jax.nn.gelu(decoded @ Wp1 + bp1)
    out = p @ Wp2 + bp2  # [N_QUERY, C_OUT]
    return out

if __name__ == "__main__":
    import jax
    _d = setup_inputs()
    print(jax.jit(kernel)(*tuple(_d.values())))

</pallas_src>

<mosaic_0001>
#map = affine_map<(d0, d1) -> (0, 0)>
#map1 = affine_map<(d0, d1) -> (0)>
module attributes {stable_mosaic.version = 14 : i64} {
  func.func @_gather_kin(%arg0: i32, %arg1: i32, %arg2: memref<2x320000xi32, #tpu.memory_space<hbm>>, %arg3: memref<4096xf32, #tpu.memory_space<hbm>>, %arg4: memref<20000xf32, #tpu.memory_space<hbm>>, %arg5: memref<4x320000xf32, #tpu.memory_space<hbm>>, %arg6: memref<4096xf32, #tpu.memory_space<vmem>>, %arg7: memref<20000xf32, #tpu.memory_space<vmem>>, %arg8: memref<2x2000xi32, #tpu.memory_space<vmem>>, %arg9: memref<4x2000xf32, #tpu.memory_space<vmem>>) attributes {dimension_semantics = [#tpu.dimension_semantics<core_parallel>, #tpu.dimension_semantics<subcore_parallel>], iteration_bounds = array<i64: 2, 16>, scalar_prefetch = 0 : i64, scratch_operands = 4 : i64, tpu.core_type = #tpu.core_type<sc_vector_subcore>, window_params = [{transform_indices = #map}, {transform_indices = #map1}, {transform_indices = #map1}, {transform_indices = #map}]} {
    %mul3A = arith.constant 2 : i32
    %mul3A_0 = arith.muli %arg1, %mul3A : i32
    %add3A = arith.addi %mul3A_0, %arg0 : i32
    %mul3A_1 = arith.constant 10000 : i32
    %mul3A_2 = arith.muli %add3A, %mul3A_1 : i32
    "tpu.region"() ({
      %run_scoped3A = tpu.sem_alloc : memref<!tpu.dma_semaphore, #tpu.memory_space<semaphore_mem>>
      tpu.enqueue_dma source(%arg3 : memref<4096xf32, #tpu.memory_space<hbm>>) target(%arg6 : memref<4096xf32, #tpu.memory_space<vmem>>) target_semaphore(%run_scoped3A : memref<!tpu.dma_semaphore, #tpu.memory_space<semaphore_mem>>)
      tpu.wait_dma2 semaphore(%run_scoped3A : memref<!tpu.dma_semaphore, #tpu.memory_space<semaphore_mem>>) src(%arg3 : memref<4096xf32, #tpu.memory_space<hbm>>) dst(%arg6 : memref<4096xf32, #tpu.memory_space<vmem>>)
      tpu.yield
    }) : () -> ()
    "tpu.region"() ({
      %run_scoped3A = tpu.sem_alloc : memref<!tpu.dma_semaphore, #tpu.memory_space<semaphore_mem>>
      tpu.enqueue_dma source(%arg4 : memref<20000xf32, #tpu.memory_space<hbm>>) target(%arg7 : memref<20000xf32, #tpu.memory_space<vmem>>) target_semaphore(%run_scoped3A : memref<!tpu.dma_semaphore, #tpu.memory_space<semaphore_mem>>)
      tpu.wait_dma2 semaphore(%run_scoped3A : memref<!tpu.dma_semaphore, #tpu.memory_space<semaphore_mem>>) src(%arg4 : memref<20000xf32, #tpu.memory_space<hbm>>) dst(%arg7 : memref<20000xf32, #tpu.memory_space<vmem>>)
      tpu.yield
    }) : () -> ()
    %scan3A = arith.constant 0 : i32
    %scan3A_3 = arith.constant 0 : i32
    %scan3A_4 = arith.constant 5 : i32
    %scan3A_5 = arith.addi %scan3A_3, %scan3A_4 : i32
    %scan3A_6 = arith.constant 1 : i32
    %scan3A_7 = scf.for %scan3A_9 = %scan3A_3 to %scan3A_5 step %scan3A_6 iter_args(%scan3A_10 = %scan3A) -> (i32)  : i32 {
      %mul3A_11 = arith.constant 2000 : i32
      %mul3A_12 = arith.muli %scan3A_9, %mul3A_11 : i32
      %add3A_13 = arith.addi %mul3A_2, %mul3A_12 : i32
      "tpu.region"() ({
        %run_scoped3A = tpu.sem_alloc : memref<!tpu.dma_semaphore, #tpu.memory_space<semaphore_mem>>
        %dma_start3A = arith.constant 0 : i32
        %dma_start3A_22 = tpu.memref_slice %arg2[%dma_start3A, %add3A_13] : memref<2x320000xi32, #tpu.memory_space<hbm>> -> memref<2x2000xi32, #tpu.memory_space<hbm>>
        %dma_start3A_23 = arith.constant 0 : i32
        %dma_start3A_24 = tpu.memref_slice %arg2[%dma_start3A_23, %add3A_13] : memref<2x320000xi32, #tpu.memory_space<hbm>> -> memref<2x2000xi32, #tpu.memory_space<hbm>>
        tpu.enqueue_dma source(%dma_start3A_24 : memref<2x2000xi32, #tpu.memory_space<hbm>>) target(%arg8 : memref<2x2000xi32, #tpu.memory_space<vmem>>) target_semaphore(%run_scoped3A : memref<!tpu.dma_semaphore, #tpu.memory_space<semaphore_mem>>)
        %dma_wait3A = arith.constant 0 : i32
        %dma_wait3A_25 = tpu.memref_slice %arg2[%dma_wait3A, %add3A_13] : memref<2x320000xi32, #tpu.memory_space<hbm>> -> memref<2x2000xi32, #tpu.memory_space<hbm>>
        %dma_wait3A_26 = arith.constant 0 : i32
        %dma_wait3A_27 = tpu.memref_slice %arg2[%dma_wait3A_26, %add3A_13] : memref<2x320000xi32, #tpu.memory_space<hbm>> -> memref<2x2000xi32, #tpu.memory_space<hbm>>
        tpu.wait_dma2 semaphore(%run_scoped3A : memref<!tpu.dma_semaphore, #tpu.memory_space<semaphore_mem>>) src(%dma_wait3A_27 : memref<2x2000xi32, #tpu.memory_space<hbm>>) dst(%arg8 : memref<2x2000xi32, #tpu.memory_space<vmem>>)
        tpu.yield
      }) : () -> ()
      %scan3A_14 = arith.constant 0 : i32
      %scan3A_15 = arith.constant 0 : i32
      %scan3A_16 = arith.constant 125 : i32
      %scan3A_17 = arith.addi %scan3A_15, %scan3A_16 : i32
      %scan3A_18 = arith.constant 1 : i32
      %scan3A_19 = scf.for %scan3A_22 = %scan3A_15 to %scan3A_17 step %scan3A_18 iter_args(%scan3A_23 = %scan3A_14) -> (i32)  : i32 {
        %mul3A_24 = arith.constant 16 : i32
        %mul3A_25 = arith.muli %scan3A_22, %mul3A_24 : i32
        %get3A = arith.constant 1 : i32
        %get3A_26 = arith.index_cast %get3A : i32 to index
        %get3A_27 = arith.index_cast %mul3A_25 : i32 to index
        %get3A_28 = tpu.vector_load %arg8[%get3A_26, %get3A_27] {strides = array<i32>} : memref<2x2000xi32, #tpu.memory_space<vmem>>, vector<16xi32>,
        %mul3A_29 = arith.constant 2 : i32
        %mul3A_30 = vector.broadcast %mul3A_29 : i32 to vector<16xi32>
        %mul3A_31 = arith.muli %get3A_28, %mul3A_30 : vector<16xi32>
        %mul3A_32 = arith.constant 16 : i32
        %mul3A_33 = arith.muli %scan3A_22, %mul3A_32 : i32
        %get3A_34 = arith.constant 0 : i32
        %get3A_35 = arith.index_cast %get3A_34 : i32 to index
        %get3A_36 = arith.index_cast %mul3A_33 : i32 to index
        %get3A_37 = tpu.vector_load %arg8[%get3A_35, %get3A_36] {strides = array<i32>} : memref<2x2000xi32, #tpu.memory_space<vmem>>, vector<16xi32>,
        %mul3A_38 = arith.constant 2 : i32
        %mul3A_39 = vector.broadcast %mul3A_38 : i32 to vector<16xi32>
        %mul3A_40 = arith.muli %get3A_37, %mul3A_39 : vector<16xi32>
        %gather3A = tpu.vector_load_idx %arg6[%mul3A_31] : memref<4096xf32, #tpu.memory_space<vmem>>[vector<16xi32>], vector<16xf32>,
        %mul3A_41 = arith.constant 16 : i32
        %mul3A_42 = arith.muli %scan3A_22, %mul3A_41 : i32
        %swap3A = arith.constant 0 : i32
        %swap3A_43 = arith.index_cast %swap3A : i32 to index
        %swap3A_44 = arith.index_cast %mul3A_42 : i32 to index
        %swap3A_45 = tpu.vector_load %arg9[%swap3A_43, %swap3A_44] {strides = array<i32>} : memref<4x2000xf32, #tpu.memory_space<vmem>>, vector<16xf32>,
        tpu.vector_store %arg9[%swap3A_43, %swap3A_44], %gather3A {strides = array<i32>} : memref<4x2000xf32, #tpu.memory_space<vmem>>, vector<16xf32>,
        %add3A_46 = arith.constant 1 : i32
        %add3A_47 = vector.broadcast %add3A_46 : i32 to vector<16xi32>
        %add3A_48 = arith.addi %mul3A_31, %add3A_47 : vector<16xi32>
        %gather3A_49 = tpu.vector_load_idx %arg6[%add3A_48] : memref<4096xf32, #tpu.memory_space<vmem>>[vector<16xi32>], vector<16xf32>,
        %mul3A_50 = arith.constant 16 : i32
        %mul3A_51 = arith.muli %scan3A_22, %mul3A_50 : i32
        %swap3A_52 = arith.constant 1 : i32
        %swap3A_53 = arith.index_cast %swap3A_52 : i32 to index
        %swap3A_54 = arith.index_cast %mul3A_51 : i32 to index
        %swap3A_55 = tpu.vector_load %arg9[%swap3A_53, %swap3A_54] {strides = array<i32>} : memref<4x2000xf32, #tpu.memory_space<vmem>>, vector<16xf32>,
        tpu.vector_store %arg9[%swap3A_53, %swap3A_54], %gather3A_49 {strides = array<i32>} : memref<4x2000xf32, #tpu.memory_space<vmem>>, vector<16xf32>,
        %gather3A_56 = tpu.vector_load_idx %arg7[%mul3A_40] : memref<20000xf32, #tpu.memory_space<vmem>>[vector<16xi32>], vector<16xf32>,
        %mul3A_57 = arith.constant 16 : i32
        %mul3A_58 = arith.muli %scan3A_22, %mul3A_57 : i32
        %swap3A_59 = arith.constant 2 : i32
        %swap3A_60 = arith.index_cast %swap3A_59 : i32 to index
        %swap3A_61 = arith.index_cast %mul3A_58 : i32 to index
        %swap3A_62 = tpu.vector_load %arg9[%swap3A_60, %swap3A_61] {strides = array<i32>} : memref<4x2000xf32, #tpu.memory_space<vmem>>, vector<16xf32>,
        tpu.vector_store %arg9[%swap3A_60, %swap3A_61], %gather3A_56 {strides = array<i32>} : memref<4x2000xf32, #tpu.memory_space<vmem>>, vector<16xf32>,
        %add3A_63 = arith.constant 1 : i32
        %add3A_64 = vector.broadcast %add3A_63 : i32 to vector<16xi32>
        %add3A_65 = arith.addi %mul3A_40, %add3A_64 : vector<16xi32>
        %gather3A_66 = tpu.vector_load_idx %arg7[%add3A_65] : memref<20000xf32, #tpu.memory_space<vmem>>[vector<16xi32>], vector<16xf32>,
        %mul3A_67 = arith.constant 16 : i32
        %mul3A_68 = arith.muli %scan3A_22, %mul3A_67 : i32
        %swap3A_69 = arith.constant 3 : i32
        %swap3A_70 = arith.index_cast %swap3A_69 : i32 to index
        %swap3A_71 = arith.index_cast %mul3A_68 : i32 to index
        %swap3A_72 = tpu.vector_load %arg9[%swap3A_70, %swap3A_71] {strides = array<i32>} : memref<4x2000xf32, #tpu.memory_space<vmem>>, vector<16xf32>,
        tpu.vector_store %arg9[%swap3A_70, %swap3A_71], %gather3A_66 {strides = array<i32>} : memref<4x2000xf32, #tpu.memory_space<vmem>>, vector<16xf32>,
        %scan3A_73 = arith.constant 0 : i32
        scf.yield %scan3A_73 : i32
      }
      %scan3A_20 = arith.constant 125 : i32
      "tpu.region"() ({
        %run_scoped3A = tpu.sem_alloc : memref<!tpu.dma_semaphore, #tpu.memory_space<semaphore_mem>>
        %dma_start3A = arith.constant 0 : i32
        %dma_start3A_22 = tpu.memref_slice %arg5[%dma_start3A, %add3A_13] : memref<4x320000xf32, #tpu.memory_space<hbm>> -> memref<4x2000xf32, #tpu.memory_space<hbm>>
        %dma_start3A_23 = arith.constant 0 : i32
        %dma_start3A_24 = tpu.memref_slice %arg5[%dma_start3A_23, %add3A_13] : memref<4x320000xf32, #tpu.memory_space<hbm>> -> memref<4x2000xf32, #tpu.memory_space<hbm>>
        tpu.enqueue_dma source(%arg9 : memref<4x2000xf32, #tpu.memory_space<vmem>>) target(%dma_start3A_24 : memref<4x2000xf32, #tpu.memory_space<hbm>>) target_semaphore(%run_scoped3A : memref<!tpu.dma_semaphore, #tpu.memory_space<semaphore_mem>>)
        %dma_wait3A = arith.constant 0 : i32
        %dma_wait3A_25 = tpu.memref_slice %arg5[%dma_wait3A, %add3A_13] : memref<4x320000xf32, #tpu.memory_space<hbm>> -> memref<4x2000xf32, #tpu.memory_space<hbm>>
        %dma_wait3A_26 = arith.constant 0 : i32
        %dma_wait3A_27 = tpu.memref_slice %arg5[%dma_wait3A_26, %add3A_13] : memref<4x320000xf32, #tpu.memory_space<hbm>> -> memref<4x2000xf32, #tpu.memory_space<hbm>>
        tpu.wait_dma2 semaphore(%run_scoped3A : memref<!tpu.dma_semaphore, #tpu.memory_space<semaphore_mem>>) src(%arg9 : memref<4x2000xf32, #tpu.memory_space<vmem>>) dst(%dma_wait3A_27 : memref<4x2000xf32, #tpu.memory_space<hbm>>)
        tpu.yield
      }) : () -> ()
      %scan3A_21 = arith.constant 0 : i32
      scf.yield %scan3A_21 : i32
    }
    %scan3A_8 = arith.constant 5 : i32
    return
  }
}

#map = affine_map<(d0, d1) -> (0, 0)>
#map1 = affine_map<(d0, d1) -> (0, 0, 0)>
module attributes {stable_mosaic.version = 14 : i64} {
  func.func @_scatter_agg(%arg0: i32, %arg1: i32, %arg2: memref<2x320000xi32, #tpu.memory_space<hbm>>, %arg3: memref<320000x128xbf16, #tpu.memory_space<hbm>>, %arg4: memref<2048x128xbf16, #tpu.memory_space<hbm>>, %arg5: memref<2x10240x128xf32, #tpu.memory_space<hbm>>, %arg6: memref<2x10240x16xf32, #tpu.memory_space<hbm>>, %arg7: memref<2x40xi32, #tpu.memory_space<vmem>>, %arg8: memref<2x40xi32, #tpu.memory_space<vmem>>, %arg9: memref<2x40xi32, #tpu.memory_space<vmem>>, %arg10: memref<2x40xi32, #tpu.memory_space<vmem>>, %arg11: memref<40x128xbf16, #tpu.memory_space<vmem>>, %arg12: memref<40x128xbf16, #tpu.memory_space<vmem>>, %arg13: memref<40x128xbf16, #tpu.memory_space<vmem>>, %arg14: memref<40x128xbf16, #tpu.memory_space<vmem>>, %arg15: memref<40x128xbf16, #tpu.memory_space<vmem>>, %arg16: memref<40x128xbf16, #tpu.memory_space<vmem>>, %arg17: memref<40x128xbf16, #tpu.memory_space<vmem>>, %arg18: memref<40x128xbf16, #tpu.memory_space<vmem>>, %arg19: memref<40x144xf32, #tpu.memory_space<vmem>>, %arg20: memref<40x144xf32, #tpu.memory_space<vmem>>, %arg21: memref<10240x144xf32, #tpu.memory_space<vmem_shared>>, %arg22: memref<!tpu.dma_semaphore, #tpu.memory_space<semaphore_mem>>, %arg23: memref<!tpu.dma_semaphore, #tpu.memory_space<semaphore_mem>>, %arg24: memref<!tpu.dma_semaphore, #tpu.memory_space<semaphore_mem>>, %arg25: memref<!tpu.dma_semaphore, #tpu.memory_space<semaphore_mem>>, %arg26: memref<!tpu.dma_semaphore, #tpu.memory_space<semaphore_mem>>, %arg27: memref<!tpu.dma_semaphore, #tpu.memory_space<semaphore_mem>>, %arg28: memref<!tpu.dma_semaphore, #tpu.memory_space<semaphore_mem>>, %arg29: memref<!tpu.dma_semaphore, #tpu.memory_space<semaphore_mem>>, %arg30: memref<!tpu.dma_semaphore, #tpu.memory_space<semaphore_mem>>, %arg31: memref<!tpu.dma_semaphore, #tpu.memory_space<semaphore_mem>>, %arg32: memref<!tpu.dma_semaphore, #tpu.memory_space<semaphore_mem>>, %arg33: memref<!tpu.dma_semaphore, #tpu.memory_space<semaphore_mem>>, %arg34: memref<!tpu.dma_semaphore, #tpu.memory_space<semaphore_mem>>, %arg35: memref<!tpu.dma_semaphore, #tpu.memory_space<semaphore_mem>>) attributes {dimension_semantics = [#tpu.dimension_semantics<core_parallel>, #tpu.dimension_semantics<subcore_parallel>], iteration_bounds = array<i64: 2, 16>, scalar_prefetch = 0 : i64, scratch_operands = 29 : i64, tpu.core_type = #tpu.core_type<sc_vector_subcore>, window_params = [{transform_indices = #map}, {transform_indices = #map}, {transform_indices = #map}, {transform_indices = #map1}, {transform_indices = #map1}]} {
    %mul3A = arith.constant 2 : i32
    %mul3A_0 = arith.muli %arg1, %mul3A : i32
    %add3A = arith.addi %mul3A_0, %arg0 : i32
    %mul3A_1 = arith.constant 10000 : i32
    %mul3A_2 = arith.muli %add3A, %mul3A_1 : i32
    %broadcast_in_dim3A = arith.constant 0.000000e+00 : f32
    %broadcast_in_dim3A_3 = vector.broadcast %broadcast_in_dim3A : f32 to vector<16xf32>
    %iota3A = tpu.iota {dimensions = array<i32: 0>} : vector<16xi32>
    %eq3A = arith.constant 0 : i32
    %eq3A_4 = vector.broadcast %eq3A : i32 to vector<16xi32>
    %eq3A_5 = arith.cmpi eq, %iota3A, %eq3A_4 : vector<16xi32>
    %convert_element_type3A = arith.extui %eq3A_5 : vector<16xi1> to vector<16xi32>
    %convert_element_type3A_6 = arith.sitofp %convert_element_type3A : vector<16xi32> to vector<16xf32>
    %scan3A = arith.constant 0 : i32
    %scan3A_7 = arith.constant 0 : i32
    %scan3A_8 = arith.constant 40 : i32
    %scan3A_9 = arith.addi %scan3A_7, %scan3A_8 : i32
    %scan3A_10 = arith.constant 1 : i32
    %scan3A_11 = scf.for %scan3A_185 = %scan3A_7 to %scan3A_9 step %scan3A_10 iter_args(%scan3A_186 = %scan3A) -> (i32)  : i32 {
      %swap3A = arith.index_cast %scan3A_185 : i32 to index
      %swap3A_187 = arith.constant 0 : index
      %swap3A_188 = tpu.vector_load %arg19[%swap3A, %swap3A_187] {strides = array<i32>} : memref<40x144xf32, #tpu.memory_space<vmem>>, vector<16xf32>,
      tpu.vector_store %arg19[%swap3A, %swap3A_187], %broadcast_in_dim3A_3 {strides = array<i32>} : memref<40x144xf32, #tpu.memory_space<vmem>>, vector<16xf32>,
      %swap3A_189 = arith.index_cast %scan3A_185 : i32 to index
      %swap3A_190 = arith.constant 16 : index
      %swap3A_191 = tpu.vector_load %arg19[%swap3A_189, %swap3A_190] {strides = array<i32>} : memref<40x144xf32, #tpu.memory_space<vmem>>, vector<16xf32>,
      tpu.vector_store %arg19[%swap3A_189, %swap3A_190], %broadcast_in_dim3A_3 {strides = array<i32>} : memref<40x144xf32, #tpu.memory_space<vmem>>, vector<16xf32>,
      %swap3A_192 = arith.index_cast %scan3A_185 : i32 to index
      %swap3A_193 = arith.constant 32 : index
      %swap3A_194 = tpu.vector_load %arg19[%swap3A_192, %swap3A_193] {strides = array<i32>} : memref<40x144xf32, #tpu.memory_space<vmem>>, vector<16xf32>,
      tpu.vector_store %arg19[%swap3A_192, %swap3A_193], %broadcast_in_dim3A_3 {strides = array<i32>} : memref<40x144xf32, #tpu.memory_space<vmem>>, vector<16xf32>,
      %swap3A_195 = arith.index_cast %scan3A_185 : i32 to index
      %swap3A_196 = arith.constant 48 : index
      %swap3A_197 = tpu.vector_load %arg19[%swap3A_195, %swap3A_196] {strides = array<i32>} : memref<40x144xf32, #tpu.memory_space<vmem>>, vector<16xf32>,
      tpu.vector_store %arg19[%swap3A_195, %swap3A_196], %broadcast_in_dim3A_3 {strides = array<i32>} : memref<40x144xf32, #tpu.memory_space<vmem>>, vector<16xf32>,
      %swap3A_198 = arith.index_cast %scan3A_185 : i32 to index
      %swap3A_199 = arith.constant 64 : index
      %swap3A_200 = tpu.vector_load %arg19[%swap3A_198, %swap3A_199] {strides = array<i32>} : memref<40x144xf32, #tpu.memory_space<vmem>>, vector<16xf32>,
      tpu.vector_store %arg19[%swap3A_198, %swap3A_199], %broadcast_in_dim3A_3 {strides = array<i32>} : memref<40x144xf32, #tpu.memory_space<vmem>>, vector<16xf32>,
      %swap3A_201 = arith.index_cast %scan3A_185 : i32 to index
      %swap3A_202 = arith.constant 80 : index
      %swap3A_203 = tpu.vector_load %arg19[%swap3A_201, %swap3A_202] {strides = array<i32>} : memref<40x144xf32, #tpu.memory_space<vmem>>, vector<16xf32>,
      tpu.vector_store %arg19[%swap3A_201, %swap3A_202], %broadcast_in_dim3A_3 {strides = array<i32>} : memref<40x144xf32, #tpu.memory_space<vmem>>, vector<16xf32>,
      %swap3A_204 = arith.index_cast %scan3A_185 : i32 to index
      %swap3A_205 = arith.constant 96 : index
      %swap3A_206 = tpu.vector_load %arg19[%swap3A_204, %swap3A_205] {strides = array<i32>} : memref<40x144xf32, #tpu.memory_space<vmem>>, vector<16xf32>,
      tpu.vector_store %arg19[%swap3A_204, %swap3A_205], %broadcast_in_dim3A_3 {strides = array<i32>} : memref<40x144xf32, #tpu.memory_space<vmem>>, vector<16xf32>,
      %swap3A_207 = arith.index_cast %scan3A_185 : i32 to index
      %swap3A_208 = arith.constant 112 : index
      %swap3A_209 = tpu.vector_load %arg19[%swap3A_207, %swap3A_208] {strides = array<i32>} : memref<40x144xf32, #tpu.memory_space<vmem>>, vector<16xf32>,
      tpu.vector_store %arg19[%swap3A_207, %swap3A_208], %broadcast_in_dim3A_3 {strides = array<i32>} : memref<40x144xf32, #tpu.memory_space<vmem>>, vector<16xf32>,
      %swap3A_210 = arith.index_cast %scan3A_185 : i32 to index
      %swap3A_211 = arith.constant 128 : index
      %swap3A_212 = tpu.vector_load %arg19[%swap3A_210, %swap3A_211] {strides = array<i32>} : memref<40x144xf32, #tpu.memory_space<vmem>>, vector<16xf32>,
      tpu.vector_store %arg19[%swap3A_210, %swap3A_211], %broadcast_in_dim3A_3 {strides = array<i32>} : memref<40x144xf32, #tpu.memory_space<vmem>>, vector<16xf32>,
      %scan3A_213 = arith.constant 0 : i32
      scf.yield %scan3A_213 : i32
    }
    %scan3A_12 = arith.constant 40 : i32
    %scan3A_13 = arith.constant 0 : i32
    %scan3A_14 = arith.constant 0 : i32
    %scan3A_15 = arith.constant 16 : i32
    %scan3A_16 = arith.addi %scan3A_14, %scan3A_15 : i32
    %scan3A_17 = arith.constant 1 : i32
    %scan3A_18 = scf.for %scan3A_185 = %scan3A_14 to %scan3A_16 step %scan3A_17 iter_args(%scan3A_186 = %scan3A_13) -> (i32)  : i32 {
      %mul3A_187 = arith.constant 640 : i32
      %mul3A_188 = arith.muli %arg1, %mul3A_187 : i32
      %mul3A_189 = arith.constant 40 : i32
      %mul3A_190 = arith.muli %scan3A_185, %mul3A_189 : i32
      %add3A_191 = arith.addi %mul3A_188, %mul3A_190 : i32
      "tpu.region"() ({
        %run_scoped3A = tpu.sem_alloc : memref<!tpu.dma_semaphore, #tpu.memory_space<semaphore_mem>>
        %dma_start3A_193 = arith.constant 0 : i32
        %dma_start3A_194 = tpu.memref_slice %arg21[%add3A_191, %dma_start3A_193] : memref<10240x144xf32, #tpu.memory_space<vmem_shared>> -> memref<40x144xf32, #tpu.memory_space<vmem_shared>>
        %dma_start3A_195 = arith.constant 0 : i32
        %dma_start3A_196 = tpu.memref_slice %arg21[%add3A_191, %dma_start3A_195] : memref<10240x144xf32, #tpu.memory_space<vmem_shared>> -> memref<40x144xf32, #tpu.memory_space<vmem_shared>>
        tpu.enqueue_dma source(%arg19 : memref<40x144xf32, #tpu.memory_space<vmem>>) target(%dma_start3A_196 : memref<40x144xf32, #tpu.memory_space<vmem_shared>>) target_semaphore(%run_scoped3A : memref<!tpu.dma_semaphore, #tpu.memory_space<semaphore_mem>>)
        %dma_wait3A_197 = arith.constant 0 : i32
        %dma_wait3A_198 = tpu.memref_slice %arg21[%add3A_191, %dma_wait3A_197] : memref<10240x144xf32, #tpu.memory_space<vmem_shared>> -> memref<40x144xf32, #tpu.memory_space<vmem_shared>>
        %dma_wait3A_199 = arith.constant 0 : i32
        %dma_wait3A_200 = tpu.memref_slice %arg21[%add3A_191, %dma_wait3A_199] : memref<10240x144xf32, #tpu.memory_space<vmem_shared>> -> memref<40x144xf32, #tpu.memory_space<vmem_shared>>
        tpu.wait_dma2 semaphore(%run_scoped3A : memref<!tpu.dma_semaphore, #tpu.memory_space<semaphore_mem>>) src(%arg19 : memref<40x144xf32, #tpu.memory_space<vmem>>) dst(%dma_wait3A_200 : memref<40x144xf32, #tpu.memory_space<vmem_shared>>)
        tpu.yield
      }) : () -> ()
      %scan3A_192 = arith.constant 0 : i32
      scf.yield %scan3A_192 : i32
    }
    %scan3A_19 = arith.constant 16 : i32
    %scan3A_20 = arith.constant 0 : i32
    %scan3A_21 = arith.constant 0 : i32
    %scan3A_22 = arith.constant 40 : i32
    %scan3A_23 = arith.addi %scan3A_21, %scan3A_22 : i32
    %scan3A_24 = arith.constant 1 : i32
    %scan3A_25 = scf.for %scan3A_185 = %scan3A_21 to %scan3A_23 step %scan3A_24 iter_args(%scan3A_186 = %scan3A_20) -> (i32)  : i32 {
      %swap3A = arith.index_cast %scan3A_185 : i32 to index
      %swap3A_187 = arith.constant 128 : index
      %swap3A_188 = tpu.vector_load %arg19[%swap3A, %swap3A_187] {strides = array<i32>} : memref<40x144xf32, #tpu.memory_space<vmem>>, vector<16xf32>,
      tpu.vector_store %arg19[%swap3A, %swap3A_187], %convert_element_type3A_6 {strides = array<i32>} : memref<40x144xf32, #tpu.memory_space<vmem>>, vector<16xf32>,
      %swap3A_189 = arith.index_cast %scan3A_185 : i32 to index
      %swap3A_190 = arith.constant 128 : index
      %swap3A_191 = tpu.vector_load %arg20[%swap3A_189, %swap3A_190] {strides = array<i32>} : memref<40x144xf32, #tpu.memory_space<vmem>>, vector<16xf32>,
      tpu.vector_store %arg20[%swap3A_189, %swap3A_190], %convert_element_type3A_6 {strides = array<i32>} : memref<40x144xf32, #tpu.memory_space<vmem>>, vector<16xf32>,
      %scan3A_192 = arith.constant 0 : i32
      scf.yield %scan3A_192 : i32
    }
    %scan3A_26 = arith.constant 40 : i32
    %barrier3A = arith.constant 0 : index
    tpu.barrier barrier_id(%barrier3A)
    %add3A_27 = arith.constant 0 : i32
    %add3A_28 = arith.addi %mul3A_2, %add3A_27 : i32
    %dma_start3A = arith.constant 0 : i32
    %dma_start3A_29 = tpu.memref_slice %arg2[%dma_start3A, %add3A_28] : memref<2x320000xi32, #tpu.memory_space<hbm>> -> memref<2x40xi32, #tpu.memory_space<hbm>>
    %dma_start3A_30 = arith.constant 0 : i32
    %dma_start3A_31 = tpu.memref_slice %arg2[%dma_start3A_30, %add3A_28] : memref<2x320000xi32, #tpu.memory_space<hbm>> -> memref<2x40xi32, #tpu.memory_space<hbm>>
    tpu.enqueue_dma source(%dma_start3A_31 : memref<2x40xi32, #tpu.memory_space<hbm>>) target(%arg7 : memref<2x40xi32, #tpu.memory_space<vmem>>) target_semaphore(%arg22 : memref<!tpu.dma_semaphore, #tpu.memory_space<semaphore_mem>>)
    %add3A_32 = arith.constant 40 : i32
    %add3A_33 = arith.addi %mul3A_2, %add3A_32 : i32
    %dma_start3A_34 = arith.constant 0 : i32
    %dma_start3A_35 = tpu.memref_slice %arg2[%dma_start3A_34, %add3A_33] : memref<2x320000xi32, #tpu.memory_space<hbm>> -> memref<2x40xi32, #tpu.memory_space<hbm>>
    %dma_start3A_36 = arith.constant 0 : i32
    %dma_start3A_37 = tpu.memref_slice %arg2[%dma_start3A_36, %add3A_33] : memref<2x320000xi32, #tpu.memory_space<hbm>> -> memref<2x40xi32, #tpu.memory_space<hbm>>
    tpu.enqueue_dma source(%dma_start3A_37 : memref<2x40xi32, #tpu.memory_space<hbm>>) target(%arg8 : memref<2x40xi32, #tpu.memory_space<vmem>>) target_semaphore(%arg23 : memref<!tpu.dma_semaphore, #tpu.memory_space<semaphore_mem>>)
    %add3A_38 = arith.constant 0 : i32
    %add3A_39 = arith.addi %mul3A_2, %add3A_38 : i32
    %dma_start3A_40 = arith.constant 0 : i32
    %dma_start3A_41 = tpu.memref_slice %arg3[%add3A_39, %dma_start3A_40] : memref<320000x128xbf16, #tpu.memory_space<hbm>> -> memref<40x128xbf16, #tpu.memory_space<hbm>>
    %dma_start3A_42 = arith.constant 0 : i32
    %dma_start3A_43 = tpu.memref_slice %arg3[%add3A_39, %dma_start3A_42] : memref<320000x128xbf16, #tpu.memory_space<hbm>> -> memref<40x128xbf16, #tpu.memory_space<hbm>>
    tpu.enqueue_dma source(%dma_start3A_43 : memref<40x128xbf16, #tpu.memory_space<hbm>>) target(%arg11 : memref<40x128xbf16, #tpu.memory_space<vmem>>) target_semaphore(%arg26 : memref<!tpu.dma_semaphore, #tpu.memory_space<semaphore_mem>>)
    %add3A_44 = arith.constant 40 : i32
    %add3A_45 = arith.addi %mul3A_2, %add3A_44 : i32
    %dma_start3A_46 = arith.constant 0 : i32
    %dma_start3A_47 = tpu.memref_slice %arg3[%add3A_45, %dma_start3A_46] : memref<320000x128xbf16, #tpu.memory_space<hbm>> -> memref<40x128xbf16, #tpu.memory_space<hbm>>
    %dma_start3A_48 = arith.constant 0 : i32
    %dma_start3A_49 = tpu.memref_slice %arg3[%add3A_45, %dma_start3A_48] : memref<320000x128xbf16, #tpu.memory_space<hbm>> -> memref<40x128xbf16, #tpu.memory_space<hbm>>
    tpu.enqueue_dma source(%dma_start3A_49 : memref<40x128xbf16, #tpu.memory_space<hbm>>) target(%arg12 : memref<40x128xbf16, #tpu.memory_space<vmem>>) target_semaphore(%arg27 : memref<!tpu.dma_semaphore, #tpu.memory_space<semaphore_mem>>)
    %dma_wait3A = arith.constant 0 : i32
    %dma_wait3A_50 = tpu.memref_slice %arg2[%dma_wait3A, %mul3A_2] : memref<2x320000xi32, #tpu.memory_space<hbm>> -> memref<2x40xi32, #tpu.memory_space<hbm>>
    %dma_wait3A_51 = arith.constant 0 : i32
    %dma_wait3A_52 = tpu.memref_slice %arg2[%dma_wait3A_51, %mul3A_2] : memref<2x320000xi32, #tpu.memory_space<hbm>> -> memref<2x40xi32, #tpu.memory_space<hbm>>
    tpu.wait_dma2 semaphore(%arg22 : memref<!tpu.dma_semaphore, #tpu.memory_space<semaphore_mem>>) src(%dma_wait3A_52 : memref<2x40xi32, #tpu.memory_space<hbm>>) dst(%arg7 : memref<2x40xi32, #tpu.memory_space<vmem>>)
    %dma_start3A_53 = arith.constant 1 : i32
    %dma_start3A_54 = arith.constant 0 : i32
    %dma_start3A_55 = tpu.memref_slice %arg7[%dma_start3A_53, %dma_start3A_54] : memref<2x40xi32, #tpu.memory_space<vmem>> -> memref<1x40xi32, #tpu.memory_space<vmem>>
    %dma_start3A_56 = tpu.memref_squeeze %dma_start3A_55 : memref<1x40xi32, #tpu.memory_space<vmem>> -> memref<40xi32, #tpu.memory_space<vmem>>
    %dma_start3A_57 = arith.constant 0 : i32
    %dma_start3A_58 = arith.constant 0 : i32
    %dma_start3A_59 = tpu.memref_slice %arg4[%dma_start3A_57, %dma_start3A_58] : memref<2048x128xbf16, #tpu.memory_space<hbm>> -> memref<2048x128xbf16, #tpu.memory_space<hbm>>
    tpu.enqueue_indirect_dma source(%dma_start3A_59 : memref<2048x128xbf16, #tpu.memory_space<hbm>>) target(%arg15 : memref<40x128xbf16, #tpu.memory_space<vmem>>) offsets(%dma_start3A_56 : memref<40xi32, #tpu.memory_space<vmem>>) semaphore(%arg30 : memref<!tpu.dma_semaphore, #tpu.memory_space<semaphore_mem>>)
    %dma_wait3A_60 = arith.constant 0 : i32
    %dma_wait3A_61 = tpu.memref_slice %arg2[%dma_wait3A_60, %mul3A_2] : memref<2x320000xi32, #tpu.memory_space<hbm>> -> memref<2x40xi32, #tpu.memory_space<hbm>>
    %dma_wait3A_62 = arith.constant 0 : i32
    %dma_wait3A_63 = tpu.memref_slice %arg2[%dma_wait3A_62, %mul3A_2] : memref<2x320000xi32, #tpu.memory_space<hbm>> -> memref<2x40xi32, #tpu.memory_space<hbm>>
    tpu.wait_dma2 semaphore(%arg23 : memref<!tpu.dma_semaphore, #tpu.memory_space<semaphore_mem>>) src(%dma_wait3A_63 : memref<2x40xi32, #tpu.memory_space<hbm>>) dst(%arg8 : memref<2x40xi32, #tpu.memory_space<vmem>>)
    %dma_start3A_64 = arith.constant 1 : i32
    %dma_start3A_65 = arith.constant 0 : i32
    %dma_start3A_66 = tpu.memref_slice %arg8[%dma_start3A_64, %dma_start3A_65] : memref<2x40xi32, #tpu.memory_space<vmem>> -> memref<1x40xi32, #tpu.memory_space<vmem>>
    %dma_start3A_67 = tpu.memref_squeeze %dma_start3A_66 : memref<1x40xi32, #tpu.memory_space<vmem>> -> memref<40xi32, #tpu.memory_space<vmem>>
    %dma_start3A_68 = arith.constant 0 : i32
    %dma_start3A_69 = arith.constant 0 : i32
    %dma_start3A_70 = tpu.memref_slice %arg4[%dma_start3A_68, %dma_start3A_69] : memref<2048x128xbf16, #tpu.memory_space<hbm>> -> memref<2048x128xbf16, #tpu.memory_space<hbm>>
    tpu.enqueue_indirect_dma source(%dma_start3A_70 : memref<2048x128xbf16, #tpu.memory_space<hbm>>) target(%arg16 : memref<40x128xbf16, #tpu.memory_space<vmem>>) offsets(%dma_start3A_67 : memref<40xi32, #tpu.memory_space<vmem>>) semaphore(%arg31 : memref<!tpu.dma_semaphore, #tpu.memory_space<semaphore_mem>>)
    %dma_wait3A_71 = arith.constant 0 : i32
    %dma_wait3A_72 = tpu.memref_slice %arg3[%mul3A_2, %dma_wait3A_71] : memref<320000x128xbf16, #tpu.memory_space<hbm>> -> memref<40x128xbf16, #tpu.memory_space<hbm>>
    %dma_wait3A_73 = arith.constant 0 : i32
    %dma_wait3A_74 = tpu.memref_slice %arg3[%mul3A_2, %dma_wait3A_73] : memref<320000x128xbf16, #tpu.memory_space<hbm>> -> memref<40x128xbf16, #tpu.memory_space<hbm>>
    tpu.wait_dma2 semaphore(%arg26 : memref<!tpu.dma_semaphore, #tpu.memory_space<semaphore_mem>>) src(%dma_wait3A_74 : memref<40x128xbf16, #tpu.memory_space<hbm>>) dst(%arg11 : memref<40x128xbf16, #tpu.memory_space<vmem>>)
    %dma_wait3A_75 = arith.constant 1 : i32
    %dma_wait3A_76 = arith.constant 0 : i32
    %dma_wait3A_77 = tpu.memref_slice %arg7[%dma_wait3A_75, %dma_wait3A_76] : memref<2x40xi32, #tpu.memory_space<vmem>> -> memref<1x40xi32, #tpu.memory_space<vmem>>
    %dma_wait3A_78 = tpu.memref_squeeze %dma_wait3A_77 : memref<1x40xi32, #tpu.memory_space<vmem>> -> memref<40xi32, #tpu.memory_space<vmem>>
    %dma_wait3A_79 = arith.constant 0 : i32
    %dma_wait3A_80 = arith.constant 0 : i32
    %dma_wait3A_81 = tpu.memref_slice %arg4[%dma_wait3A_79, %dma_wait3A_80] : memref<2048x128xbf16, #tpu.memory_space<hbm>> -> memref<2048x128xbf16, #tpu.memory_space<hbm>>
    tpu.wait_indirect_dma semaphore(%arg30 : memref<!tpu.dma_semaphore, #tpu.memory_space<semaphore_mem>>) src(%dma_wait3A_81 : memref<2048x128xbf16, #tpu.memory_space<hbm>>) dst(%arg15 : memref<40x128xbf16, #tpu.memory_space<vmem>>)
    %add3A_82 = arith.constant 80 : i32
    %add3A_83 = arith.addi %mul3A_2, %add3A_82 : i32
    %dma_start3A_84 = arith.constant 0 : i32
    %dma_start3A_85 = tpu.memref_slice %arg2[%dma_start3A_84, %add3A_83] : memref<2x320000xi32, #tpu.memory_space<hbm>> -> memref<2x40xi32, #tpu.memory_space<hbm>>
    %dma_start3A_86 = arith.constant 0 : i32
    %dma_start3A_87 = tpu.memref_slice %arg2[%dma_start3A_86, %add3A_83] : memref<2x320000xi32, #tpu.memory_space<hbm>> -> memref<2x40xi32, #tpu.memory_space<hbm>>
    tpu.enqueue_dma source(%dma_start3A_87 : memref<2x40xi32, #tpu.memory_space<hbm>>) target(%arg9 : memref<2x40xi32, #tpu.memory_space<vmem>>) target_semaphore(%arg24 : memref<!tpu.dma_semaphore, #tpu.memory_space<semaphore_mem>>)
    %add3A_88 = arith.constant 80 : i32
    %add3A_89 = arith.addi %mul3A_2, %add3A_88 : i32
    %dma_start3A_90 = arith.constant 0 : i32
    %dma_start3A_91 = tpu.memref_slice %arg3[%add3A_89, %dma_start3A_90] : memref<320000x128xbf16, #tpu.memory_space<hbm>> -> memref<40x128xbf16, #tpu.memory_space<hbm>>
    %dma_start3A_92 = arith.constant 0 : i32
    %dma_start3A_93 = tpu.memref_slice %arg3[%add3A_89, %dma_start3A_92] : memref<320000x128xbf16, #tpu.memory_space<hbm>> -> memref<40x128xbf16, #tpu.memory_space<hbm>>
    tpu.enqueue_dma source(%dma_start3A_93 : memref<40x128xbf16, #tpu.memory_space<hbm>>) target(%arg13 : memref<40x128xbf16, #tpu.memory_space<vmem>>) target_semaphore(%arg28 : memref<!tpu.dma_semaphore, #tpu.memory_space<semaphore_mem>>)
    %scan3A_94 = arith.constant 0 : i32
    %scan3A_95 = arith.constant 0 : i32
    %scan3A_96 = arith.constant 20 : i32
    %scan3A_97 = arith.addi %scan3A_95, %scan3A_96 : i32
    %scan3A_98 = arith.constant 1 : i32
    %scan3A_99 = scf.for %scan3A_185 = %scan3A_95 to %scan3A_97 step %scan3A_98 iter_args(%scan3A_186 = %scan3A_94) -> (i32)  : i32 {
      %mul3A_187 = arith.constant 2 : i32
      %mul3A_188 = arith.muli %scan3A_185, %mul3A_187 : i32
      %add3A_189 = arith.constant 0 : i32
      %add3A_190 = arith.addi %mul3A_188, %add3A_189 : i32
      %get3A = arith.index_cast %add3A_190 : i32 to index
      %get3A_191 = arith.constant 0 : index
      %get3A_192 = tpu.vector_load %arg11[%get3A, %get3A_191] {strides = array<i32>} : memref<40x128xbf16, #tpu.memory_space<vmem>>, vector<32xbf16>,
      %get3A_193 = arith.index_cast %add3A_190 : i32 to index
      %get3A_194 = arith.constant 0 : index
      %get3A_195 = tpu.vector_load %arg15[%get3A_193, %get3A_194] {strides = array<i32>} : memref<40x128xbf16, #tpu.memory_space<vmem>>, vector<32xbf16>,
      %mul3A_196 = arith.mulf %get3A_192, %get3A_195 : vector<32xbf16>
      %unpack3A = tpu.unpack_subelements %mul3A_196, 0 {pack_format = #tpu.pack_format<interleaved>} : vector<32xbf16> -> vector<16xf32>
      %unpack3A_197 = tpu.unpack_subelements %mul3A_196, 1 {pack_format = #tpu.pack_format<interleaved>} : vector<32xbf16> -> vector<16xf32>
      %swap3A = arith.index_cast %add3A_190 : i32 to index
      %swap3A_198 = arith.constant 0 : index
      %swap3A_199 = tpu.vector_load %arg19[%swap3A, %swap3A_198] {strides = array<i32>} : memref<40x144xf32, #tpu.memory_space<vmem>>, vector<16xf32>,
      tpu.vector_store %arg19[%swap3A, %swap3A_198], %unpack3A {strides = array<i32>} : memref<40x144xf32, #tpu.memory_space<vmem>>, vector<16xf32>,
      %swap3A_200 = arith.index_cast %add3A_190 : i32 to index
      %swap3A_201 = arith.constant 16 : index
      %swap3A_202 = tpu.vector_load %arg19[%swap3A_200, %swap3A_201] {strides = array<i32>} : memref<40x144xf32, #tpu.memory_space<vmem>>, vector<16xf32>,
      tpu.vector_store %arg19[%swap3A_200, %swap3A_201], %unpack3A_197 {strides = array<i32>} : memref<40x144xf32, #tpu.memory_space<vmem>>, vector<16xf32>,
      %get3A_203 = arith.index_cast %add3A_190 : i32 to index
      %get3A_204 = arith.constant 32 : index
      %get3A_205 = tpu.vector_load %arg11[%get3A_203, %get3A_204] {strides = array<i32>} : memref<40x128xbf16, #tpu.memory_space<vmem>>, vector<32xbf16>,
      %get3A_206 = arith.index_cast %add3A_190 : i32 to index
      %get3A_207 = arith.constant 32 : index
      %get3A_208 = tpu.vector_load %arg15[%get3A_206, %get3A_207] {strides = array<i32>} : memref<40x128xbf16, #tpu.memory_space<vmem>>, vector<32xbf16>,
      %mul3A_209 = arith.mulf %get3A_205, %get3A_208 : vector<32xbf16>
      %unpack3A_210 = tpu.unpack_subelements %mul3A_209, 0 {pack_format = #tpu.pack_format<interleaved>} : vector<32xbf16> -> vector<16xf32>
      %unpack3A_211 = tpu.unpack_subelements %mul3A_209, 1 {pack_format = #tpu.pack_format<interleaved>} : vector<32xbf16> -> vector<16xf32>
      %swap3A_212 = arith.index_cast %add3A_190 : i32 to index
      %swap3A_213 = arith.constant 32 : index
      %swap3A_214 = tpu.vector_load %arg19[%swap3A_212, %swap3A_213] {strides = array<i32>} : memref<40x144xf32, #tpu.memory_space<vmem>>, vector<16xf32>,
      tpu.vector_store %arg19[%swap3A_212, %swap3A_213], %unpack3A_210 {strides = array<i32>} : memref<40x144xf32, #tpu.memory_space<vmem>>, vector<16xf32>,
      %swap3A_215 = arith.index_cast %add3A_190 : i32 to index
      %swap3A_216 = arith.constant 48 : index
      %swap3A_217 = tpu.vector_load %arg19[%swap3A_215, %swap3A_216] {strides = array<i32>} : memref<40x144xf32, #tpu.memory_space<vmem>>, vector<16xf32>,
      tpu.vector_store %arg19[%swap3A_215, %swap3A_216], %unpack3A_211 {strides = array<i32>} : memref<40x144xf32, #tpu.memory_space<vmem>>, vector<16xf32>,
      %get3A_218 = arith.index_cast %add3A_190 : i32 to index
      %get3A_219 = arith.constant 64 : index
      %get3A_220 = tpu.vector_load %arg11[%get3A_218, %get3A_219] {strides = array<i32>} : memref<40x128xbf16, #tpu.memory_space<vmem>>, vector<32xbf16>,
      %get3A_221 = arith.index_cast %add3A_190 : i32 to index
      %get3A_222 = arith.constant 64 : index
      %get3A_223 = tpu.vector_load %arg15[%get3A_221, %get3A_222] {strides = array<i32>} : memref<40x128xbf16, #tpu.memory_space<vmem>>, vector<32xbf16>,
      %mul3A_224 = arith.mulf %get3A_220, %get3A_223 : vector<32xbf16>
      %unpack3A_225 = tpu.unpack_subelements %mul3A_224, 0 {pack_format = #tpu.pack_format<interleaved>} : vector<32xbf16> -> vector<16xf32>
      %unpack3A_226 = tpu.unpack_subelements %mul3A_224, 1 {pack_format = #tpu.pack_format<interleaved>} : vector<32xbf16> -> vector<16xf32>
      %swap3A_227 = arith.index_cast %add3A_190 : i32 to index
      %swap3A_228 = arith.constant 64 : index
      %swap3A_229 = tpu.vector_load %arg19[%swap3A_227, %swap3A_228] {strides = array<i32>} : memref<40x144xf32, #tpu.memory_space<vmem>>, vector<16xf32>,
      tpu.vector_store %arg19[%swap3A_227, %swap3A_228], %unpack3A_225 {strides = array<i32>} : memref<40x144xf32, #tpu.memory_space<vmem>>, vector<16xf32>,
      %swap3A_230 = arith.index_cast %add3A_190 : i32 to index
      %swap3A_231 = arith.constant 80 : index
      %swap3A_232 = tpu.vector_load %arg19[%swap3A_230, %swap3A_231] {strides = array<i32>} : memref<40x144xf32, #tpu.memory_space<vmem>>, vector<16xf32>,
      tpu.vector_store %arg19[%swap3A_230, %swap3A_231], %unpack3A_226 {strides = array<i32>} : memref<40x144xf32, #tpu.memory_space<vmem>>, vector<16xf32>,
      %get3A_233 = arith.index_cast %add3A_190 : i32 to index
      %get3A_234 = arith.constant 96 : index
      %get3A_235 = tpu.vector_load %arg11[%get3A_233, %get3A_234] {strides = array<i32>} : memref<40x128xbf16, #tpu.memory_space<vmem>>, vector<32xbf16>,
      %get3A_236 = arith.index_cast %add3A_190 : i32 to index
      %get3A_237 = arith.constant 96 : index
      %get3A_238 = tpu.vector_load %arg15[%get3A_236, %get3A_237] {strides = array<i32>} : memref<40x128xbf16, #tpu.memory_space<vmem>>, vector<32xbf16>,
      %mul3A_239 = arith.mulf %get3A_235, %get3A_238 : vector<32xbf16>
      %unpack3A_240 = tpu.unpack_subelements %mul3A_239, 0 {pack_format = #tpu.pack_format<interleaved>} : vector<32xbf16> -> vector<16xf32>
      %unpack3A_241 = tpu.unpack_subelements %mul3A_239, 1 {pack_format = #tpu.pack_format<interleaved>} : vector<32xbf16> -> vector<16xf32>
      %swap3A_242 = arith.index_cast %add3A_190 : i32 to index
      %swap3A_243 = arith.constant 96 : index
      %swap3A_244 = tpu.vector_load %arg19[%swap3A_242, %swap3A_243] {strides = array<i32>} : memref<40x144xf32, #tpu.memory_space<vmem>>, vector<16xf32>,
      tpu.vector_store %arg19[%swap3A_242, %swap3A_243], %unpack3A_240 {strides = array<i32>} : memref<40x144xf32, #tpu.memory_space<vmem>>, vector<16xf32>,
      %swap3A_245 = arith.index_cast %add3A_190 : i32 to index
      %swap3A_246 = arith.constant 112 : index
      %swap3A_247 = tpu.vector_load %arg19[%swap3A_245, %swap3A_246] {strides = array<i32>} : memref<40x144xf32, #tpu.memory_space<vmem>>, vector<16xf32>,
      tpu.vector_store %arg19[%swap3A_245, %swap3A_246], %unpack3A_241 {strides = array<i32>} : memref<40x144xf32, #tpu.memory_space<vmem>>, vector<16xf32>,
      %mul3A_248 = arith.constant 2 : i32
      %mul3A_249 = arith.muli %scan3A_185, %mul3A_248 : i32
      %add3A_250 = arith.constant 1 : i32
      %add3A_251 = arith.addi %mul3A_249, %add3A_250 : i32
      %get3A_252 = arith.index_cast %add3A_251 : i32 to index
      %get3A_253 = arith.constant 0 : index
      %get3A_254 = tpu.vector_load %arg11[%get3A_252, %get3A_253] {strides = array<i32>} : memref<40x128xbf16, #tpu.memory_space<vmem>>, vector<32xbf16>,
      %get3A_255 = arith.index_cast %add3A_251 : i32 to index
      %get3A_256 = arith.constant 0 : index
      %get3A_257 = tpu.vector_load %arg15[%get3A_255, %get3A_256] {strides = array<i32>} : memref<40x128xbf16, #tpu.memory_space<vmem>>, vector<32xbf16>,
      %mul3A_258 = arith.mulf %get3A_254, %get3A_257 : vector<32xbf16>
      %unpack3A_259 = tpu.unpack_subelements %mul3A_258, 0 {pack_format = #tpu.pack_format<interleaved>} : vector<32xbf16> -> vector<16xf32>
      %unpack3A_260 = tpu.unpack_subelements %mul3A_258, 1 {pack_format = #tpu.pack_format<interleaved>} : vector<32xbf16> -> vector<16xf32>
      %swap3A_261 = arith.index_cast %add3A_251 : i32 to index
      %swap3A_262 = arith.constant 0 : index
      %swap3A_263 = tpu.vector_load %arg19[%swap3A_261, %swap3A_262] {strides = array<i32>} : memref<40x144xf32, #tpu.memory_space<vmem>>, vector<16xf32>,
      tpu.vector_store %arg19[%swap3A_261, %swap3A_262], %unpack3A_259 {strides = array<i32>} : memref<40x144xf32, #tpu.memory_space<vmem>>, vector<16xf32>,
      %swap3A_264 = arith.index_cast %add3A_251 : i32 to index
      %swap3A_265 = arith.constant 16 : index
      %swap3A_266 = tpu.vector_load %arg19[%swap3A_264, %swap3A_265] {strides = array<i32>} : memref<40x144xf32, #tpu.memory_space<vmem>>, vector<16xf32>,
      tpu.vector_store %arg19[%swap3A_264, %swap3A_265], %unpack3A_260 {strides = array<i32>} : memref<40x144xf32, #tpu.memory_space<vmem>>, vector<16xf32>,
      %get3A_267 = arith.index_cast %add3A_251 : i32 to index
      %get3A_268 = arith.constant 32 : index
      %get3A_269 = tpu.vector_load %arg11[%get3A_267, %get3A_268] {strides = array<i32>} : memref<40x128xbf16, #tpu.memory_space<vmem>>, vector<32xbf16>,
      %get3A_270 = arith.index_cast %add3A_251 : i32 to index
      %get3A_271 = arith.constant 32 : index
      %get3A_272 = tpu.vector_load %arg15[%get3A_270, %get3A_271] {strides = array<i32>} : memref<40x128xbf16, #tpu.memory_space<vmem>>, vector<32xbf16>,
      %mul3A_273 = arith.mulf %get3A_269, %get3A_272 : vector<32xbf16>
      %unpack3A_274 = tpu.unpack_subelements %mul3A_273, 0 {pack_format = #tpu.pack_format<interleaved>} : vector<32xbf16> -> vector<16xf32>
      %unpack3A_275 = tpu.unpack_subelements %mul3A_273, 1 {pack_format = #tpu.pack_format<interleaved>} : vector<32xbf16> -> vector<16xf32>
      %swap3A_276 = arith.index_cast %add3A_251 : i32 to index
      %swap3A_277 = arith.constant 32 : index
      %swap3A_278 = tpu.vector_load %arg19[%swap3A_276, %swap3A_277] {strides = array<i32>} : memref<40x144xf32, #tpu.memory_space<vmem>>, vector<16xf32>,
      tpu.vector_store %arg19[%swap3A_276, %swap3A_277], %unpack3A_274 {strides = array<i32>} : memref<40x144xf32, #tpu.memory_space<vmem>>, vector<16xf32>,
      %swap3A_279 = arith.index_cast %add3A_251 : i32 to index
      %swap3A_280 = arith.constant 48 : index
      %swap3A_281 = tpu.vector_load %arg19[%swap3A_279, %swap3A_280] {strides = array<i32>} : memref<40x144xf32, #tpu.memory_space<vmem>>, vector<16xf32>,
      tpu.vector_store %arg19[%swap3A_279, %swap3A_280], %unpack3A_275 {strides = array<i32>} : memref<40x144xf32, #tpu.memory_space<vmem>>, vector<16xf32>,
      %get3A_282 = arith.index_cast %add3A_251 : i32 to index
      %get3A_283 = arith.constant 64 : index
      %get3A_284 = tpu.vector_load %arg11[%get3A_282, %get3A_283] {strides = array<i32>} : memref<40x128xbf16, #tpu.memory_space<vmem>>, vector<32xbf16>,
      %get3A_285 = arith.index_cast %add3A_251 : i32 to index
      %get3A_286 = arith.constant 64 : index
      %get3A_287 = tpu.vector_load %arg15[%get3A_285, %get3A_286] {strides = array<i32>} : memref<40x128xbf16, #tpu.memory_space<vmem>>, vector<32xbf16>,
      %mul3A_288 = arith.mulf %get3A_284, %get3A_287 : vector<32xbf16>
      %unpack3A_289 = tpu.unpack_subelements %mul3A_288, 0 {pack_format = #tpu.pack_format<interleaved>} : vector<32xbf16> -> vector<16xf32>
      %unpack3A_290 = tpu.unpack_subelements %mul3A_288, 1 {pack_format = #tpu.pack_format<interleaved>} : vector<32xbf16> -> vector<16xf32>
      %swap3A_291 = arith.index_cast %add3A_251 : i32 to index
      %swap3A_292 = arith.constant 64 : index
      %swap3A_293 = tpu.vector_load %arg19[%swap3A_291, %swap3A_292] {strides = array<i32>} : memref<40x144xf32, #tpu.memory_space<vmem>>, vector<16xf32>,
      tpu.vector_store %arg19[%swap3A_291, %swap3A_292], %unpack3A_289 {strides = array<i32>} : memref<40x144xf32, #tpu.memory_space<vmem>>, vector<16xf32>,
      %swap3A_294 = arith.index_cast %add3A_251 : i32 to index
      %swap3A_295 = arith.constant 80 : index
      %swap3A_296 = tpu.vector_load %arg19[%swap3A_294, %swap3A_295] {strides = array<i32>} : memref<40x144xf32, #tpu.memory_space<vmem>>, vector<16xf32>,
      tpu.vector_store %arg19[%swap3A_294, %swap3A_295], %unpack3A_290 {strides = array<i32>} : memref<40x144xf32, #tpu.memory_space<vmem>>, vector<16xf32>,
      %get3A_297 = arith.index_cast %add3A_251 : i32 to index
      %get3A_298 = arith.constant 96 : index
      %get3A_299 = tpu.vector_load %arg11[%get3A_297, %get3A_298] {strides = array<i32>} : memref<40x128xbf16, #tpu.memory_space<vmem>>, vector<32xbf16>,
      %get3A_300 = arith.index_cast %add3A_251 : i32 to index
      %get3A_301 = arith.constant 96 : index
      %get3A_302 = tpu.vector_load %arg15[%get3A_300, %get3A_301] {strides = array<i32>} : memref<40x128xbf16, #tpu.memory_space<vmem>>, vector<32xbf16>,
      %mul3A_303 = arith.mulf %get3A_299, %get3A_302 : vector<32xbf16>
      %unpack3A_304 = tpu.unpack_subelements %mul3A_303, 0 {pack_format = #tpu.pack_format<interleaved>} : vector<32xbf16> -> vector<16xf32>
      %unpack3A_305 = tpu.unpack_subelements %mul3A_303, 1 {pack_format = #tpu.pack_format<interleaved>} : vector<32xbf16> -> vector<16xf32>
      %swap3A_306 = arith.index_cast %add3A_251 : i32 to index
      %swap3A_307 = arith.constant 96 : index
      %swap3A_308 = tpu.vector_load %arg19[%swap3A_306, %swap3A_307] {strides = array<i32>} : memref<40x144xf32, #tpu.memory_space<vmem>>, vector<16xf32>,
      tpu.vector_store %arg19[%swap3A_306, %swap3A_307], %unpack3A_304 {strides = array<i32>} : memref<40x144xf32, #tpu.memory_space<vmem>>, vector<16xf32>,
      %swap3A_309 = arith.index_cast %add3A_251 : i32 to index
      %swap3A_310 = arith.constant 112 : index
      %swap3A_311 = tpu.vector_load %arg19[%swap3A_309, %swap3A_310] {strides = array<i32>} : memref<40x144xf32, #tpu.memory_space<vmem>>, vector<16xf32>,
      tpu.vector_store %arg19[%swap3A_309, %swap3A_310], %unpack3A_305 {strides = array<i32>} : memref<40x144xf32, #tpu.memory_space<vmem>>, vector<16xf32>,
      %scan3A_312 = arith.constant 0 : i32
      scf.yield %scan3A_312 : i32
    }
    %scan3A_100 = arith.constant 20 : i32
    %dma_start3A_101 = arith.constant 0 : i32
    %dma_start3A_102 = arith.constant 0 : i32
    %dma_start3A_103 = tpu.memref_slice %arg7[%dma_start3A_101, %dma_start3A_102] : memref<2x40xi32, #tpu.memory_space<vmem>> -> memref<1x40xi32, #tpu.memory_space<vmem>>
    %dma_start3A_104 = tpu.memref_squeeze %dma_start3A_103 : memref<1x40xi32, #tpu.memory_space<vmem>> -> memref<40xi32, #tpu.memory_space<vmem>>
    %dma_start3A_105 = arith.constant 0 : i32
    %dma_start3A_106 = arith.constant 0 : i32
    %dma_start3A_107 = tpu.memref_slice %arg21[%dma_start3A_105, %dma_start3A_106] : memref<10240x144xf32, #tpu.memory_space<vmem_shared>> -> memref<10240x144xf32, #tpu.memory_space<vmem_shared>>
    tpu.enqueue_indirect_dma source(%arg19 : memref<40x144xf32, #tpu.memory_space<vmem>>) target(%dma_start3A_107 : memref<10240x144xf32, #tpu.memory_space<vmem_shared>>) offsets(%dma_start3A_104 : memref<40xi32, #tpu.memory_space<vmem>>) semaphore(%arg34 : memref<!tpu.dma_semaphore, #tpu.memory_space<semaphore_mem>>) {add = true}
    %dma_wait3A_108 = arith.constant 0 : i32
    %dma_wait3A_109 = tpu.memref_slice %arg2[%dma_wait3A_108, %mul3A_2] : memref<2x320000xi32, #tpu.memory_space<hbm>> -> memref<2x40xi32, #tpu.memory_space<hbm>>
    %dma_wait3A_110 = arith.constant 0 : i32
    %dma_wait3A_111 = tpu.memref_slice %arg2[%dma_wait3A_110, %mul3A_2] : memref<2x320000xi32, #tpu.memory_space<hbm>> -> memref<2x40xi32, #tpu.memory_space<hbm>>
    tpu.wait_dma2 semaphore(%arg24 : memref<!tpu.dma_semaphore, #tpu.memory_space<semaphore_mem>>) src(%dma_wait3A_111 : memref<2x40xi32, #tpu.memory_space<hbm>>) dst(%arg9 : memref<2x40xi32, #tpu.memory_space<vmem>>)
    %dma_start3A_112 = arith.constant 1 : i32
    %dma_start3A_113 = arith.constant 0 : i32
    %dma_start3A_114 = tpu.memref_slice %arg9[%dma_start3A_112, %dma_start3A_113] : memref<2x40xi32, #tpu.memory_space<vmem>> -> memref<1x40xi32, #tpu.memory_space<vmem>>
    %dma_start3A_115 = tpu.memref_squeeze %dma_start3A_114 : memref<1x40xi32, #tpu.memory_space<vmem>> -> memref<40xi32, #tpu.memory_space<vmem>>
    %dma_start3A_116 = arith.constant 0 : i32
    %dma_start3A_117 = arith.constant 0 : i32
    %dma_start3A_118 = tpu.memref_slice %arg4[%dma_start3A_116, %dma_start3A_117] : memref<2048x128xbf16, #tpu.memory_space<hbm>> -> memref<2048x128xbf16, #tpu.memory_space<hbm>>
    tpu.enqueue_indirect_dma source(%dma_start3A_118 : memref<2048x128xbf16, #tpu.memory_space<hbm>>) target(%arg17 : memref<40x128xbf16, #tpu.memory_space<vmem>>) offsets(%dma_start3A_115 : memref<40xi32, #tpu.memory_space<vmem>>) semaphore(%arg32 : memref<!tpu.dma_semaphore, #tpu.memory_space<semaphore_mem>>)
    %dma_wait3A_119 = arith.constant 0 : i32
    %dma_wait3A_120 = tpu.memref_slice %arg3[%mul3A_2, %dma_wait3A_119] : memref<320000x128xbf16, #tpu.memory_space<hbm>> -> memref<40x128xbf16, #tpu.memory_space<hbm>>
    %dma_wait3A_121 = arith.constant 0 : i32
    %dma_wait3A_122 = tpu.memref_slice %arg3[%mul3A_2, %dma_wait3A_121] : memref<320000x128xbf16, #tpu.memory_space<hbm>> -> memref<40x128xbf16, #tpu.memory_space<hbm>>
    tpu.wait_dma2 semaphore(%arg27 : memref<!tpu.dma_semaphore, #tpu.memory_space<semaphore_mem>>) src(%dma_wait3A_122 : memref<40x128xbf16, #tpu.memory_space<hbm>>) dst(%arg12 : memref<40x128xbf16, #tpu.memory_space<vmem>>)
    %dma_wait3A_123 = arith.constant 1 : i32
    %dma_wait3A_124 = arith.constant 0 : i32
    %dma_wait3A_125 = tpu.memref_slice %arg8[%dma_wait3A_123, %dma_wait3A_124] : memref<2x40xi32, #tpu.memory_space<vmem>> -> memref<1x40xi32, #tpu.memory_space<vmem>>
    %dma_wait3A_126 = tpu.memref_squeeze %dma_wait3A_125 : memref<1x40xi32, #tpu.memory_space<vmem>> -> memref<40xi32, #tpu.memory_space<vmem>>
    %dma_wait3A_127 = arith.constant 0 : i32
    %dma_wait3A_128 = arith.constant 0 : i32
    %dma_wait3A_129 = tpu.memref_slice %arg4[%dma_wait3A_127, %dma_wait3A_128] : memref<2048x128xbf16, #tpu.memory_space<hbm>> -> memref<2048x128xbf16, #tpu.memory_space<hbm>>
    tpu.wait_indirect_dma semaphore(%arg31 : memref<!tpu.dma_semaphore, #tpu.memory_space<semaphore_mem>>) src(%dma_wait3A_129 : memref<2048x128xbf16, #tpu.memory_space<hbm>>) dst(%arg16 : memref<40x128xbf16, #tpu.memory_space<vmem>>)
    %add3A_130 = arith.constant 120 : i32
    %add3A_131 = arith.addi %mul3A_2, %add3A_130 : i32
    %dma_start3A_132 = arith.constant 0 : i32
    %dma_start3A_133 = tpu.memref_slice %arg2[%dma_start3A_132, %add3A_131] : memref<2x320000xi32, #tpu.memory_space<hbm>> -> memref<2x40xi32, #tpu.memory_space<hbm>>
    %dma_start3A_134 = arith.constant 0 : i32
    %dma_start3A_135 = tpu.memref_slice %arg2[%dma_start3A_134, %add3A_131] : memref<2x320000xi32, #tpu.memory_space<hbm>> -> memref<2x40xi32, #tpu.memory_space<hbm>>
    tpu.enqueue_dma source(%dma_start3A_135 : memref<2x40xi32, #tpu.memory_space<hbm>>) target(%arg10 : memref<2x40xi32, #tpu.memory_space<vmem>>) target_semaphore(%arg25 : memref<!tpu.dma_semaphore, #tpu.memory_space<semaphore_mem>>)
    %add3A_136 = arith.constant 120 : i32
    %add3A_137 = arith.addi %mul3A_2, %add3A_136 : i32
    %dma_start3A_138 = arith.constant 0 : i32
    %dma_start3A_139 = tpu.memref_slice %arg3[%add3A_137, %dma_start3A_138] : memref<320000x128xbf16, #tpu.memory_space<hbm>> -> memref<40x128xbf16, #tpu.memory_space<hbm>>
    %dma_start3A_140 = arith.constant 0 : i32
    %dma_start3A_141 = tpu.memref_slice %arg3[%add3A_137, %dma_start3A_140] : memref<320000x128xbf16, #tpu.memory_space<hbm>> -> memref<40x128xbf16, #tpu.memory_space<hbm>>
    tpu.enqueue_dma source(%dma_start3A_141 : memref<40x128xbf16, #tpu.memory_space<hbm>>) target(%arg14 : memref<40x128xbf16, #tpu.memory_space<vmem>>) target_semaphore(%arg29 : memref<!tpu.dma_semaphore, #tpu.memory_space<semaphore_mem>>)
    %scan3A_142 = arith.constant 0 : i32
    %scan3A_143 = arith.constant 0 : i32
    %scan3A_144 = arith.constant 20 : i32
    %scan3A_145 = arith.addi %scan3A_143, %scan3A_144 : i32
    %scan3A_146 = arith.constant 1 : i32
    %scan3A_147 = scf.for %scan3A_185 = %scan3A_143 to %scan3A_145 step %scan3A_146 iter_args(%scan3A_186 = %scan3A_142) -> (i32)  : i32 {
      %mul3A_187 = arith.constant 2 : i32
      %mul3A_188 = arith.muli %scan3A_185, %mul3A_187 : i32
      %add3A_189 = arith.constant 0 : i32
      %add3A_190 = arith.addi %mul3A_188, %add3A_189 : i32
      %get3A = arith.index_cast %add3A_190 : i32 to index
      %get3A_191 = arith.constant 0 : index
      %get3A_192 = tpu.vector_load %arg12[%get3A, %get3A_191] {strides = array<i32>} : memref<40x128xbf16, #tpu.memory_space<vmem>>, vector<32xbf16>,
      %get3A_193 = arith.index_cast %add3A_190 : i32 to index
      %get3A_194 = arith.constant 0 : index
      %get3A_195 = tpu.vector_load %arg16[%get3A_193, %get3A_194] {strides = array<i32>} : memref<40x128xbf16, #tpu.memory_space<vmem>>, vector<32xbf16>,
      %mul3A_196 = arith.mulf %get3A_192, %get3A_195 : vector<32xbf16>
      %unpack3A = tpu.unpack_subelements %mul3A_196, 0 {pack_format = #tpu.pack_format<interleaved>} : vector<32xbf16> -> vector<16xf32>
      %unpack3A_197 = tpu.unpack_subelements %mul3A_196, 1 {pack_format = #tpu.pack_format<interleaved>} : vector<32xbf16> -> vector<16xf32>
      %swap3A = arith.index_cast %add3A_190 : i32 to index
      %swap3A_198 = arith.constant 0 : index
      %swap3A_199 = tpu.vector_load %arg20[%swap3A, %swap3A_198] {strides = array<i32>} : memref<40x144xf32, #tpu.memory_space<vmem>>, vector<16xf32>,
      tpu.vector_store %arg20[%swap3A, %swap3A_198], %unpack3A {strides = array<i32>} : memref<40x144xf32, #tpu.memory_space<vmem>>, vector<16xf32>,
      %swap3A_200 = arith.index_cast %add3A_190 : i32 to index
      %swap3A_201 = arith.constant 16 : index
      %swap3A_202 = tpu.vector_load %arg20[%swap3A_200, %swap3A_201] {strides = array<i32>} : memref<40x144xf32, #tpu.memory_space<vmem>>, vector<16xf32>,
      tpu.vector_store %arg20[%swap3A_200, %swap3A_201], %unpack3A_197 {strides = array<i32>} : memref<40x144xf32, #tpu.memory_space<vmem>>, vector<16xf32>,
      %get3A_203 = arith.index_cast %add3A_190 : i32 to index
      %get3A_204 = arith.constant 32 : index
      %get3A_205 = tpu.vector_load %arg12[%get3A_203, %get3A_204] {strides = array<i32>} : memref<40x128xbf16, #tpu.memory_space<vmem>>, vector<32xbf16>,
      %get3A_206 = arith.index_cast %add3A_190 : i32 to index
      %get3A_207 = arith.constant 32 : index
      %get3A_208 = tpu.vector_load %arg16[%get3A_206, %get3A_207] {strides = array<i32>} : memref<40x128xbf16, #tpu.memory_space<vmem>>, vector<32xbf16>,
      %mul3A_209 = arith.mulf %get3A_205, %get3A_208 : vector<32xbf16>
      %unpack3A_210 = tpu.unpack_subelements %mul3A_209, 0 {pack_format = #tpu.pack_format<interleaved>} : vector<32xbf16> -> vector<16xf32>
      %unpack3A_211 = tpu.unpack_subelements %mul3A_209, 1 {pack_format = #tpu.pack_format<interleaved>} : vector<32xbf16> -> vector<16xf32>
      %swap3A_212 = arith.index_cast %add3A_190 : i32 to index
      %swap3A_213 = arith.constant 32 : index
      %swap3A_214 = tpu.vector_load %arg20[%swap3A_212, %swap3A_213] {strides = array<i32>} : memref<40x144xf32, #tpu.memory_space<vmem>>, vector<16xf32>,
      tpu.vector_store %arg20[%swap3A_212, %swap3A_213], %unpack3A_210 {strides = array<i32>} : memref<40x144xf32, #tpu.memory_space<vmem>>, vector<16xf32>,
      %swap3A_215 = arith.index_cast %add3A_190 : i32 to index
      %swap3A_216 = arith.constant 48 : index
      %swap3A_217 = tpu.vector_load %arg20[%swap3A_215, %swap3A_216] {strides = array<i32>} : memref<40x144xf32, #tpu.memory_space<vmem>>, vector<16xf32>,
      tpu.vector_store %arg20[%swap3A_215, %swap3A_216], %unpack3A_211 {strides = array<i32>} : memref<40x144xf32, #tpu.memory_space<vmem>>, vector<16xf32>,
      %get3A_218 = arith.index_cast %add3A_190 : i32 to index
      %get3A_219 = arith.constant 64 : index
      %get3A_220 = tpu.vector_load %arg12[%get3A_218, %get3A_219] {strides = array<i32>} : memref<40x128xbf16, #tpu.memory_space<vmem>>, vector<32xbf16>,
      %get3A_221 = arith.index_cast %add3A_190 : i32 to index
      %get3A_222 = arith.constant 64 : index
      %get3A_223 = tpu.vector_load %arg16[%get3A_221, %get3A_222] {strides = array<i32>} : memref<40x128xbf16, #tpu.memory_space<vmem>>, vector<32xbf16>,
      %mul3A_224 = arith.mulf %get3A_220, %get3A_223 : vector<32xbf16>
      %unpack3A_225 = tpu.unpack_subelements %mul3A_224, 0 {pack_format = #tpu.pack_format<interleaved>} : vector<32xbf16> -> vector<16xf32>
      %unpack3A_226 = tpu.unpack_subelements %mul3A_224, 1 {pack_format = #tpu.pack_format<interleaved>} : vector<32xbf16> -> vector<16xf32>
      %swap3A_227 = arith.index_cast %add3A_190 : i32 to index
      %swap3A_228 = arith.constant 64 : index
      %swap3A_229 = tpu.vector_load %arg20[%swap3A_227, %swap3A_228] {strides = array<i32>} : memref<40x144xf32, #tpu.memory_space<vmem>>, vector<16xf32>,
      tpu.vector_store %arg20[%swap3A_227, %swap3A_228], %unpack3A_225 {strides = array<i32>} : memref<40x144xf32, #tpu.memory_space<vmem>>, vector<16xf32>,
      %swap3A_230 = arith.index_cast %add3A_190 : i32 to index
      %swap3A_231 = arith.constant 80 : index
      %swap3A_232 = tpu.vector_load %arg20[%swap3A_230, %swap3A_231] {strides = array<i32>} : memref<40x144xf32, #tpu.memory_space<vmem>>, vector<16xf32>,
      tpu.vector_store %arg20[%swap3A_230, %swap3A_231], %unpack3A_226 {strides = array<i32>} : memref<40x144xf32, #tpu.memory_space<vmem>>, vector<16xf32>,
      %get3A_233 = arith.index_cast %add3A_190 : i32 to index
      %get3A_234 = arith.constant 96 : index
      %get3A_235 = tpu.vector_load %arg12[%get3A_233, %get3A_234] {strides = array<i32>} : memref<40x128xbf16, #tpu.memory_space<vmem>>, vector<32xbf16>,
      %get3A_236 = arith.index_cast %add3A_190 : i32 to index
      %get3A_237 = arith.constant 96 : index
      %get3A_238 = tpu.vector_load %arg16[%get3A_236, %get3A_237] {strides = array<i32>} : memref<40x128xbf16, #tpu.memory_space<vmem>>, vector<32xbf16>,
      %mul3A_239 = arith.mulf %get3A_235, %get3A_238 : vector<32xbf16>
      %unpack3A_240 = tpu.unpack_subelements %mul3A_239, 0 {pack_format = #tpu.pack_format<interleaved>} : vector<32xbf16> -> vector<16xf32>
      %unpack3A_241 = tpu.unpack_subelements %mul3A_239, 1 {pack_format = #tpu.pack_format<interleaved>} : vector<32xbf16> -> vector<16xf32>
      %swap3A_242 = arith.index_cast %add3A_190 : i32 to index
      %swap3A_243 = arith.constant 96 : index
      %swap3A_244 = tpu.vector_load %arg20[%swap3A_242, %swap3A_243] {strides = array<i32>} : memref<40x144xf32, #tpu.memory_space<vmem>>, vector<16xf32>,
      tpu.vector_store %arg20[%swap3A_242, %swap3A_243], %unpack3A_240 {strides = array<i32>} : memref<40x144xf32, #tpu.memory_space<vmem>>, vector<16xf32>,
      %swap3A_245 = arith.index_cast %add3A_190 : i32 to index
      %swap3A_246 = arith.constant 112 : index
      %swap3A_247 = tpu.vector_load %arg20[%swap3A_245, %swap3A_246] {strides = array<i32>} : memref<40x144xf32, #tpu.memory_space<vmem>>, vector<16xf32>,
      tpu.vector_store %arg20[%swap3A_245, %swap3A_246], %unpack3A_241 {strides = array<i32>} : memref<40x144xf32, #tpu.memory_space<vmem>>, vector<16xf32>,
      %mul3A_248 = arith.constant 2 : i32
      %mul3A_249 = arith.muli %scan3A_185, %mul3A_248 : i32
      %add3A_250 = arith.constant 1 : i32
      %add3A_251 = arith.addi %mul3A_249, %add3A_250 : i32
      %get3A_252 = arith.index_cast %add3A_251 : i32 to index
      %get3A_253 = arith.constant 0 : index
      %get3A_254 = tpu.vector_load %arg12[%get3A_252, %get3A_253] {strides = array<i32>} : memref<40x128xbf16, #tpu.memory_space<vmem>>, vector<32xbf16>,
      %get3A_255 = arith.index_cast %add3A_251 : i32 to index
      %get3A_256 = arith.constant 0 : index
      %get3A_257 = tpu.vector_load %arg16[%get3A_255, %get3A_256] {strides = array<i32>} : memref<40x128xbf16, #tpu.memory_space<vmem>>, vector<32xbf16>,
      %mul3A_258 = arith.mulf %get3A_254, %get3A_257 : vector<32xbf16>
      %unpack3A_259 = tpu.unpack_subelements %mul3A_258, 0 {pack_format = #tpu.pack_format<interleaved>} : vector<32xbf16> -> vector<16xf32>
      %unpack3A_260 = tpu.unpack_subelements %mul3A_258, 1 {pack_format = #tpu.pack_format<interleaved>} : vector<32xbf16> -> vector<16xf32>
      %swap3A_261 = arith.index_cast %add3A_251 : i32 to index
      %swap3A_262 = arith.constant 0 : index
      %swap3A_263 = tpu.vector_load %arg20[%swap3A_261, %swap3A_262] {strides = array<i32>} : memref<40x144xf32, #tpu.memory_space<vmem>>, vector<16xf32>,
      tpu.vector_store %arg20[%swap3A_261, %swap3A_262], %unpack3A_259 {strides = array<i32>} : memref<40x144xf32, #tpu.memory_space<vmem>>, vector<16xf32>,
      %swap3A_264 = arith.index_cast %add3A_251 : i32 to index
      %swap3A_265 = arith.constant 16 : index
      %swap3A_266 = tpu.vector_load %arg20[%swap3A_264, %swap3A_265] {strides = array<i32>} : memref<40x144xf32, #tpu.memory_space<vmem>>, vector<16xf32>,
      tpu.vector_store %arg20[%swap3A_264, %swap3A_265], %unpack3A_260 {strides = array<i32>} : memref<40x144xf32, #tpu.memory_space<vmem>>, vector<16xf32>,
      %get3A_267 = arith.index_cast %add3A_251 : i32 to index
      %get3A_268 = arith.constant 32 : index
      %get3A_269 = tpu.vector_load %arg12[%get3A_267, %get3A_268] {strides = array<i32>} : memref<40x128xbf16, #tpu.memory_space<vmem>>, vector<32xbf16>,
      %get3A_270 = arith.index_cast %add3A_251 : i32 to index
      %get3A_271 = arith.constant 32 : index
      %get3A_272 = tpu.vector_load %arg16[%get3A_270, %get3A_271] {strides = array<i32>} : memref<40x128xbf16, #tpu.memory_space<vmem>>, vector<32xbf16>,
      %mul3A_273 = arith.mulf %get3A_269, %get3A_272 : vector<32xbf16>
      %unpack3A_274 = tpu.unpack_subelements %mul3A_273, 0 {pack_format = #tpu.pack_format<interleaved>} : vector<32xbf16> -> vector<16xf32>
      %unpack3A_275 = tpu.unpack_subelements %mul3A_273, 1 {pack_format = #tpu.pack_format<interleaved>} : vector<32xbf16> -> vector<16xf32>
      %swap3A_276 = arith.index_cast %add3A_251 : i32 to index
      %swap3A_277 = arith.constant 32 : index
      %swap3A_278 = tpu.vector_load %arg20[%swap3A_276, %swap3A_277] {strides = array<i32>} : memref<40x144xf32, #tpu.memory_space<vmem>>, vector<16xf32>,
      tpu.vector_store %arg20[%swap3A_276, %swap3A_277], %unpack3A_274 {strides = array<i32>} : memref<40x144xf32, #tpu.memory_space<vmem>>, vector<16xf32>,
      %swap3A_279 = arith.index_cast %add3A_251 : i32 to index
      %swap3A_280 = arith.constant 48 : index
      %swap3A_281 = tpu.vector_load %arg20[%swap3A_279, %swap3A_280] {strides = array<i32>} : memref<40x144xf32, #tpu.memory_space<vmem>>, vector<16xf32>,
      tpu.vector_store %arg20[%swap3A_279, %swap3A_280], %unpack3A_275 {strides = array<i32>} : memref<40x144xf32, #tpu.memory_space<vmem>>, vector<16xf32>,
      %get3A_282 = arith.index_cast %add3A_251 : i32 to index
      %get3A_283 = arith.constant 64 : index
      %get3A_284 = tpu.vector_load %arg12[%get3A_282, %get3A_283] {strides = array<i32>} : memref<40x128xbf16, #tpu.memory_space<vmem>>, vector<32xbf16>,
      %get3A_285 = arith.index_cast %add3A_251 : i32 to index
      %get3A_286 = arith.constant 64 : index
      %get3A_287 = tpu.vector_load %arg16[%get3A_285, %get3A_286] {strides = array<i32>} : memref<40x128xbf16, #tpu.memory_space<vmem>>, vector<32xbf16>,
      %mul3A_288 = arith.mulf %get3A_284, %get3A_287 : vector<32xbf16>
      %unpack3A_289 = tpu.unpack_subelements %mul3A_288, 0 {pack_format = #tpu.pack_format<interleaved>} : vector<32xbf16> -> vector<16xf32>
      %unpack3A_290 = tpu.unpack_subelements %mul3A_288, 1 {pack_format = #tpu.pack_format<interleaved>} : vector<32xbf16> -> vector<16xf32>
      %swap3A_291 = arith.index_cast %add3A_251 : i32 to index
      %swap3A_292 = arith.constant 64 : index
      %swap3A_293 = tpu.vector_load %arg20[%swap3A_291, %swap3A_292] {strides = array<i32>} : memref<40x144xf32, #tpu.memory_space<vmem>>, vector<16xf32>,
      tpu.vector_store %arg20[%swap3A_291, %swap3A_292], %unpack3A_289 {strides = array<i32>} : memref<40x144xf32, #tpu.memory_space<vmem>>, vector<16xf32>,
      %swap3A_294 = arith.index_cast %add3A_251 : i32 to index
      %swap3A_295 = arith.constant 80 : index
      %swap3A_296 = tpu.vector_load %arg20[%swap3A_294, %swap3A_295] {strides = array<i32>} : memref<40x144xf32, #tpu.memory_space<vmem>>, vector<16xf32>,
      tpu.vector_store %arg20[%swap3A_294, %swap3A_295], %unpack3A_290 {strides = array<i32>} : memref<40x144xf32, #tpu.memory_space<vmem>>, vector<16xf32>,
      %get3A_297 = arith.index_cast %add3A_251 : i32 to index
      %get3A_298 = arith.constant 96 : index
      %get3A_299 = tpu.vector_load %arg12[%get3A_297, %get3A_298] {strides = array<i32>} : memref<40x128xbf16, #tpu.memory_space<vmem>>, vector<32xbf16>,
      %get3A_300 = arith.index_cast %add3A_251 : i32 to index
      %get3A_301 = arith.constant 96 : index
      %get3A_302 = tpu.vector_load %arg16[%get3A_300, %get3A_301] {strides = array<i32>} : memref<40x128xbf16, #tpu.memory_space<vmem>>, vector<32xbf16>,
      %mul3A_303 = arith.mulf %get3A_299, %get3A_302 : vector<32xbf16>
      %unpack3A_304 = tpu.unpack_subelements %mul3A_303, 0 {pack_format = #tpu.pack_format<interleaved>} : vector<32xbf16> -> vector<16xf32>
      %unpack3A_305 = tpu.unpack_subelements %mul3A_303, 1 {pack_format = #tpu.pack_format<interleaved>} : vector<32xbf16> -> vector<16xf32>
      %swap3A_306 = arith.index_cast %add3A_251 : i32 to index
      %swap3A_307 = arith.constant 96 : index
      %swap3A_308 = tpu.vector_load %arg20[%swap3A_306, %swap3A_307] {strides = array<i32>} : memref<40x144xf32, #tpu.memory_space<vmem>>, vector<16xf32>,
      tpu.vector_store %arg20[%swap3A_306, %swap3A_307], %unpack3A_304 {strides = array<i32>} : memref<40x144xf32, #tpu.memory_space<vmem>>, vector<16xf32>,
      %swap3A_309 = arith.index_cast %add3A_251 : i32 to index
      %swap3A_310 = arith.constant 112 : index
      %swap3A_311 = tpu.vector_load %arg20[%swap3A_309, %swap3A_310] {strides = array<i32>} : memref<40x144xf32, #tpu.memory_space<vmem>>, vector<16xf32>,
      tpu.vector_store %arg20[%swap3A_309, %swap3A_310], %unpack3A_305 {strides = array<i32>} : memref<40x144xf32, #tpu.memory_space<vmem>>, vector<16xf32>,
      %scan3A_312 = arith.constant 0 : i32
      scf.yield %scan3A_312 : i32
    }
    %scan3A_148 = arith.constant 20 : i32
    %dma_start3A_149 = arith.constant 0 : i32
    %dma_start3A_150 = arith.constant 0 : i32
    %dma_start3A_151 = tpu.memref_slice %arg8[%dma_start3A_149, %dma_start3A_150] : memref<2x40xi32, #tpu.memory_space<vmem>> -> memref<1x40xi32, #tpu.memory_space<vmem>>
    %dma_start3A_152 = tpu.memref_squeeze %dma_start3A_151 : memref<1x40xi32, #tpu.memory_space<vmem>> -> memref<40xi32, #tpu.memory_space<vmem>>
    %dma_start3A_153 = arith.constant 0 : i32
    %dma_start3A_154 = arith.constant 0 : i32
    %dma_start3A_155 = tpu.memref_slice %arg21[%dma_start3A_153, %dma_start3A_154] : memref<10240x144xf32, #tpu.memory_space<vmem_shared>> -> memref<10240x144xf32, #tpu.memory_space<vmem_shared>>
    tpu.enqueue_indirect_dma source(%arg20 : memref<40x144xf32, #tpu.memory_space<vmem>>) target(%dma_start3A_155 : memref<10240x144xf32, #tpu.memory_space<vmem_shared>>) offsets(%dma_start3A_152 : memref<40xi32, #tpu.memory_space<vmem>>) semaphore(%arg35 : memref<!tpu.dma_semaphore, #tpu.memory_space<semaphore_mem>>) {add = true}
    %scan3A_156 = arith.constant 0 : i32
    %scan3A_157 = arith.constant 0 : i32
    %scan3A_158 = arith.constant 62 : i32
    %scan3A_159 = arith.addi %scan3A_157, %scan3A_158 : i32
    %scan3A_160 = arith.constant 1 : i32
    %scan3A_161 = scf.for %scan3A_185 = %scan3A_157 to %scan3A_159 step %scan3A_160 iter_args(%scan3A_186 = %scan3A_156) -> (i32)  : i32 {
      %mul3A_187 = arith.constant 4 : i32
      %mul3A_188 = arith.muli %mul3A_187, %scan3A_185 : i32
      %add3A_189 = arith.constant 2 : i32
      %add3A_190 = arith.addi %add3A_189, %mul3A_188 : i32
      %add3A_191 = arith.constant 0 : i32
      %add3A_192 = arith.addi %add3A_190, %add3A_191 : i32
      %add3A_193 = arith.constant 1 : i32
      %add3A_194 = arith.addi %add3A_192, %add3A_193 : i32
      %lt3A = arith.constant 250 : i32
      %lt3A_195 = arith.cmpi slt, %add3A_194, %lt3A : i32
      %convert_element_type3A_196 = arith.extui %lt3A_195 : i1 to i32
      %cond3A = arith.constant 0 : i32
      %cond3A_197 = arith.cmpi ne, %convert_element_type3A_196, %cond3A : i32
      scf.if %cond3A_197 {
        %dma_wait3A_394 = arith.constant 0 : i32
        %dma_wait3A_395 = tpu.memref_slice %arg2[%dma_wait3A_394, %mul3A_2] : memref<2x320000xi32, #tpu.memory_space<hbm>> -> memref<2x40xi32, #tpu.memory_space<hbm>>
        %dma_wait3A_396 = arith.constant 0 : i32
        %dma_wait3A_397 = tpu.memref_slice %arg2[%dma_wait3A_396, %mul3A_2] : memref<2x320000xi32, #tpu.memory_space<hbm>> -> memref<2x40xi32, #tpu.memory_space<hbm>>
        tpu.wait_dma2 semaphore(%arg25 : memref<!tpu.dma_semaphore, #tpu.memory_space<semaphore_mem>>) src(%dma_wait3A_397 : memref<2x40xi32, #tpu.memory_space<hbm>>) dst(%arg10 : memref<2x40xi32, #tpu.memory_space<vmem>>)
        %dma_start3A_398 = arith.constant 1 : i32
        %dma_start3A_399 = arith.constant 0 : i32
        %dma_start3A_400 = tpu.memref_slice %arg10[%dma_start3A_398, %dma_start3A_399] : memref<2x40xi32, #tpu.memory_space<vmem>> -> memref<1x40xi32, #tpu.memory_space<vmem>>
        %dma_start3A_401 = tpu.memref_squeeze %dma_start3A_400 : memref<1x40xi32, #tpu.memory_space<vmem>> -> memref<40xi32, #tpu.memory_space<vmem>>
        %dma_start3A_402 = arith.constant 0 : i32
        %dma_start3A_403 = arith.constant 0 : i32
        %dma_start3A_404 = tpu.memref_slice %arg4[%dma_start3A_402, %dma_start3A_403] : memref<2048x128xbf16, #tpu.memory_space<hbm>> -> memref<2048x128xbf16, #tpu.memory_space<hbm>>
        tpu.enqueue_indirect_dma source(%dma_start3A_404 : memref<2048x128xbf16, #tpu.memory_space<hbm>>) target(%arg18 : memref<40x128xbf16, #tpu.memory_space<vmem>>) offsets(%dma_start3A_401 : memref<40xi32, #tpu.memory_space<vmem>>) semaphore(%arg33 : memref<!tpu.dma_semaphore, #tpu.memory_space<semaphore_mem>>)
      } else {
      }
      %dma_wait3A_198 = arith.constant 0 : i32
      %dma_wait3A_199 = tpu.memref_slice %arg3[%mul3A_2, %dma_wait3A_198] : memref<320000x128xbf16, #tpu.memory_space<hbm>> -> memref<40x128xbf16, #tpu.memory_space<hbm>>
      %dma_wait3A_200 = arith.constant 0 : i32
      %dma_wait3A_201 = tpu.memref_slice %arg3[%mul3A_2, %dma_wait3A_200] : memref<320000x128xbf16, #tpu.memory_space<hbm>> -> memref<40x128xbf16, #tpu.memory_space<hbm>>
      tpu.wait_dma2 semaphore(%arg28 : memref<!tpu.dma_semaphore, #tpu.memory_space<semaphore_mem>>) src(%dma_wait3A_201 : memref<40x128xbf16, #tpu.memory_space<hbm>>) dst(%arg13 : memref<40x128xbf16, #tpu.memory_space<vmem>>)
      %dma_wait3A_202 = arith.constant 1 : i32
      %dma_wait3A_203 = arith.constant 0 : i32
      %dma_wait3A_204 = tpu.memref_slice %arg9[%dma_wait3A_202, %dma_wait3A_203] : memref<2x40xi32, #tpu.memory_space<vmem>> -> memref<1x40xi32, #tpu.memory_space<vmem>>
      %dma_wait3A_205 = tpu.memref_squeeze %dma_wait3A_204 : memref<1x40xi32, #tpu.memory_space<vmem>> -> memref<40xi32, #tpu.memory_space<vmem>>
      %dma_wait3A_206 = arith.constant 0 : i32
      %dma_wait3A_207 = arith.constant 0 : i32
      %dma_wait3A_208 = tpu.memref_slice %arg4[%dma_wait3A_206, %dma_wait3A_207] : memref<2048x128xbf16, #tpu.memory_space<hbm>> -> memref<2048x128xbf16, #tpu.memory_space<hbm>>
      tpu.wait_indirect_dma semaphore(%arg32 : memref<!tpu.dma_semaphore, #tpu.memory_space<semaphore_mem>>) src(%dma_wait3A_208 : memref<2048x128xbf16, #tpu.memory_space<hbm>>) dst(%arg17 : memref<40x128xbf16, #tpu.memory_space<vmem>>)
      %dma_wait3A_209 = arith.constant 0 : i32
      %dma_wait3A_210 = arith.constant 0 : i32
      %dma_wait3A_211 = tpu.memref_slice %arg7[%dma_wait3A_209, %dma_wait3A_210] : memref<2x40xi32, #tpu.memory_space<vmem>> -> memref<1x40xi32, #tpu.memory_space<vmem>>
      %dma_wait3A_212 = tpu.memref_squeeze %dma_wait3A_211 : memref<1x40xi32, #tpu.memory_space<vmem>> -> memref<40xi32, #tpu.memory_space<vmem>>
      %dma_wait3A_213 = arith.constant 0 : i32
      %dma_wait3A_214 = arith.constant 0 : i32
      %dma_wait3A_215 = tpu.memref_slice %arg21[%dma_wait3A_213, %dma_wait3A_214] : memref<10240x144xf32, #tpu.memory_space<vmem_shared>> -> memref<10240x144xf32, #tpu.memory_space<vmem_shared>>
      tpu.wait_indirect_dma semaphore(%arg34 : memref<!tpu.dma_semaphore, #tpu.memory_space<semaphore_mem>>) src(%arg19 : memref<40x144xf32, #tpu.memory_space<vmem>>) dst(%dma_wait3A_215 : memref<10240x144xf32, #tpu.memory_space<vmem_shared>>)
      %add3A_216 = arith.constant 2 : i32
      %add3A_217 = arith.addi %add3A_192, %add3A_216 : i32
      %lt3A_218 = arith.constant 250 : i32
      %lt3A_219 = arith.cmpi slt, %add3A_217, %lt3A_218 : i32
      %convert_element_type3A_220 = arith.extui %lt3A_219 : i1 to i32
      %cond3A_221 = arith.constant 0 : i32
      %cond3A_222 = arith.cmpi ne, %convert_element_type3A_220, %cond3A_221 : i32
      scf.if %cond3A_222 {
        %add3A_394 = arith.constant 2 : i32
        %add3A_395 = arith.addi %add3A_192, %add3A_394 : i32
        %mul3A_396 = arith.constant 40 : i32
        %mul3A_397 = arith.muli %add3A_395, %mul3A_396 : i32
        %add3A_398 = arith.addi %mul3A_2, %mul3A_397 : i32
        %dma_start3A_399 = arith.constant 0 : i32
        %dma_start3A_400 = tpu.memref_slice %arg2[%dma_start3A_399, %add3A_398] : memref<2x320000xi32, #tpu.memory_space<hbm>> -> memref<2x40xi32, #tpu.memory_space<hbm>>
        %dma_start3A_401 = arith.constant 0 : i32
        %dma_start3A_402 = tpu.memref_slice %arg2[%dma_start3A_401, %add3A_398] : memref<2x320000xi32, #tpu.memory_space<hbm>> -> memref<2x40xi32, #tpu.memory_space<hbm>>
        tpu.enqueue_dma source(%dma_start3A_402 : memref<2x40xi32, #tpu.memory_space<hbm>>) target(%arg7 : memref<2x40xi32, #tpu.memory_space<vmem>>) target_semaphore(%arg22 : memref<!tpu.dma_semaphore, #tpu.memory_space<semaphore_mem>>)
        %add3A_403 = arith.constant 2 : i32
        %add3A_404 = arith.addi %add3A_192, %add3A_403 : i32
        %mul3A_405 = arith.constant 40 : i32
        %mul3A_406 = arith.muli %add3A_404, %mul3A_405 : i32
        %add3A_407 = arith.addi %mul3A_2, %mul3A_406 : i32
        %dma_start3A_408 = arith.constant 0 : i32
        %dma_start3A_409 = tpu.memref_slice %arg3[%add3A_407, %dma_start3A_408] : memref<320000x128xbf16, #tpu.memory_space<hbm>> -> memref<40x128xbf16, #tpu.memory_space<hbm>>
        %dma_start3A_410 = arith.constant 0 : i32
        %dma_start3A_411 = tpu.memref_slice %arg3[%add3A_407, %dma_start3A_410] : memref<320000x128xbf16, #tpu.memory_space<hbm>> -> memref<40x128xbf16, #tpu.memory_space<hbm>>
        tpu.enqueue_dma source(%dma_start3A_411 : memref<40x128xbf16, #tpu.memory_space<hbm>>) target(%arg11 : memref<40x128xbf16, #tpu.memory_space<vmem>>) target_semaphore(%arg26 : memref<!tpu.dma_semaphore, #tpu.memory_space<semaphore_mem>>)
      } else {
      }
      %scan3A_223 = arith.constant 0 : i32
      %scan3A_224 = arith.constant 0 : i32
      %scan3A_225 = arith.constant 20 : i32
      %scan3A_226 = arith.addi %scan3A_224, %scan3A_225 : i32
      %scan3A_227 = arith.constant 1 : i32
      %scan3A_228 = scf.for %scan3A_394 = %scan3A_224 to %scan3A_226 step %scan3A_227 iter_args(%scan3A_395 = %scan3A_223) -> (i32)  : i32 {
        %mul3A_396 = arith.constant 2 : i32
        %mul3A_397 = arith.muli %scan3A_394, %mul3A_396 : i32
        %add3A_398 = arith.constant 0 : i32
        %add3A_399 = arith.addi %mul3A_397, %add3A_398 : i32
        %get3A = arith.index_cast %add3A_399 : i32 to index
        %get3A_400 = arith.constant 0 : index
        %get3A_401 = tpu.vector_load %arg13[%get3A, %get3A_400] {strides = array<i32>} : memref<40x128xbf16, #tpu.memory_space<vmem>>, vector<32xbf16>,
        %get3A_402 = arith.index_cast %add3A_399 : i32 to index
        %get3A_403 = arith.constant 0 : index
        %get3A_404 = tpu.vector_load %arg17[%get3A_402, %get3A_403] {strides = array<i32>} : memref<40x128xbf16, #tpu.memory_space<vmem>>, vector<32xbf16>,
        %mul3A_405 = arith.mulf %get3A_401, %get3A_404 : vector<32xbf16>
        %unpack3A = tpu.unpack_subelements %mul3A_405, 0 {pack_format = #tpu.pack_format<interleaved>} : vector<32xbf16> -> vector<16xf32>
        %unpack3A_406 = tpu.unpack_subelements %mul3A_405, 1 {pack_format = #tpu.pack_format<interleaved>} : vector<32xbf16> -> vector<16xf32>
        %swap3A = arith.index_cast %add3A_399 : i32 to index
        %swap3A_407 = arith.constant 0 : index
        %swap3A_408 = tpu.vector_load %arg19[%swap3A, %swap3A_407] {strides = array<i32>} : memref<40x144xf32, #tpu.memory_space<vmem>>, vector<16xf32>,
        tpu.vector_store %arg19[%swap3A, %swap3A_407], %unpack3A {strides = array<i32>} : memref<40x144xf32, #tpu.memory_space<vmem>>, vector<16xf32>,
        %swap3A_409 = arith.index_cast %add3A_399 : i32 to index
        %swap3A_410 = arith.constant 16 : index
        %swap3A_411 = tpu.vector_load %arg19[%swap3A_409, %swap3A_410] {strides = array<i32>} : memref<40x144xf32, #tpu.memory_space<vmem>>, vector<16xf32>,
        tpu.vector_store %arg19[%swap3A_409, %swap3A_410], %unpack3A_406 {strides = array<i32>} : memref<40x144xf32, #tpu.memory_space<vmem>>, vector<16xf32>,
        %get3A_412 = arith.index_cast %add3A_399 : i32 to index
        %get3A_413 = arith.constant 32 : index
        %get3A_414 = tpu.vector_load %arg13[%get3A_412, %get3A_413] {strides = array<i32>} : memref<40x128xbf16, #tpu.memory_space<vmem>>, vector<32xbf16>,
        %get3A_415 = arith.index_cast %add3A_399 : i32 to index
        %get3A_416 = arith.constant 32 : index
        %get3A_417 = tpu.vector_load %arg17[%get3A_415, %get3A_416] {strides = array<i32>} : memref<40x128xbf16, #tpu.memory_space<vmem>>, vector<32xbf16>,
        %mul3A_418 = arith.mulf %get3A_414, %get3A_417 : vector<32xbf16>
        %unpack3A_419 = tpu.unpack_subelements %mul3A_418, 0 {pack_format = #tpu.pack_format<interleaved>} : vector<32xbf16> -> vector<16xf32>
        %unpack3A_420 = tpu.unpack_subelements %mul3A_418, 1 {pack_format = #tpu.pack_format<interleaved>} : vector<32xbf16> -> vector<16xf32>
        %swap3A_421 = arith.index_cast %add3A_399 : i32 to index
        %swap3A_422 = arith.constant 32 : index
        %swap3A_423 = tpu.vector_load %arg19[%swap3A_421, %swap3A_422] {strides = array<i32>} : memref<40x144xf32, #tpu.memory_space<vmem>>, vector<16xf32>,
        tpu.vector_store %arg19[%swap3A_421, %swap3A_422], %unpack3A_419 {strides = array<i32>} : memref<40x144xf32, #tpu.memory_space<vmem>>, vector<16xf32>,
        %swap3A_424 = arith.index_cast %add3A_399 : i32 to index
        %swap3A_425 = arith.constant 48 : index
        %swap3A_426 = tpu.vector_load %arg19[%swap3A_424, %swap3A_425] {strides = array<i32>} : memref<40x144xf32, #tpu.memory_space<vmem>>, vector<16xf32>,
        tpu.vector_store %arg19[%swap3A_424, %swap3A_425], %unpack3A_420 {strides = array<i32>} : memref<40x144xf32, #tpu.memory_space<vmem>>, vector<16xf32>,
        %get3A_427 = arith.index_cast %add3A_399 : i32 to index
        %get3A_428 = arith.constant 64 : index
        %get3A_429 = tpu.vector_load %arg13[%get3A_427, %get3A_428] {strides = array<i32>} : memref<40x128xbf16, #tpu.memory_space<vmem>>, vector<32xbf16>,
        %get3A_430 = arith.index_cast %add3A_399 : i32 to index
        %get3A_431 = arith.constant 64 : index
        %get3A_432 = tpu.vector_load %arg17[%get3A_430, %get3A_431] {strides = array<i32>} : memref<40x128xbf16, #tpu.memory_space<vmem>>, vector<32xbf16>,
        %mul3A_433 = arith.mulf %get3A_429, %get3A_432 : vector<32xbf16>
        %unpack3A_434 = tpu.unpack_subelements %mul3A_433, 0 {pack_format = #tpu.pack_format<interleaved>} : vector<32xbf16> -> vector<16xf32>
        %unpack3A_435 = tpu.unpack_subelements %mul3A_433, 1 {pack_format = #tpu.pack_format<interleaved>} : vector<32xbf16> -> vector<16xf32>
        %swap3A_436 = arith.index_cast %add3A_399 : i32 to index
        %swap3A_437 = arith.constant 64 : index
        %swap3A_438 = tpu.vector_load %arg19[%swap3A_436, %swap3A_437] {strides = array<i32>} : memref<40x144xf32, #tpu.memory_space<vmem>>, vector<16xf32>,
        tpu.vector_store %arg19[%swap3A_436, %swap3A_437], %unpack3A_434 {strides = array<i32>} : memref<40x144xf32, #tpu.memory_space<vmem>>, vector<16xf32>,
        %swap3A_439 = arith.index_cast %add3A_399 : i32 to index
        %swap3A_440 = arith.constant 80 : index
        %swap3A_441 = tpu.vector_load %arg19[%swap3A_439, %swap3A_440] {strides = array<i32>} : memref<40x144xf32, #tpu.memory_space<vmem>>, vector<16xf32>,
        tpu.vector_store %arg19[%swap3A_439, %swap3A_440], %unpack3A_435 {strides = array<i32>} : memref<40x144xf32, #tpu.memory_space<vmem>>, vector<16xf32>,
        %get3A_442 = arith.index_cast %add3A_399 : i32 to index
        %get3A_443 = arith.constant 96 : index
        %get3A_444 = tpu.vector_load %arg13[%get3A_442, %get3A_443] {strides = array<i32>} : memref<40x128xbf16, #tpu.memory_space<vmem>>, vector<32xbf16>,
        %get3A_445 = arith.index_cast %add3A_399 : i32 to index
        %get3A_446 = arith.constant 96 : index
        %get3A_447 = tpu.vector_load %arg17[%get3A_445, %get3A_446] {strides = array<i32>} : memref<40x128xbf16, #tpu.memory_space<vmem>>, vector<32xbf16>,
        %mul3A_448 = arith.mulf %get3A_444, %get3A_447 : vector<32xbf16>
        %unpack3A_449 = tpu.unpack_subelements %mul3A_448, 0 {pack_format = #tpu.pack_format<interleaved>} : vector<32xbf16> -> vector<16xf32>
        %unpack3A_450 = tpu.unpack_subelements %mul3A_448, 1 {pack_format = #tpu.pack_format<interleaved>} : vector<32xbf16> -> vector<16xf32>
        %swap3A_451 = arith.index_cast %add3A_399 : i32 to index
        %swap3A_452 = arith.constant 96 : index
        %swap3A_453 = tpu.vector_load %arg19[%swap3A_451, %swap3A_452] {strides = array<i32>} : memref<40x144xf32, #tpu.memory_space<vmem>>, vector<16xf32>,
        tpu.vector_store %arg19[%swap3A_451, %swap3A_452], %unpack3A_449 {strides = array<i32>} : memref<40x144xf32, #tpu.memory_space<vmem>>, vector<16xf32>,
        %swap3A_454 = arith.index_cast %add3A_399 : i32 to index
        %swap3A_455 = arith.constant 112 : index
        %swap3A_456 = tpu.vector_load %arg19[%swap3A_454, %swap3A_455] {strides = array<i32>} : memref<40x144xf32, #tpu.memory_space<vmem>>, vector<16xf32>,
        tpu.vector_store %arg19[%swap3A_454, %swap3A_455], %unpack3A_450 {strides = array<i32>} : memref<40x144xf32, #tpu.memory_space<vmem>>, vector<16xf32>,
        %mul3A_457 = arith.constant 2 : i32
        %mul3A_458 = arith.muli %scan3A_394, %mul3A_457 : i32
        %add3A_459 = arith.constant 1 : i32
        %add3A_460 = arith.addi %mul3A_458, %add3A_459 : i32
        %get3A_461 = arith.index_cast %add3A_460 : i32 to index
        %get3A_462 = arith.constant 0 : index
        %get3A_463 = tpu.vector_load %arg13[%get3A_461, %get3A_462] {strides = array<i32>} : memref<40x128xbf16, #tpu.memory_space<vmem>>, vector<32xbf16>,
        %get3A_464 = arith.index_cast %add3A_460 : i32 to index
        %get3A_465 = arith.constant 0 : index
        %get3A_466 = tpu.vector_load %arg17[%get3A_464, %get3A_465] {strides = array<i32>} : memref<40x128xbf16, #tpu.memory_space<vmem>>, vector<32xbf16>,
        %mul3A_467 = arith.mulf %get3A_463, %get3A_466 : vector<32xbf16>
        %unpack3A_468 = tpu.unpack_subelements %mul3A_467, 0 {pack_format = #tpu.pack_format<interleaved>} : vector<32xbf16> -> vector<16xf32>
        %unpack3A_469 = tpu.unpack_subelements %mul3A_467, 1 {pack_format = #tpu.pack_format<interleaved>} : vector<32xbf16> -> vector<16xf32>
        %swap3A_470 = arith.index_cast %add3A_460 : i32 to index
        %swap3A_471 = arith.constant 0 : index
        %swap3A_472 = tpu.vector_load %arg19[%swap3A_470, %swap3A_471] {strides = array<i32>} : memref<40x144xf32, #tpu.memory_space<vmem>>, vector<16xf32>,
        tpu.vector_store %arg19[%swap3A_470, %swap3A_471], %unpack3A_468 {strides = array<i32>} : memref<40x144xf32, #tpu.memory_space<vmem>>, vector<16xf32>,
        %swap3A_473 = arith.index_cast %add3A_460 : i32 to index
        %swap3A_474 = arith.constant 16 : index
        %swap3A_475 = tpu.vector_load %arg19[%swap3A_473, %swap3A_474] {strides = array<i32>} : memref<40x144xf32, #tpu.memory_space<vmem>>, vector<16xf32>,
        tpu.vector_store %arg19[%swap3A_473, %swap3A_474], %unpack3A_469 {strides = array<i32>} : memref<40x144xf32, #tpu.memory_space<vmem>>, vector<16xf32>,
        %get3A_476 = arith.index_cast %add3A_460 : i32 to index
        %get3A_477 = arith.constant 32 : index
        %get3A_478 = tpu.vector_load %arg13[%get3A_476, %get3A_477] {strides = array<i32>} : memref<40x128xbf16, #tpu.memory_space<vmem>>, vector<32xbf16>,
        %get3A_479 = arith.index_cast %add3A_460 : i32 to index
        %get3A_480 = arith.constant 32 : index
        %get3A_481 = tpu.vector_load %arg17[%get3A_479, %get3A_480] {strides = array<i32>} : memref<40x128xbf16, #tpu.memory_space<vmem>>, vector<32xbf16>,
        %mul3A_482 = arith.mulf %get3A_478, %get3A_481 : vector<32xbf16>
        %unpack3A_483 = tpu.unpack_subelements %mul3A_482, 0 {pack_format = #tpu.pack_format<interleaved>} : vector<32xbf16> -> vector<16xf32>
        %unpack3A_484 = tpu.unpack_subelements %mul3A_482, 1 {pack_format = #tpu.pack_format<interleaved>} : vector<32xbf16> -> vector<16xf32>
        %swap3A_485 = arith.index_cast %add3A_460 : i32 to index
        %swap3A_486 = arith.constant 32 : index
        %swap3A_487 = tpu.vector_load %arg19[%swap3A_485, %swap3A_486] {strides = array<i32>} : memref<40x144xf32, #tpu.memory_space<vmem>>, vector<16xf32>,
        tpu.vector_store %arg19[%swap3A_485, %swap3A_486], %unpack3A_483 {strides = array<i32>} : memref<40x144xf32, #tpu.memory_space<vmem>>, vector<16xf32>,
        %swap3A_488 = arith.index_cast %add3A_460 : i32 to index
        %swap3A_489 = arith.constant 48 : index
        %swap3A_490 = tpu.vector_load %arg19[%swap3A_488, %swap3A_489] {strides = array<i32>} : memref<40x144xf32, #tpu.memory_space<vmem>>, vector<16xf32>,
        tpu.vector_store %arg19[%swap3A_488, %swap3A_489], %unpack3A_484 {strides = array<i32>} : memref<40x144xf32, #tpu.memory_space<vmem>>, vector<16xf32>,
        %get3A_491 = arith.index_cast %add3A_460 : i32 to index
        %get3A_492 = arith.constant 64 : index
        %get3A_493 = tpu.vector_load %arg13[%get3A_491, %get3A_492] {strides = array<i32>} : memref<40x128xbf16, #tpu.memory_space<vmem>>, vector<32xbf16>,
        %get3A_494 = arith.index_cast %add3A_460 : i32 to index
        %get3A_495 = arith.constant 64 : index
        %get3A_496 = tpu.vector_load %arg17[%get3A_494, %get3A_495] {strides = array<i32>} : memref<40x128xbf16, #tpu.memory_space<vmem>>, vector<32xbf16>,
        %mul3A_497 = arith.mulf %get3A_493, %get3A_496 : vector<32xbf16>
        %unpack3A_498 = tpu.unpack_subelements %mul3A_497, 0 {pack_format = #tpu.pack_format<interleaved>} : vector<32xbf16> -> vector<16xf32>
        %unpack3A_499 = tpu.unpack_subelements %mul3A_497, 1 {pack_format = #tpu.pack_format<interleaved>} : vector<32xbf16> -> vector<16xf32>
        %swap3A_500 = arith.index_cast %add3A_460 : i32 to index
        %swap3A_501 = arith.constant 64 : index
        %swap3A_502 = tpu.vector_load %arg19[%swap3A_500, %swap3A_501] {strides = array<i32>} : memref<40x144xf32, #tpu.memory_space<vmem>>, vector<16xf32>,
        tpu.vector_store %arg19[%swap3A_500, %swap3A_501], %unpack3A_498 {strides = array<i32>} : memref<40x144xf32, #tpu.memory_space<vmem>>, vector<16xf32>,
        %swap3A_503 = arith.index_cast %add3A_460 : i32 to index
        %swap3A_504 = arith.constant 80 : index
        %swap3A_505 = tpu.vector_load %arg19[%swap3A_503, %swap3A_504] {strides = array<i32>} : memref<40x144xf32, #tpu.memory_space<vmem>>, vector<16xf32>,
        tpu.vector_store %arg19[%swap3A_503, %swap3A_504], %unpack3A_499 {strides = array<i32>} : memref<40x144xf32, #tpu.memory_space<vmem>>, vector<16xf32>,
        %get3A_506 = arith.index_cast %add3A_460 : i32 to index
        %get3A_507 = arith.constant 96 : index
        %get3A_508 = tpu.vector_load %arg13[%get3A_506, %get3A_507] {strides = array<i32>} : memref<40x128xbf16, #tpu.memory_space<vmem>>, vector<32xbf16>,
        %get3A_509 = arith.index_cast %add3A_460 : i32 to index
        %get3A_510 = arith.constant 96 : index
        %get3A_511 = tpu.vector_load %arg17[%get3A_509, %get3A_510] {strides = array<i32>} : memref<40x128xbf16, #tpu.memory_space<vmem>>, vector<32xbf16>,
        %mul3A_512 = arith.mulf %get3A_508, %get3A_511 : vector<32xbf16>
        %unpack3A_513 = tpu.unpack_subelements %mul3A_512, 0 {pack_format = #tpu.pack_format<interleaved>} : vector<32xbf16> -> vector<16xf32>
        %unpack3A_514 = tpu.unpack_subelements %mul3A_512, 1 {pack_format = #tpu.pack_format<interleaved>} : vector<32xbf16> -> vector<16xf32>
        %swap3A_515 = arith.index_cast %add3A_460 : i32 to index
        %swap3A_516 = arith.constant 96 : index
        %swap3A_517 = tpu.vector_load %arg19[%swap3A_515, %swap3A_516] {strides = array<i32>} : memref<40x144xf32, #tpu.memory_space<vmem>>, vector<16xf32>,
        tpu.vector_store %arg19[%swap3A_515, %swap3A_516], %unpack3A_513 {strides = array<i32>} : memref<40x144xf32, #tpu.memory_space<vmem>>, vector<16xf32>,
        %swap3A_518 = arith.index_cast %add3A_460 : i32 to index
        %swap3A_519 = arith.constant 112 : index
        %swap3A_520 = tpu.vector_load %arg19[%swap3A_518, %swap3A_519] {strides = array<i32>} : memref<40x144xf32, #tpu.memory_space<vmem>>, vector<16xf32>,
        tpu.vector_store %arg19[%swap3A_518, %swap3A_519], %unpack3A_514 {strides = array<i32>} : memref<40x144xf32, #tpu.memory_space<vmem>>, vector<16xf32>,
        %scan3A_521 = arith.constant 0 : i32
        scf.yield %scan3A_521 : i32
      }
      %scan3A_229 = arith.constant 20 : i32
      %dma_start3A_230 = arith.constant 0 : i32
      %dma_start3A_231 = arith.constant 0 : i32
      %dma_start3A_232 = tpu.memref_slice %arg9[%dma_start3A_230, %dma_start3A_231] : memref<2x40xi32, #tpu.memory_space<vmem>> -> memref<1x40xi32, #tpu.memory_space<vmem>>
      %dma_start3A_233 = tpu.memref_squeeze %dma_start3A_232 : memref<1x40xi32, #tpu.memory_space<vmem>> -> memref<40xi32, #tpu.memory_space<vmem>>
      %dma_start3A_234 = arith.constant 0 : i32
      %dma_start3A_235 = arith.constant 0 : i32
      %dma_start3A_236 = tpu.memref_slice %arg21[%dma_start3A_234, %dma_start3A_235] : memref<10240x144xf32, #tpu.memory_space<vmem_shared>> -> memref<10240x144xf32, #tpu.memory_space<vmem_shared>>
      tpu.enqueue_indirect_dma source(%arg19 : memref<40x144xf32, #tpu.memory_space<vmem>>) target(%dma_start3A_236 : memref<10240x144xf32, #tpu.memory_space<vmem_shared>>) offsets(%dma_start3A_233 : memref<40xi32, #tpu.memory_space<vmem>>) semaphore(%arg34 : memref<!tpu.dma_semaphore, #tpu.memory_space<semaphore_mem>>) {add = true}
      %mul3A_237 = arith.constant 4 : i32
      %mul3A_238 = arith.muli %mul3A_237, %scan3A_185 : i32
      %add3A_239 = arith.constant 2 : i32
      %add3A_240 = arith.addi %add3A_239, %mul3A_238 : i32
      %add3A_241 = arith.constant 1 : i32
      %add3A_242 = arith.addi %add3A_240, %add3A_241 : i32
      %add3A_243 = arith.constant 1 : i32
      %add3A_244 = arith.addi %add3A_242, %add3A_243 : i32
      %lt3A_245 = arith.constant 250 : i32
      %lt3A_246 = arith.cmpi slt, %add3A_244, %lt3A_245 : i32
      %convert_element_type3A_247 = arith.extui %lt3A_246 : i1 to i32
      %cond3A_248 = arith.constant 0 : i32
      %cond3A_249 = arith.cmpi ne, %convert_element_type3A_247, %cond3A_248 : i32
      scf.if %cond3A_249 {
        %dma_wait3A_394 = arith.constant 0 : i32
        %dma_wait3A_395 = tpu.memref_slice %arg2[%dma_wait3A_394, %mul3A_2] : memref<2x320000xi32, #tpu.memory_space<hbm>> -> memref<2x40xi32, #tpu.memory_space<hbm>>
        %dma_wait3A_396 = arith.constant 0 : i32
        %dma_wait3A_397 = tpu.memref_slice %arg2[%dma_wait3A_396, %mul3A_2] : memref<2x320000xi32, #tpu.memory_space<hbm>> -> memref<2x40xi32, #tpu.memory_space<hbm>>
        tpu.wait_dma2 semaphore(%arg22 : memref<!tpu.dma_semaphore, #tpu.memory_space<semaphore_mem>>) src(%dma_wait3A_397 : memref<2x40xi32, #tpu.memory_space<hbm>>) dst(%arg7 : memref<2x40xi32, #tpu.memory_space<vmem>>)
        %dma_start3A_398 = arith.constant 1 : i32
        %dma_start3A_399 = arith.constant 0 : i32
        %dma_start3A_400 = tpu.memref_slice %arg7[%dma_start3A_398, %dma_start3A_399] : memref<2x40xi32, #tpu.memory_space<vmem>> -> memref<1x40xi32, #tpu.memory_space<vmem>>
        %dma_start3A_401 = tpu.memref_squeeze %dma_start3A_400 : memref<1x40xi32, #tpu.memory_space<vmem>> -> memref<40xi32, #tpu.memory_space<vmem>>
        %dma_start3A_402 = arith.constant 0 : i32
        %dma_start3A_403 = arith.constant 0 : i32
        %dma_start3A_404 = tpu.memref_slice %arg4[%dma_start3A_402, %dma_start3A_403] : memref<2048x128xbf16, #tpu.memory_space<hbm>> -> memref<2048x128xbf16, #tpu.memory_space<hbm>>
        tpu.enqueue_indirect_dma source(%dma_start3A_404 : memref<2048x128xbf16, #tpu.memory_space<hbm>>) target(%arg15 : memref<40x128xbf16, #tpu.memory_space<vmem>>) offsets(%dma_start3A_401 : memref<40xi32, #tpu.memory_space<vmem>>) semaphore(%arg30 : memref<!tpu.dma_semaphore, #tpu.memory_space<semaphore_mem>>)
      } else {
      }
      %dma_wait3A_250 = arith.constant 0 : i32
      %dma_wait3A_251 = tpu.memref_slice %arg3[%mul3A_2, %dma_wait3A_250] : memref<320000x128xbf16, #tpu.memory_space<hbm>> -> memref<40x128xbf16, #tpu.memory_space<hbm>>
      %dma_wait3A_252 = arith.constant 0 : i32
      %dma_wait3A_253 = tpu.memref_slice %arg3[%mul3A_2, %dma_wait3A_252] : memref<320000x128xbf16, #tpu.memory_space<hbm>> -> memref<40x128xbf16, #tpu.memory_space<hbm>>
      tpu.wait_dma2 semaphore(%arg29 : memref<!tpu.dma_semaphore, #tpu.memory_space<semaphore_mem>>) src(%dma_wait3A_253 : memref<40x128xbf16, #tpu.memory_space<hbm>>) dst(%arg14 : memref<40x128xbf16, #tpu.memory_space<vmem>>)
      %dma_wait3A_254 = arith.constant 1 : i32
      %dma_wait3A_255 = arith.constant 0 : i32
      %dma_wait3A_256 = tpu.memref_slice %arg10[%dma_wait3A_254, %dma_wait3A_255] : memref<2x40xi32, #tpu.memory_space<vmem>> -> memref<1x40xi32, #tpu.memory_space<vmem>>
      %dma_wait3A_257 = tpu.memref_squeeze %dma_wait3A_256 : memref<1x40xi32, #tpu.memory_space<vmem>> -> memref<40xi32, #tpu.memory_space<vmem>>
      %dma_wait3A_258 = arith.constant 0 : i32
      %dma_wait3A_259 = arith.constant 0 : i32
      %dma_wait3A_260 = tpu.memref_slice %arg4[%dma_wait3A_258, %dma_wait3A_259] : memref<2048x128xbf16, #tpu.memory_space<hbm>> -> memref<2048x128xbf16, #tpu.memory_space<hbm>>
      tpu.wait_indirect_dma semaphore(%arg33 : memref<!tpu.dma_semaphore, #tpu.memory_space<semaphore_mem>>) src(%dma_wait3A_260 : memref<2048x128xbf16, #tpu.memory_space<hbm>>) dst(%arg18 : memref<40x128xbf16, #tpu.memory_space<vmem>>)
      %dma_wait3A_261 = arith.constant 0 : i32
      %dma_wait3A_262 = arith.constant 0 : i32
      %dma_wait3A_263 = tpu.memref_slice %arg7[%dma_wait3A_261, %dma_wait3A_262] : memref<2x40xi32, #tpu.memory_space<vmem>> -> memref<1x40xi32, #tpu.memory_space<vmem>>
      %dma_wait3A_264 = tpu.memref_squeeze %dma_wait3A_263 : memref<1x40xi32, #tpu.memory_space<vmem>> -> memref<40xi32, #tpu.memory_space<vmem>>
      %dma_wait3A_265 = arith.constant 0 : i32
      %dma_wait3A_266 = arith.constant 0 : i32
      %dma_wait3A_267 = tpu.memref_slice %arg21[%dma_wait3A_265, %dma_wait3A_266] : memref<10240x144xf32, #tpu.memory_space<vmem_shared>> -> memref<10240x144xf32, #tpu.memory_space<vmem_shared>>
      tpu.wait_indirect_dma semaphore(%arg35 : memref<!tpu.dma_semaphore, #tpu.memory_space<semaphore_mem>>) src(%arg20 : memref<40x144xf32, #tpu.memory_space<vmem>>) dst(%dma_wait3A_267 : memref<10240x144xf32, #tpu.memory_space<vmem_shared>>)
      %add3A_268 = arith.constant 2 : i32
      %add3A_269 = arith.addi %add3A_242, %add3A_268 : i32
      %lt3A_270 = arith.constant 250 : i32
      %lt3A_271 = arith.cmpi slt, %add3A_269, %lt3A_270 : i32
      %convert_element_type3A_272 = arith.extui %lt3A_271 : i1 to i32
      %cond3A_273 = arith.constant 0 : i32
      %cond3A_274 = arith.cmpi ne, %convert_element_type3A_272, %cond3A_273 : i32
      scf.if %cond3A_274 {
        %add3A_394 = arith.constant 2 : i32
        %add3A_395 = arith.addi %add3A_242, %add3A_394 : i32
        %mul3A_396 = arith.constant 40 : i32
        %mul3A_397 = arith.muli %add3A_395, %mul3A_396 : i32
        %add3A_398 = arith.addi %mul3A_2, %mul3A_397 : i32
        %dma_start3A_399 = arith.constant 0 : i32
        %dma_start3A_400 = tpu.memref_slice %arg2[%dma_start3A_399, %add3A_398] : memref<2x320000xi32, #tpu.memory_space<hbm>> -> memref<2x40xi32, #tpu.memory_space<hbm>>
        %dma_start3A_401 = arith.constant 0 : i32
        %dma_start3A_402 = tpu.memref_slice %arg2[%dma_start3A_401, %add3A_398] : memref<2x320000xi32, #tpu.memory_space<hbm>> -> memref<2x40xi32, #tpu.memory_space<hbm>>
        tpu.enqueue_dma source(%dma_start3A_402 : memref<2x40xi32, #tpu.memory_space<hbm>>) target(%arg8 : memref<2x40xi32, #tpu.memory_space<vmem>>) target_semaphore(%arg23 : memref<!tpu.dma_semaphore, #tpu.memory_space<semaphore_mem>>)
        %add3A_403 = arith.constant 2 : i32
        %add3A_404 = arith.addi %add3A_242, %add3A_403 : i32
        %mul3A_405 = arith.constant 40 : i32
        %mul3A_406 = arith.muli %add3A_404, %mul3A_405 : i32
        %add3A_407 = arith.addi %mul3A_2, %mul3A_406 : i32
        %dma_start3A_408 = arith.constant 0 : i32
        %dma_start3A_409 = tpu.memref_slice %arg3[%add3A_407, %dma_start3A_408] : memref<320000x128xbf16, #tpu.memory_space<hbm>> -> memref<40x128xbf16, #tpu.memory_space<hbm>>
        %dma_start3A_410 = arith.constant 0 : i32
        %dma_start3A_411 = tpu.memref_slice %arg3[%add3A_407, %dma_start3A_410] : memref<320000x128xbf16, #tpu.memory_space<hbm>> -> memref<40x128xbf16, #tpu.memory_space<hbm>>
        tpu.enqueue_dma source(%dma_start3A_411 : memref<40x128xbf16, #tpu.memory_space<hbm>>) target(%arg12 : memref<40x128xbf16, #tpu.memory_space<vmem>>) target_semaphore(%arg27 : memref<!tpu.dma_semaphore, #tpu.memory_space<semaphore_mem>>)
      } else {
      }
      %scan3A_275 = arith.constant 0 : i32
      %scan3A_276 = arith.constant 0 : i32
      %scan3A_277 = arith.constant 20 : i32
      %scan3A_278 = arith.addi %scan3A_276, %scan3A_277 : i32
      %scan3A_279 = arith.constant 1 : i32
      %scan3A_280 = scf.for %scan3A_394 = %scan3A_276 to %scan3A_278 step %scan3A_279 iter_args(%scan3A_395 = %scan3A_275) -> (i32)  : i32 {
        %mul3A_396 = arith.constant 2 : i32
        %mul3A_397 = arith.muli %scan3A_394, %mul3A_396 : i32
        %add3A_398 = arith.constant 0 : i32
        %add3A_399 = arith.addi %mul3A_397, %add3A_398 : i32
        %get3A = arith.index_cast %add3A_399 : i32 to index
        %get3A_400 = arith.constant 0 : index
        %get3A_401 = tpu.vector_load %arg14[%get3A, %get3A_400] {strides = array<i32>} : memref<40x128xbf16, #tpu.memory_space<vmem>>, vector<32xbf16>,
        %get3A_402 = arith.index_cast %add3A_399 : i32 to index
        %get3A_403 = arith.constant 0 : index
        %get3A_404 = tpu.vector_load %arg18[%get3A_402, %get3A_403] {strides = array<i32>} : memref<40x128xbf16, #tpu.memory_space<vmem>>, vector<32xbf16>,
        %mul3A_405 = arith.mulf %get3A_401, %get3A_404 : vector<32xbf16>
        %unpack3A = tpu.unpack_subelements %mul3A_405, 0 {pack_format = #tpu.pack_format<interleaved>} : vector<32xbf16> -> vector<16xf32>
        %unpack3A_406 = tpu.unpack_subelements %mul3A_405, 1 {pack_format = #tpu.pack_format<interleaved>} : vector<32xbf16> -> vector<16xf32>
        %swap3A = arith.index_cast %add3A_399 : i32 to index
        %swap3A_407 = arith.constant 0 : index
        %swap3A_408 = tpu.vector_load %arg20[%swap3A, %swap3A_407] {strides = array<i32>} : memref<40x144xf32, #tpu.memory_space<vmem>>, vector<16xf32>,
        tpu.vector_store %arg20[%swap3A, %swap3A_407], %unpack3A {strides = array<i32>} : memref<40x144xf32, #tpu.memory_space<vmem>>, vector<16xf32>,
        %swap3A_409 = arith.index_cast %add3A_399 : i32 to index
        %swap3A_410 = arith.constant 16 : index
        %swap3A_411 = tpu.vector_load %arg20[%swap3A_409, %swap3A_410] {strides = array<i32>} : memref<40x144xf32, #tpu.memory_space<vmem>>, vector<16xf32>,
        tpu.vector_store %arg20[%swap3A_409, %swap3A_410], %unpack3A_406 {strides = array<i32>} : memref<40x144xf32, #tpu.memory_space<vmem>>, vector<16xf32>,
        %get3A_412 = arith.index_cast %add3A_399 : i32 to index
        %get3A_413 = arith.constant 32 : index
        %get3A_414 = tpu.vector_load %arg14[%get3A_412, %get3A_413] {strides = array<i32>} : memref<40x128xbf16, #tpu.memory_space<vmem>>, vector<32xbf16>,
        %get3A_415 = arith.index_cast %add3A_399 : i32 to index
        %get3A_416 = arith.constant 32 : index
        %get3A_417 = tpu.vector_load %arg18[%get3A_415, %get3A_416] {strides = array<i32>} : memref<40x128xbf16, #tpu.memory_space<vmem>>, vector<32xbf16>,
        %mul3A_418 = arith.mulf %get3A_414, %get3A_417 : vector<32xbf16>
        %unpack3A_419 = tpu.unpack_subelements %mul3A_418, 0 {pack_format = #tpu.pack_format<interleaved>} : vector<32xbf16> -> vector<16xf32>
        %unpack3A_420 = tpu.unpack_subelements %mul3A_418, 1 {pack_format = #tpu.pack_format<interleaved>} : vector<32xbf16> -> vector<16xf32>
        %swap3A_421 = arith.index_cast %add3A_399 : i32 to index
        %swap3A_422 = arith.constant 32 : index
        %swap3A_423 = tpu.vector_load %arg20[%swap3A_421, %swap3A_422] {strides = array<i32>} : memref<40x144xf32, #tpu.memory_space<vmem>>, vector<16xf32>,
        tpu.vector_store %arg20[%swap3A_421, %swap3A_422], %unpack3A_419 {strides = array<i32>} : memref<40x144xf32, #tpu.memory_space<vmem>>, vector<16xf32>,
        %swap3A_424 = arith.index_cast %add3A_399 : i32 to index
        %swap3A_425 = arith.constant 48 : index
        %swap3A_426 = tpu.vector_load %arg20[%swap3A_424, %swap3A_425] {strides = array<i32>} : memref<40x144xf32, #tpu.memory_space<vmem>>, vector<16xf32>,
        tpu.vector_store %arg20[%swap3A_424, %swap3A_425], %unpack3A_420 {strides = array<i32>} : memref<40x144xf32, #tpu.memory_space<vmem>>, vector<16xf32>,
        %get3A_427 = arith.index_cast %add3A_399 : i32 to index
        %get3A_428 = arith.constant 64 : index
        %get3A_429 = tpu.vector_load %arg14[%get3A_427, %get3A_428] {strides = array<i32>} : memref<40x128xbf16, #tpu.memory_space<vmem>>, vector<32xbf16>,
        %get3A_430 = arith.index_cast %add3A_399 : i32 to index
        %get3A_431 = arith.constant 64 : index
        %get3A_432 = tpu.vector_load %arg18[%get3A_430, %get3A_431] {strides = array<i32>} : memref<40x128xbf16, #tpu.memory_space<vmem>>, vector<32xbf16>,
        %mul3A_433 = arith.mulf %get3A_429, %get3A_432 : vector<32xbf16>
        %unpack3A_434 = tpu.unpack_subelements %mul3A_433, 0 {pack_format = #tpu.pack_format<interleaved>} : vector<32xbf16> -> vector<16xf32>
        %unpack3A_435 = tpu.unpack_subelements %mul3A_433, 1 {pack_format = #tpu.pack_format<interleaved>} : vector<32xbf16> -> vector<16xf32>
        %swap3A_436 = arith.index_cast %add3A_399 : i32 to index
        %swap3A_437 = arith.constant 64 : index
        %swap3A_438 = tpu.vector_load %arg20[%swap3A_436, %swap3A_437] {strides = array<i32>} : memref<40x144xf32, #tpu.memory_space<vmem>>, vector<16xf32>,
        tpu.vector_store %arg20[%swap3A_436, %swap3A_437], %unpack3A_434 {strides = array<i32>} : memref<40x144xf32, #tpu.memory_space<vmem>>, vector<16xf32>,
        %swap3A_439 = arith.index_cast %add3A_399 : i32 to index
        %swap3A_440 = arith.constant 80 : index
        %swap3A_441 = tpu.vector_load %arg20[%swap3A_439, %swap3A_440] {strides = array<i32>} : memref<40x144xf32, #tpu.memory_space<vmem>>, vector<16xf32>,
        tpu.vector_store %arg20[%swap3A_439, %swap3A_440], %unpack3A_435 {strides = array<i32>} : memref<40x144xf32, #tpu.memory_space<vmem>>, vector<16xf32>,
        %get3A_442 = arith.index_cast %add3A_399 : i32 to index
        %get3A_443 = arith.constant 96 : index
        %get3A_444 = tpu.vector_load %arg14[%get3A_442, %get3A_443] {strides = array<i32>} : memref<40x128xbf16, #tpu.memory_space<vmem>>, vector<32xbf16>,
        %get3A_445 = arith.index_cast %add3A_399 : i32 to index
        %get3A_446 = arith.constant 96 : index
        %get3A_447 = tpu.vector_load %arg18[%get3A_445, %get3A_446] {strides = array<i32>} : memref<40x128xbf16, #tpu.memory_space<vmem>>, vector<32xbf16>,
        %mul3A_448 = arith.mulf %get3A_444, %get3A_447 : vector<32xbf16>
        %unpack3A_449 = tpu.unpack_subelements %mul3A_448, 0 {pack_format = #tpu.pack_format<interleaved>} : vector<32xbf16> -> vector<16xf32>
        %unpack3A_450 = tpu.unpack_subelements %mul3A_448, 1 {pack_format = #tpu.pack_format<interleaved>} : vector<32xbf16> -> vector<16xf32>
        %swap3A_451 = arith.index_cast %add3A_399 : i32 to index
        %swap3A_452 = arith.constant 96 : index
        %swap3A_453 = tpu.vector_load %arg20[%swap3A_451, %swap3A_452] {strides = array<i32>} : memref<40x144xf32, #tpu.memory_space<vmem>>, vector<16xf32>,
        tpu.vector_store %arg20[%swap3A_451, %swap3A_452], %unpack3A_449 {strides = array<i32>} : memref<40x144xf32, #tpu.memory_space<vmem>>, vector<16xf32>,
        %swap3A_454 = arith.index_cast %add3A_399 : i32 to index
        %swap3A_455 = arith.constant 112 : index
        %swap3A_456 = tpu.vector_load %arg20[%swap3A_454, %swap3A_455] {strides = array<i32>} : memref<40x144xf32, #tpu.memory_space<vmem>>, vector<16xf32>,
        tpu.vector_store %arg20[%swap3A_454, %swap3A_455], %unpack3A_450 {strides = array<i32>} : memref<40x144xf32, #tpu.memory_space<vmem>>, vector<16xf32>,
        %mul3A_457 = arith.constant 2 : i32
        %mul3A_458 = arith.muli %scan3A_394, %mul3A_457 : i32
        %add3A_459 = arith.constant 1 : i32
        %add3A_460 = arith.addi %mul3A_458, %add3A_459 : i32
        %get3A_461 = arith.index_cast %add3A_460 : i32 to index
        %get3A_462 = arith.constant 0 : index
        %get3A_463 = tpu.vector_load %arg14[%get3A_461, %get3A_462] {strides = array<i32>} : memref<40x128xbf16, #tpu.memory_space<vmem>>, vector<32xbf16>,
        %get3A_464 = arith.index_cast %add3A_460 : i32 to index
        %get3A_465 = arith.constant 0 : index
        %get3A_466 = tpu.vector_load %arg18[%get3A_464, %get3A_465] {strides = array<i32>} : memref<40x128xbf16, #tpu.memory_space<vmem>>, vector<32xbf16>,
        %mul3A_467 = arith.mulf %get3A_463, %get3A_466 : vector<32xbf16>
        %unpack3A_468 = tpu.unpack_subelements %mul3A_467, 0 {pack_format = #tpu.pack_format<interleaved>} : vector<32xbf16> -> vector<16xf32>
        %unpack3A_469 = tpu.unpack_subelements %mul3A_467, 1 {pack_format = #tpu.pack_format<interleaved>} : vector<32xbf16> -> vector<16xf32>
        %swap3A_470 = arith.index_cast %add3A_460 : i32 to index
        %swap3A_471 = arith.constant 0 : index
        %swap3A_472 = tpu.vector_load %arg20[%swap3A_470, %swap3A_471] {strides = array<i32>} : memref<40x144xf32, #tpu.memory_space<vmem>>, vector<16xf32>,
        tpu.vector_store %arg20[%swap3A_470, %swap3A_471], %unpack3A_468 {strides = array<i32>} : memref<40x144xf32, #tpu.memory_space<vmem>>, vector<16xf32>,
        %swap3A_473 = arith.index_cast %add3A_460 : i32 to index
        %swap3A_474 = arith.constant 16 : index
        %swap3A_475 = tpu.vector_load %arg20[%swap3A_473, %swap3A_474] {strides = array<i32>} : memref<40x144xf32, #tpu.memory_space<vmem>>, vector<16xf32>,
        tpu.vector_store %arg20[%swap3A_473, %swap3A_474], %unpack3A_469 {strides = array<i32>} : memref<40x144xf32, #tpu.memory_space<vmem>>, vector<16xf32>,
        %get3A_476 = arith.index_cast %add3A_460 : i32 to index
        %get3A_477 = arith.constant 32 : index
        %get3A_478 = tpu.vector_load %arg14[%get3A_476, %get3A_477] {strides = array<i32>} : memref<40x128xbf16, #tpu.memory_space<vmem>>, vector<32xbf16>,
        %get3A_479 = arith.index_cast %add3A_460 : i32 to index
        %get3A_480 = arith.constant 32 : index
        %get3A_481 = tpu.vector_load %arg18[%get3A_479, %get3A_480] {strides = array<i32>} : memref<40x128xbf16, #tpu.memory_space<vmem>>, vector<32xbf16>,
        %mul3A_482 = arith.mulf %get3A_478, %get3A_481 : vector<32xbf16>
        %unpack3A_483 = tpu.unpack_subelements %mul3A_482, 0 {pack_format = #tpu.pack_format<interleaved>} : vector<32xbf16> -> vector<16xf32>
        %unpack3A_484 = tpu.unpack_subelements %mul3A_482, 1 {pack_format = #tpu.pack_format<interleaved>} : vector<32xbf16> -> vector<16xf32>
        %swap3A_485 = arith.index_cast %add3A_460 : i32 to index
        %swap3A_486 = arith.constant 32 : index
        %swap3A_487 = tpu.vector_load %arg20[%swap3A_485, %swap3A_486] {strides = array<i32>} : memref<40x144xf32, #tpu.memory_space<vmem>>, vector<16xf32>,
        tpu.vector_store %arg20[%swap3A_485, %swap3A_486], %unpack3A_483 {strides = array<i32>} : memref<40x144xf32, #tpu.memory_space<vmem>>, vector<16xf32>,
        %swap3A_488 = arith.index_cast %add3A_460 : i32 to index
        %swap3A_489 = arith.constant 48 : index
        %swap3A_490 = tpu.vector_load %arg20[%swap3A_488, %swap3A_489] {strides = array<i32>} : memref<40x144xf32, #tpu.memory_space<vmem>>, vector<16xf32>,
        tpu.vector_store %arg20[%swap3A_488, %swap3A_489], %unpack3A_484 {strides = array<i32>} : memref<40x144xf32, #tpu.memory_space<vmem>>, vector<16xf32>,
        %get3A_491 = arith.index_cast %add3A_460 : i32 to index
        %get3A_492 = arith.constant 64 : index
        %get3A_493 = tpu.vector_load %arg14[%get3A_491, %get3A_492] {strides = array<i32>} : memref<40x128xbf16, #tpu.memory_space<vmem>>, vector<32xbf16>,
        %get3A_494 = arith.index_cast %add3A_460 : i32 to index
        %get3A_495 = arith.constant 64 : index
        %get3A_496 = tpu.vector_load %arg18[%get3A_494, %get3A_495] {strides = array<i32>} : memref<40x128xbf16, #tpu.memory_space<vmem>>, vector<32xbf16>,
        %mul3A_497 = arith.mulf %get3A_493, %get3A_496 : vector<32xbf16>
        %unpack3A_498 = tpu.unpack_subelements %mul3A_497, 0 {pack_format = #tpu.pack_format<interleaved>} : vector<32xbf16> -> vector<16xf32>
        %unpack3A_499 = tpu.unpack_subelements %mul3A_497, 1 {pack_format = #tpu.pack_format<interleaved>} : vector<32xbf16> -> vector<16xf32>
        %swap3A_500 = arith.index_cast %add3A_460 : i32 to index
        %swap3A_501 = arith.constant 64 : index
        %swap3A_502 = tpu.vector_load %arg20[%swap3A_500, %swap3A_501] {strides = array<i32>} : memref<40x144xf32, #tpu.memory_space<vmem>>, vector<16xf32>,
        tpu.vector_store %arg20[%swap3A_500, %swap3A_501], %unpack3A_498 {strides = array<i32>} : memref<40x144xf32, #tpu.memory_space<vmem>>, vector<16xf32>,
        %swap3A_503 = arith.index_cast %add3A_460 : i32 to index
        %swap3A_504 = arith.constant 80 : index
        %swap3A_505 = tpu.vector_load %arg20[%swap3A_503, %swap3A_504] {strides = array<i32>} : memref<40x144xf32, #tpu.memory_space<vmem>>, vector<16xf32>,
        tpu.vector_store %arg20[%swap3A_503, %swap3A_504], %unpack3A_499 {strides = array<i32>} : memref<40x144xf32, #tpu.memory_space<vmem>>, vector<16xf32>,
        %get3A_506 = arith.index_cast %add3A_460 : i32 to index
        %get3A_507 = arith.constant 96 : index
        %get3A_508 = tpu.vector_load %arg14[%get3A_506, %get3A_507] {strides = array<i32>} : memref<40x128xbf16, #tpu.memory_space<vmem>>, vector<32xbf16>,
        %get3A_509 = arith.index_cast %add3A_460 : i32 to index
        %get3A_510 = arith.constant 96 : index
        %get3A_511 = tpu.vector_load %arg18[%get3A_509, %get3A_510] {strides = array<i32>} : memref<40x128xbf16, #tpu.memory_space<vmem>>, vector<32xbf16>,
        %mul3A_512 = arith.mulf %get3A_508, %get3A_511 : vector<32xbf16>
        %unpack3A_513 = tpu.unpack_subelements %mul3A_512, 0 {pack_format = #tpu.pack_format<interleaved>} : vector<32xbf16> -> vector<16xf32>
        %unpack3A_514 = tpu.unpack_subelements %mul3A_512, 1 {pack_format = #tpu.pack_format<interleaved>} : vector<32xbf16> -> vector<16xf32>
        %swap3A_515 = arith.index_cast %add3A_460 : i32 to index
        %swap3A_516 = arith.constant 96 : index
        %swap3A_517 = tpu.vector_load %arg20[%swap3A_515, %swap3A_516] {strides = array<i32>} : memref<40x144xf32, #tpu.memory_space<vmem>>, vector<16xf32>,
        tpu.vector_store %arg20[%swap3A_515, %swap3A_516], %unpack3A_513 {strides = array<i32>} : memref<40x144xf32, #tpu.memory_space<vmem>>, vector<16xf32>,
        %swap3A_518 = arith.index_cast %add3A_460 : i32 to index
        %swap3A_519 = arith.constant 112 : index
        %swap3A_520 = tpu.vector_load %arg20[%swap3A_518, %swap3A_519] {strides = array<i32>} : memref<40x144xf32, #tpu.memory_space<vmem>>, vector<16xf32>,
        tpu.vector_store %arg20[%swap3A_518, %swap3A_519], %unpack3A_514 {strides = array<i32>} : memref<40x144xf32, #tpu.memory_space<vmem>>, vector<16xf32>,
        %scan3A_521 = arith.constant 0 : i32
        scf.yield %scan3A_521 : i32
      }
      %scan3A_281 = arith.constant 20 : i32
      %dma_start3A_282 = arith.constant 0 : i32
      %dma_start3A_283 = arith.constant 0 : i32
      %dma_start3A_284 = tpu.memref_slice %arg10[%dma_start3A_282, %dma_start3A_283] : memref<2x40xi32, #tpu.memory_space<vmem>> -> memref<1x40xi32, #tpu.memory_space<vmem>>
      %dma_start3A_285 = tpu.memref_squeeze %dma_start3A_284 : memref<1x40xi32, #tpu.memory_space<vmem>> -> memref<40xi32, #tpu.memory_space<vmem>>
      %dma_start3A_286 = arith.constant 0 : i32
      %dma_start3A_287 = arith.constant 0 : i32
      %dma_start3A_288 = tpu.memref_slice %arg21[%dma_start3A_286, %dma_start3A_287] : memref<10240x144xf32, #tpu.memory_space<vmem_shared>> -> memref<10240x144xf32, #tpu.memory_space<vmem_shared>>
      tpu.enqueue_indirect_dma source(%arg20 : memref<40x144xf32, #tpu.memory_space<vmem>>) target(%dma_start3A_288 : memref<10240x144xf32, #tpu.memory_space<vmem_shared>>) offsets(%dma_start3A_285 : memref<40xi32, #tpu.memory_space<vmem>>) semaphore(%arg35 : memref<!tpu.dma_semaphore, #tpu.memory_space<semaphore_mem>>) {add = true}
      %mul3A_289 = arith.constant 4 : i32
      %mul3A_290 = arith.muli %mul3A_289, %scan3A_185 : i32
      %add3A_291 = arith.constant 2 : i32
      %add3A_292 = arith.addi %add3A_291, %mul3A_290 : i32
      %add3A_293 = arith.constant 2 : i32
      %add3A_294 = arith.addi %add3A_292, %add3A_293 : i32
      %add3A_295 = arith.constant 1 : i32
      %add3A_296 = arith.addi %add3A_294, %add3A_295 : i32
      %lt3A_297 = arith.constant 250 : i32
      %lt3A_298 = arith.cmpi slt, %add3A_296, %lt3A_297 : i32
      %convert_element_type3A_299 = arith.extui %lt3A_298 : i1 to i32
      %cond3A_300 = arith.constant 0 : i32
      %cond3A_301 = arith.cmpi ne, %convert_element_type3A_299, %cond3A_300 : i32
      scf.if %cond3A_301 {
        %dma_wait3A_394 = arith.constant 0 : i32
        %dma_wait3A_395 = tpu.memref_slice %arg2[%dma_wait3A_394, %mul3A_2] : memref<2x320000xi32, #tpu.memory_space<hbm>> -> memref<2x40xi32, #tpu.memory_space<hbm>>
        %dma_wait3A_396 = arith.constant 0 : i32
        %dma_wait3A_397 = tpu.memref_slice %arg2[%dma_wait3A_396, %mul3A_2] : memref<2x320000xi32, #tpu.memory_space<hbm>> -> memref<2x40xi32, #tpu.memory_space<hbm>>
        tpu.wait_dma2 semaphore(%arg23 : memref<!tpu.dma_semaphore, #tpu.memory_space<semaphore_mem>>) src(%dma_wait3A_397 : memref<2x40xi32, #tpu.memory_space<hbm>>) dst(%arg8 : memref<2x40xi32, #tpu.memory_space<vmem>>)
        %dma_start3A_398 = arith.constant 1 : i32
        %dma_start3A_399 = arith.constant 0 : i32
        %dma_start3A_400 = tpu.memref_slice %arg8[%dma_start3A_398, %dma_start3A_399] : memref<2x40xi32, #tpu.memory_space<vmem>> -> memref<1x40xi32, #tpu.memory_space<vmem>>
        %dma_start3A_401 = tpu.memref_squeeze %dma_start3A_400 : memref<1x40xi32, #tpu.memory_space<vmem>> -> memref<40xi32, #tpu.memory_space<vmem>>
        %dma_start3A_402 = arith.constant 0 : i32
        %dma_start3A_403 = arith.constant 0 : i32
        %dma_start3A_404 = tpu.memref_slice %arg4[%dma_start3A_402, %dma_start3A_403] : memref<2048x128xbf16, #tpu.memory_space<hbm>> -> memref<2048x128xbf16, #tpu.memory_space<hbm>>
        tpu.enqueue_indirect_dma source(%dma_start3A_404 : memref<2048x128xbf16, #tpu.memory_space<hbm>>) target(%arg16 : memref<40x128xbf16, #tpu.memory_space<vmem>>) offsets(%dma_start3A_401 : memref<40xi32, #tpu.memory_space<vmem>>) semaphore(%arg31 : memref<!tpu.dma_semaphore, #tpu.memory_space<semaphore_mem>>)
      } else {
      }
      %dma_wait3A_302 = arith.constant 0 : i32
      %dma_wait3A_303 = tpu.memref_slice %arg3[%mul3A_2, %dma_wait3A_302] : memref<320000x128xbf16, #tpu.memory_space<hbm>> -> memref<40x128xbf16, #tpu.memory_space<hbm>>
      %dma_wait3A_304 = arith.constant 0 : i32
      %dma_wait3A_305 = tpu.memref_slice %arg3[%mul3A_2, %dma_wait3A_304] : memref<320000x128xbf16, #tpu.memory_space<hbm>> -> memref<40x128xbf16, #tpu.memory_space<hbm>>
      tpu.wait_dma2 semaphore(%arg26 : memref<!tpu.dma_semaphore, #tpu.memory_space<semaphore_mem>>) src(%dma_wait3A_305 : memref<40x128xbf16, #tpu.memory_space<hbm>>) dst(%arg11 : memref<40x128xbf16, #tpu.memory_space<vmem>>)
      %dma_wait3A_306 = arith.constant 1 : i32
      %dma_wait3A_307 = arith.constant 0 : i32
      %dma_wait3A_308 = tpu.memref_slice %arg7[%dma_wait3A_306, %dma_wait3A_307] : memref<2x40xi32, #tpu.memory_space<vmem>> -> memref<1x40xi32, #tpu.memory_space<vmem>>
      %dma_wait3A_309 = tpu.memref_squeeze %dma_wait3A_308 : memref<1x40xi32, #tpu.memory_space<vmem>> -> memref<40xi32, #tpu.memory_space<vmem>>
      %dma_wait3A_310 = arith.constant 0 : i32
      %dma_wait3A_311 = arith.constant 0 : i32
      %dma_wait3A_312 = tpu.memref_slice %arg4[%dma_wait3A_310, %dma_wait3A_311] : memref<2048x128xbf16, #tpu.memory_space<hbm>> -> memref<2048x128xbf16, #tpu.memory_space<hbm>>
      tpu.wait_indirect_dma semaphore(%arg30 : memref<!tpu.dma_semaphore, #tpu.memory_space<semaphore_mem>>) src(%dma_wait3A_312 : memref<2048x128xbf16, #tpu.memory_space<hbm>>) dst(%arg15 : memref<40x128xbf16, #tpu.memory_space<vmem>>)
      %dma_wait3A_313 = arith.constant 0 : i32
      %dma_wait3A_314 = arith.constant 0 : i32
      %dma_wait3A_315 = tpu.memref_slice %arg7[%dma_wait3A_313, %dma_wait3A_314] : memref<2x40xi32, #tpu.memory_space<vmem>> -> memref<1x40xi32, #tpu.memory_space<vmem>>
      %dma_wait3A_316 = tpu.memref_squeeze %dma_wait3A_315 : memref<1x40xi32, #tpu.memory_space<vmem>> -> memref<40xi32, #tpu.memory_space<vmem>>
      %dma_wait3A_317 = arith.constant 0 : i32
      %dma_wait3A_318 = arith.constant 0 : i32
      %dma_wait3A_319 = tpu.memref_slice %arg21[%dma_wait3A_317, %dma_wait3A_318] : memref<10240x144xf32, #tpu.memory_space<vmem_shared>> -> memref<10240x144xf32, #tpu.memory_space<vmem_shared>>
      tpu.wait_indirect_dma semaphore(%arg34 : memref<!tpu.dma_semaphore, #tpu.memory_space<semaphore_mem>>) src(%arg19 : memref<40x144xf32, #tpu.memory_space<vmem>>) dst(%dma_wait3A_319 : memref<10240x144xf32, #tpu.memory_space<vmem_shared>>)
      %add3A_320 = arith.constant 2 : i32
      %add3A_321 = arith.addi %add3A_294, %add3A_320 : i32
      %lt3A_322 = arith.constant 250 : i32
      %lt3A_323 = arith.cmpi slt, %add3A_321, %lt3A_322 : i32
      %convert_element_type3A_324 = arith.extui %lt3A_323 : i1 to i32
      %cond3A_325 = arith.constant 0 : i32
      %cond3A_326 = arith.cmpi ne, %convert_element_type3A_324, %cond3A_325 : i32
      scf.if %cond3A_326 {
        %add3A_394 = arith.constant 2 : i32
        %add3A_395 = arith.addi %add3A_294, %add3A_394 : i32
        %mul3A_396 = arith.constant 40 : i32
        %mul3A_397 = arith.muli %add3A_395, %mul3A_396 : i32
        %add3A_398 = arith.addi %mul3A_2, %mul3A_397 : i32
        %dma_start3A_399 = arith.constant 0 : i32
        %dma_start3A_400 = tpu.memref_slice %arg2[%dma_start3A_399, %add3A_398] : memref<2x320000xi32, #tpu.memory_space<hbm>> -> memref<2x40xi32, #tpu.memory_space<hbm>>
        %dma_start3A_401 = arith.constant 0 : i32
        %dma_start3A_402 = tpu.memref_slice %arg2[%dma_start3A_401, %add3A_398] : memref<2x320000xi32, #tpu.memory_space<hbm>> -> memref<2x40xi32, #tpu.memory_space<hbm>>
        tpu.enqueue_dma source(%dma_start3A_402 : memref<2x40xi32, #tpu.memory_space<hbm>>) target(%arg9 : memref<2x40xi32, #tpu.memory_space<vmem>>) target_semaphore(%arg24 : memref<!tpu.dma_semaphore, #tpu.memory_space<semaphore_mem>>)
        %add3A_403 = arith.constant 2 : i32
        %add3A_404 = arith.addi %add3A_294, %add3A_403 : i32
        %mul3A_405 = arith.constant 40 : i32
        %mul3A_406 = arith.muli %add3A_404, %mul3A_405 : i32
        %add3A_407 = arith.addi %mul3A_2, %mul3A_406 : i32
        %dma_start3A_408 = arith.constant 0 : i32
        %dma_start3A_409 = tpu.memref_slice %arg3[%add3A_407, %dma_start3A_408] : memref<320000x128xbf16, #tpu.memory_space<hbm>> -> memref<40x128xbf16, #tpu.memory_space<hbm>>
        %dma_start3A_410 = arith.constant 0 : i32
        %dma_start3A_411 = tpu.memref_slice %arg3[%add3A_407, %dma_start3A_410] : memref<320000x128xbf16, #tpu.memory_space<hbm>> -> memref<40x128xbf16, #tpu.memory_space<hbm>>
        tpu.enqueue_dma source(%dma_start3A_411 : memref<40x128xbf16, #tpu.memory_space<hbm>>) target(%arg13 : memref<40x128xbf16, #tpu.memory_space<vmem>>) target_semaphore(%arg28 : memref<!tpu.dma_semaphore, #tpu.memory_space<semaphore_mem>>)
      } else {
      }
      %scan3A_327 = arith.constant 0 : i32
      %scan3A_328 = arith.constant 0 : i32
      %scan3A_329 = arith.constant 20 : i32
      %scan3A_330 = arith.addi %scan3A_328, %scan3A_329 : i32
      %scan3A_331 = arith.constant 1 : i32
      %scan3A_332 = scf.for %scan3A_394 = %scan3A_328 to %scan3A_330 step %scan3A_331 iter_args(%scan3A_395 = %scan3A_327) -> (i32)  : i32 {
        %mul3A_396 = arith.constant 2 : i32
        %mul3A_397 = arith.muli %scan3A_394, %mul3A_396 : i32
        %add3A_398 = arith.constant 0 : i32
        %add3A_399 = arith.addi %mul3A_397, %add3A_398 : i32
        %get3A = arith.index_cast %add3A_399 : i32 to index
        %get3A_400 = arith.constant 0 : index
        %get3A_401 = tpu.vector_load %arg11[%get3A, %get3A_400] {strides = array<i32>} : memref<40x128xbf16, #tpu.memory_space<vmem>>, vector<32xbf16>,
        %get3A_402 = arith.index_cast %add3A_399 : i32 to index
        %get3A_403 = arith.constant 0 : index
        %get3A_404 = tpu.vector_load %arg15[%get3A_402, %get3A_403] {strides = array<i32>} : memref<40x128xbf16, #tpu.memory_space<vmem>>, vector<32xbf16>,
        %mul3A_405 = arith.mulf %get3A_401, %get3A_404 : vector<32xbf16>
        %unpack3A = tpu.unpack_subelements %mul3A_405, 0 {pack_format = #tpu.pack_format<interleaved>} : vector<32xbf16> -> vector<16xf32>
        %unpack3A_406 = tpu.unpack_subelements %mul3A_405, 1 {pack_format = #tpu.pack_format<interleaved>} : vector<32xbf16> -> vector<16xf32>
        %swap3A = arith.index_cast %add3A_399 : i32 to index
        %swap3A_407 = arith.constant 0 : index
        %swap3A_408 = tpu.vector_load %arg19[%swap3A, %swap3A_407] {strides = array<i32>} : memref<40x144xf32, #tpu.memory_space<vmem>>, vector<16xf32>,
        tpu.vector_store %arg19[%swap3A, %swap3A_407], %unpack3A {strides = array<i32>} : memref<40x144xf32, #tpu.memory_space<vmem>>, vector<16xf32>,
        %swap3A_409 = arith.index_cast %add3A_399 : i32 to index
        %swap3A_410 = arith.constant 16 : index
        %swap3A_411 = tpu.vector_load %arg19[%swap3A_409, %swap3A_410] {strides = array<i32>} : memref<40x144xf32, #tpu.memory_space<vmem>>, vector<16xf32>,
        tpu.vector_store %arg19[%swap3A_409, %swap3A_410], %unpack3A_406 {strides = array<i32>} : memref<40x144xf32, #tpu.memory_space<vmem>>, vector<16xf32>,
        %get3A_412 = arith.index_cast %add3A_399 : i32 to index
        %get3A_413 = arith.constant 32 : index
        %get3A_414 = tpu.vector_load %arg11[%get3A_412, %get3A_413] {strides = array<i32>} : memref<40x128xbf16, #tpu.memory_space<vmem>>, vector<32xbf16>,
        %get3A_415 = arith.index_cast %add3A_399 : i32 to index
        %get3A_416 = arith.constant 32 : index
        %get3A_417 = tpu.vector_load %arg15[%get3A_415, %get3A_416] {strides = array<i32>} : memref<40x128xbf16, #tpu.memory_space<vmem>>, vector<32xbf16>,
        %mul3A_418 = arith.mulf %get3A_414, %get3A_417 : vector<32xbf16>
        %unpack3A_419 = tpu.unpack_subelements %mul3A_418, 0 {pack_format = #tpu.pack_format<interleaved>} : vector<32xbf16> -> vector<16xf32>
        %unpack3A_420 = tpu.unpack_subelements %mul3A_418, 1 {pack_format = #tpu.pack_format<interleaved>} : vector<32xbf16> -> vector<16xf32>
        %swap3A_421 = arith.index_cast %add3A_399 : i32 to index
        %swap3A_422 = arith.constant 32 : index
        %swap3A_423 = tpu.vector_load %arg19[%swap3A_421, %swap3A_422] {strides = array<i32>} : memref<40x144xf32, #tpu.memory_space<vmem>>, vector<16xf32>,
        tpu.vector_store %arg19[%swap3A_421, %swap3A_422], %unpack3A_419 {strides = array<i32>} : memref<40x144xf32, #tpu.memory_space<vmem>>, vector<16xf32>,
        %swap3A_424 = arith.index_cast %add3A_399 : i32 to index
        %swap3A_425 = arith.constant 48 : index
        %swap3A_426 = tpu.vector_load %arg19[%swap3A_424, %swap3A_425] {strides = array<i32>} : memref<40x144xf32, #tpu.memory_space<vmem>>, vector<16xf32>,
        tpu.vector_store %arg19[%swap3A_424, %swap3A_425], %unpack3A_420 {strides = array<i32>} : memref<40x144xf32, #tpu.memory_space<vmem>>, vector<16xf32>,
        %get3A_427 = arith.index_cast %add3A_399 : i32 to index
        %get3A_428 = arith.constant 64 : index
        %get3A_429 = tpu.vector_load %arg11[%get3A_427, %get3A_428] {strides = array<i32>} : memref<40x128xbf16, #tpu.memory_space<vmem>>, vector<32xbf16>,
        %get3A_430 = arith.index_cast %add3A_399 : i32 to index
        %get3A_431 = arith.constant 64 : index
        %get3A_432 = tpu.vector_load %arg15[%get3A_430, %get3A_431] {strides = array<i32>} : memref<40x128xbf16, #tpu.memory_space<vmem>>, vector<32xbf16>,
        %mul3A_433 = arith.mulf %get3A_429, %get3A_432 : vector<32xbf16>
        %unpack3A_434 = tpu.unpack_subelements %mul3A_433, 0 {pack_format = #tpu.pack_format<interleaved>} : vector<32xbf16> -> vector<16xf32>
        %unpack3A_435 = tpu.unpack_subelements %mul3A_433, 1 {pack_format = #tpu.pack_format<interleaved>} : vector<32xbf16> -> vector<16xf32>
        %swap3A_436 = arith.index_cast %add3A_399 : i32 to index
        %swap3A_437 = arith.constant 64 : index
        %swap3A_438 = tpu.vector_load %arg19[%swap3A_436, %swap3A_437] {strides = array<i32>} : memref<40x144xf32, #tpu.memory_space<vmem>>, vector<16xf32>,
        tpu.vector_store %arg19[%swap3A_436, %swap3A_437], %unpack3A_434 {strides = array<i32>} : memref<40x144xf32, #tpu.memory_space<vmem>>, vector<16xf32>,
        %swap3A_439 = arith.index_cast %add3A_399 : i32 to index
        %swap3A_440 = arith.constant 80 : index
        %swap3A_441 = tpu.vector_load %arg19[%swap3A_439, %swap3A_440] {strides = array<i32>} : memref<40x144xf32, #tpu.memory_space<vmem>>, vector<16xf32>,
        tpu.vector_store %arg19[%swap3A_439, %swap3A_440], %unpack3A_435 {strides = array<i32>} : memref<40x144xf32, #tpu.memory_space<vmem>>, vector<16xf32>,
        %get3A_442 = arith.index_cast %add3A_399 : i32 to index
        %get3A_443 = arith.constant 96 : index
        %get3A_444 = tpu.vector_load %arg11[%get3A_442, %get3A_443] {strides = array<i32>} : memref<40x128xbf16, #tpu.memory_space<vmem>>, vector<32xbf16>,
        %get3A_445 = arith.index_cast %add3A_399 : i32 to index
        %get3A_446 = arith.constant 96 : index
        %get3A_447 = tpu.vector_load %arg15[%get3A_445, %get3A_446] {strides = array<i32>} : memref<40x128xbf16, #tpu.memory_space<vmem>>, vector<32xbf16>,
        %mul3A_448 = arith.mulf %get3A_444, %get3A_447 : vector<32xbf16>
        %unpack3A_449 = tpu.unpack_subelements %mul3A_448, 0 {pack_format = #tpu.pack_format<interleaved>} : vector<32xbf16> -> vector<16xf32>
        %unpack3A_450 = tpu.unpack_subelements %mul3A_448, 1 {pack_format = #tpu.pack_format<interleaved>} : vector<32xbf16> -> vector<16xf32>
        %swap3A_451 = arith.index_cast %add3A_399 : i32 to index
        %swap3A_452 = arith.constant 96 : index
        %swap3A_453 = tpu.vector_load %arg19[%swap3A_451, %swap3A_452] {strides = array<i32>} : memref<40x144xf32, #tpu.memory_space<vmem>>, vector<16xf32>,
        tpu.vector_store %arg19[%swap3A_451, %swap3A_452], %unpack3A_449 {strides = array<i32>} : memref<40x144xf32, #tpu.memory_space<vmem>>, vector<16xf32>,
        %swap3A_454 = arith.index_cast %add3A_399 : i32 to index
        %swap3A_455 = arith.constant 112 : index
        %swap3A_456 = tpu.vector_load %arg19[%swap3A_454, %swap3A_455] {strides = array<i32>} : memref<40x144xf32, #tpu.memory_space<vmem>>, vector<16xf32>,
        tpu.vector_store %arg19[%swap3A_454, %swap3A_455], %unpack3A_450 {strides = array<i32>} : memref<40x144xf32, #tpu.memory_space<vmem>>, vector<16xf32>,
        %mul3A_457 = arith.constant 2 : i32
        %mul3A_458 = arith.muli %scan3A_394, %mul3A_457 : i32
        %add3A_459 = arith.constant 1 : i32
        %add3A_460 = arith.addi %mul3A_458, %add3A_459 : i32
        %get3A_461 = arith.index_cast %add3A_460 : i32 to index
        %get3A_462 = arith.constant 0 : index
        %get3A_463 = tpu.vector_load %arg11[%get3A_461, %get3A_462] {strides = array<i32>} : memref<40x128xbf16, #tpu.memory_space<vmem>>, vector<32xbf16>,
        %get3A_464 = arith.index_cast %add3A_460 : i32 to index
        %get3A_465 = arith.constant 0 : index
        %get3A_466 = tpu.vector_load %arg15[%get3A_464, %get3A_465] {strides = array<i32>} : memref<40x128xbf16, #tpu.memory_space<vmem>>, vector<32xbf16>,
        %mul3A_467 = arith.mulf %get3A_463, %get3A_466 : vector<32xbf16>
        %unpack3A_468 = tpu.unpack_subelements %mul3A_467, 0 {pack_format = #tpu.pack_format<interleaved>} : vector<32xbf16> -> vector<16xf32>
        %unpack3A_469 = tpu.unpack_subelements %mul3A_467, 1 {pack_format = #tpu.pack_format<interleaved>} : vector<32xbf16> -> vector<16xf32>
        %swap3A_470 = arith.index_cast %add3A_460 : i32 to index
        %swap3A_471 = arith.constant 0 : index
        %swap3A_472 = tpu.vector_load %arg19[%swap3A_470, %swap3A_471] {strides = array<i32>} : memref<40x144xf32, #tpu.memory_space<vmem>>, vector<16xf32>,
        tpu.vector_store %arg19[%swap3A_470, %swap3A_471], %unpack3A_468 {strides = array<i32>} : memref<40x144xf32, #tpu.memory_space<vmem>>, vector<16xf32>,
        %swap3A_473 = arith.index_cast %add3A_460 : i32 to index
        %swap3A_474 = arith.constant 16 : index
        %swap3A_475 = tpu.vector_load %arg19[%swap3A_473, %swap3A_474] {strides = array<i32>} : memref<40x144xf32, #tpu.memory_space<vmem>>, vector<16xf32>,
        tpu.vector_store %arg19[%swap3A_473, %swap3A_474], %unpack3A_469 {strides = array<i32>} : memref<40x144xf32, #tpu.memory_space<vmem>>, vector<16xf32>,
        %get3A_476 = arith.index_cast %add3A_460 : i32 to index
        %get3A_477 = arith.constant 32 : index
        %get3A_478 = tpu.vector_load %arg11[%get3A_476, %get3A_477] {strides = array<i32>} : memref<40x128xbf16, #tpu.memory_space<vmem>>, vector<32xbf16>,
        %get3A_479 = arith.index_cast %add3A_460 : i32 to index
        %get3A_480 = arith.constant 32 : index
        %get3A_481 = tpu.vector_load %arg15[%get3A_479, %get3A_480] {strides = array<i32>} : memref<40x128xbf16, #tpu.memory_space<vmem>>, vector<32xbf16>,
        %mul3A_482 = arith.mulf %get3A_478, %get3A_481 : vector<32xbf16>
        %unpack3A_483 = tpu.unpack_subelements %mul3A_482, 0 {pack_format = #tpu.pack_format<interleaved>} : vector<32xbf16> -> vector<16xf32>
        %unpack3A_484 = tpu.unpack_subelements %mul3A_482, 1 {pack_format = #tpu.pack_format<interleaved>} : vector<32xbf16> -> vector<16xf32>
        %swap3A_485 = arith.index_cast %add3A_460 : i32 to index
        %swap3A_486 = arith.constant 32 : index
        %swap3A_487 = tpu.vector_load %arg19[%swap3A_485, %swap3A_486] {strides = array<i32>} : memref<40x144xf32, #tpu.memory_space<vmem>>, vector<16xf32>,
        tpu.vector_store %arg19[%swap3A_485, %swap3A_486], %unpack3A_483 {strides = array<i32>} : memref<40x144xf32, #tpu.memory_space<vmem>>, vector<16xf32>,
        %swap3A_488 = arith.index_cast %add3A_460 : i32 to index
        %swap3A_489 = arith.constant 48 : index
        %swap3A_490 = tpu.vector_load %arg19[%swap3A_488, %swap3A_489] {strides = array<i32>} : memref<40x144xf32, #tpu.memory_space<vmem>>, vector<16xf32>,
        tpu.vector_store %arg19[%swap3A_488, %swap3A_489], %unpack3A_484 {strides = array<i32>} : memref<40x144xf32, #tpu.memory_space<vmem>>, vector<16xf32>,
        %get3A_491 = arith.index_cast %add3A_460 : i32 to index
        %get3A_492 = arith.constant 64 : index
        %get3A_493 = tpu.vector_load %arg11[%get3A_491, %get3A_492] {strides = array<i32>} : memref<40x128xbf16, #tpu.memory_space<vmem>>, vector<32xbf16>,
        %get3A_494 = arith.index_cast %add3A_460 : i32 to index
        %get3A_495 = arith.constant 64 : index
        %get3A_496 = tpu.vector_load %arg15[%get3A_494, %get3A_495] {strides = array<i32>} : memref<40x128xbf16, #tpu.memory_space<vmem>>, vector<32xbf16>,
        %mul3A_497 = arith.mulf %get3A_493, %get3A_496 : vector<32xbf16>
        %unpack3A_498 = tpu.unpack_subelements %mul3A_497, 0 {pack_format = #tpu.pack_format<interleaved>} : vector<32xbf16> -> vector<16xf32>
        %unpack3A_499 = tpu.unpack_subelements %mul3A_497, 1 {pack_format = #tpu.pack_format<interleaved>} : vector<32xbf16> -> vector<16xf32>
        %swap3A_500 = arith.index_cast %add3A_460 : i32 to index
        %swap3A_501 = arith.constant 64 : index
        %swap3A_502 = tpu.vector_load %arg19[%swap3A_500, %swap3A_501] {strides = array<i32>} : memref<40x144xf32, #tpu.memory_space<vmem>>, vector<16xf32>,
        tpu.vector_store %arg19[%swap3A_500, %swap3A_501], %unpack3A_498 {strides = array<i32>} : memref<40x144xf32, #tpu.memory_space<vmem>>, vector<16xf32>,
        %swap3A_503 = arith.index_cast %add3A_460 : i32 to index
        %swap3A_504 = arith.constant 80 : index
        %swap3A_505 = tpu.vector_load %arg19[%swap3A_503, %swap3A_504] {strides = array<i32>} : memref<40x144xf32, #tpu.memory_space<vmem>>, vector<16xf32>,
        tpu.vector_store %arg19[%swap3A_503, %swap3A_504], %unpack3A_499 {strides = array<i32>} : memref<40x144xf32, #tpu.memory_space<vmem>>, vector<16xf32>,
        %get3A_506 = arith.index_cast %add3A_460 : i32 to index
        %get3A_507 = arith.constant 96 : index
        %get3A_508 = tpu.vector_load %arg11[%get3A_506, %get3A_507] {strides = array<i32>} : memref<40x128xbf16, #tpu.memory_space<vmem>>, vector<32xbf16>,
        %get3A_509 = arith.index_cast %add3A_460 : i32 to index
        %get3A_510 = arith.constant 96 : index
        %get3A_511 = tpu.vector_load %arg15[%get3A_509, %get3A_510] {strides = array<i32>} : memref<40x128xbf16, #tpu.memory_space<vmem>>, vector<32xbf16>,
        %mul3A_512 = arith.mulf %get3A_508, %get3A_511 : vector<32xbf16>
        %unpack3A_513 = tpu.unpack_subelements %mul3A_512, 0 {pack_format = #tpu.pack_format<interleaved>} : vector<32xbf16> -> vector<16xf32>
        %unpack3A_514 = tpu.unpack_subelements %mul3A_512, 1 {pack_format = #tpu.pack_format<interleaved>} : vector<32xbf16> -> vector<16xf32>
        %swap3A_515 = arith.index_cast %add3A_460 : i32 to index
        %swap3A_516 = arith.constant 96 : index
        %swap3A_517 = tpu.vector_load %arg19[%swap3A_515, %swap3A_516] {strides = array<i32>} : memref<40x144xf32, #tpu.memory_space<vmem>>, vector<16xf32>,
        tpu.vector_store %arg19[%swap3A_515, %swap3A_516], %unpack3A_513 {strides = array<i32>} : memref<40x144xf32, #tpu.memory_space<vmem>>, vector<16xf32>,
        %swap3A_518 = arith.index_cast %add3A_460 : i32 to index
        %swap3A_519 = arith.constant 112 : index
        %swap3A_520 = tpu.vector_load %arg19[%swap3A_518, %swap3A_519] {strides = array<i32>} : memref<40x144xf32, #tpu.memory_space<vmem>>, vector<16xf32>,
        tpu.vector_store %arg19[%swap3A_518, %swap3A_519], %unpack3A_514 {strides = array<i32>} : memref<40x144xf32, #tpu.memory_space<vmem>>, vector<16xf32>,
        %scan3A_521 = arith.constant 0 : i32
        scf.yield %scan3A_521 : i32
      }
      %scan3A_333 = arith.constant 20 : i32
      %dma_start3A_334 = arith.constant 0 : i32
      %dma_start3A_335 = arith.constant 0 : i32
      %dma_start3A_336 = tpu.memref_slice %arg7[%dma_start3A_334, %dma_start3A_335] : memref<2x40xi32, #tpu.memory_space<vmem>> -> memref<1x40xi32, #tpu.memory_space<vmem>>
      %dma_start3A_337 = tpu.memref_squeeze %dma_start3A_336 : memref<1x40xi32, #tpu.memory_space<vmem>> -> memref<40xi32, #tpu.memory_space<vmem>>
      %dma_start3A_338 = arith.constant 0 : i32
      %dma_start3A_339 = arith.constant 0 : i32
      %dma_start3A_340 = tpu.memref_slice %arg21[%dma_start3A_338, %dma_start3A_339] : memref<10240x144xf32, #tpu.memory_space<vmem_shared>> -> memref<10240x144xf32, #tpu.memory_space<vmem_shared>>
      tpu.enqueue_indirect_dma source(%arg19 : memref<40x144xf32, #tpu.memory_space<vmem>>) target(%dma_start3A_340 : memref<10240x144xf32, #tpu.memory_space<vmem_shared>>) offsets(%dma_start3A_337 : memref<40xi32, #tpu.memory_space<vmem>>) semaphore(%arg34 : memref<!tpu.dma_semaphore, #tpu.memory_space<semaphore_mem>>) {add = true}
      %mul3A_341 = arith.constant 4 : i32
      %mul3A_342 = arith.muli %mul3A_341, %scan3A_185 : i32
      %add3A_343 = arith.constant 2 : i32
      %add3A_344 = arith.addi %add3A_343, %mul3A_342 : i32
      %add3A_345 = arith.constant 3 : i32
      %add3A_346 = arith.addi %add3A_344, %add3A_345 : i32
      %add3A_347 = arith.constant 1 : i32
      %add3A_348 = arith.addi %add3A_346, %add3A_347 : i32
      %lt3A_349 = arith.constant 250 : i32
      %lt3A_350 = arith.cmpi slt, %add3A_348, %lt3A_349 : i32
      %convert_element_type3A_351 = arith.extui %lt3A_350 : i1 to i32
      %cond3A_352 = arith.constant 0 : i32
      %cond3A_353 = arith.cmpi ne, %convert_element_type3A_351, %cond3A_352 : i32
      scf.if %cond3A_353 {
        %dma_wait3A_394 = arith.constant 0 : i32
        %dma_wait3A_395 = tpu.memref_slice %arg2[%dma_wait3A_394, %mul3A_2] : memref<2x320000xi32, #tpu.memory_space<hbm>> -> memref<2x40xi32, #tpu.memory_space<hbm>>
        %dma_wait3A_396 = arith.constant 0 : i32
        %dma_wait3A_397 = tpu.memref_slice %arg2[%dma_wait3A_396, %mul3A_2] : memref<2x320000xi32, #tpu.memory_space<hbm>> -> memref<2x40xi32, #tpu.memory_space<hbm>>
        tpu.wait_dma2 semaphore(%arg24 : memref<!tpu.dma_semaphore, #tpu.memory_space<semaphore_mem>>) src(%dma_wait3A_397 : memref<2x40xi32, #tpu.memory_space<hbm>>) dst(%arg9 : memref<2x40xi32, #tpu.memory_space<vmem>>)
        %dma_start3A_398 = arith.constant 1 : i32
        %dma_start3A_399 = arith.constant 0 : i32
        %dma_start3A_400 = tpu.memref_slice %arg9[%dma_start3A_398, %dma_start3A_399] : memref<2x40xi32, #tpu.memory_space<vmem>> -> memref<1x40xi32, #tpu.memory_space<vmem>>
        %dma_start3A_401 = tpu.memref_squeeze %dma_start3A_400 : memref<1x40xi32, #tpu.memory_space<vmem>> -> memref<40xi32, #tpu.memory_space<vmem>>
        %dma_start3A_402 = arith.constant 0 : i32
        %dma_start3A_403 = arith.constant 0 : i32
        %dma_start3A_404 = tpu.memref_slice %arg4[%dma_start3A_402, %dma_start3A_403] : memref<2048x128xbf16, #tpu.memory_space<hbm>> -> memref<2048x128xbf16, #tpu.memory_space<hbm>>
        tpu.enqueue_indirect_dma source(%dma_start3A_404 : memref<2048x128xbf16, #tpu.memory_space<hbm>>) target(%arg17 : memref<40x128xbf16, #tpu.memory_space<vmem>>) offsets(%dma_start3A_401 : memref<40xi32, #tpu.memory_space<vmem>>) semaphore(%arg32 : memref<!tpu.dma_semaphore, #tpu.memory_space<semaphore_mem>>)
      } else {
      }
      %dma_wait3A_354 = arith.constant 0 : i32
      %dma_wait3A_355 = tpu.memref_slice %arg3[%mul3A_2, %dma_wait3A_354] : memref<320000x128xbf16, #tpu.memory_space<hbm>> -> memref<40x128xbf16, #tpu.memory_space<hbm>>
      %dma_wait3A_356 = arith.constant 0 : i32
      %dma_wait3A_357 = tpu.memref_slice %arg3[%mul3A_2, %dma_wait3A_356] : memref<320000x128xbf16, #tpu.memory_space<hbm>> -> memref<40x128xbf16, #tpu.memory_space<hbm>>
      tpu.wait_dma2 semaphore(%arg27 : memref<!tpu.dma_semaphore, #tpu.memory_space<semaphore_mem>>) src(%dma_wait3A_357 : memref<40x128xbf16, #tpu.memory_space<hbm>>) dst(%arg12 : memref<40x128xbf16, #tpu.memory_space<vmem>>)
      %dma_wait3A_358 = arith.constant 1 : i32
      %dma_wait3A_359 = arith.constant 0 : i32
      %dma_wait3A_360 = tpu.memref_slice %arg8[%dma_wait3A_358, %dma_wait3A_359] : memref<2x40xi32, #tpu.memory_space<vmem>> -> memref<1x40xi32, #tpu.memory_space<vmem>>
      %dma_wait3A_361 = tpu.memref_squeeze %dma_wait3A_360 : memref<1x40xi32, #tpu.memory_space<vmem>> -> memref<40xi32, #tpu.memory_space<vmem>>
      %dma_wait3A_362 = arith.constant 0 : i32
      %dma_wait3A_363 = arith.constant 0 : i32
      %dma_wait3A_364 = tpu.memref_slice %arg4[%dma_wait3A_362, %dma_wait3A_363] : memref<2048x128xbf16, #tpu.memory_space<hbm>> -> memref<2048x128xbf16, #tpu.memory_space<hbm>>
      tpu.wait_indirect_dma semaphore(%arg31 : memref<!tpu.dma_semaphore, #tpu.memory_space<semaphore_mem>>) src(%dma_wait3A_364 : memref<2048x128xbf16, #tpu.memory_space<hbm>>) dst(%arg16 : memref<40x128xbf16, #tpu.memory_space<vmem>>)
      %dma_wait3A_365 = arith.constant 0 : i32
      %dma_wait3A_366 = arith.constant 0 : i32
      %dma_wait3A_367 = tpu.memref_slice %arg7[%dma_wait3A_365, %dma_wait3A_366] : memref<2x40xi32, #tpu.memory_space<vmem>> -> memref<1x40xi32, #tpu.memory_space<vmem>>
      %dma_wait3A_368 = tpu.memref_squeeze %dma_wait3A_367 : memref<1x40xi32, #tpu.memory_space<vmem>> -> memref<40xi32, #tpu.memory_space<vmem>>
      %dma_wait3A_369 = arith.constant 0 : i32
      %dma_wait3A_370 = arith.constant 0 : i32
      %dma_wait3A_371 = tpu.memref_slice %arg21[%dma_wait3A_369, %dma_wait3A_370] : memref<10240x144xf32, #tpu.memory_space<vmem_shared>> -> memref<10240x144xf32, #tpu.memory_space<vmem_shared>>
      tpu.wait_indirect_dma semaphore(%arg35 : memref<!tpu.dma_semaphore, #tpu.memory_space<semaphore_mem>>) src(%arg20 : memref<40x144xf32, #tpu.memory_space<vmem>>) dst(%dma_wait3A_371 : memref<10240x144xf32, #tpu.memory_space<vmem_shared>>)
      %add3A_372 = arith.constant 2 : i32
      %add3A_373 = arith.addi %add3A_346, %add3A_372 : i32
      %lt3A_374 = arith.constant 250 : i32
      %lt3A_375 = arith.cmpi slt, %add3A_373, %lt3A_374 : i32
      %convert_element_type3A_376 = arith.extui %lt3A_375 : i1 to i32
      %cond3A_377 = arith.constant 0 : i32
      %cond3A_378 = arith.cmpi ne, %convert_element_type3A_376, %cond3A_377 : i32
      scf.if %cond3A_378 {
        %add3A_394 = arith.constant 2 : i32
        %add3A_395 = arith.addi %add3A_346, %add3A_394 : i32
        %mul3A_396 = arith.constant 40 : i32
        %mul3A_397 = arith.muli %add3A_395, %mul3A_396 : i32
        %add3A_398 = arith.addi %mul3A_2, %mul3A_397 : i32
        %dma_start3A_399 = arith.constant 0 : i32
        %dma_start3A_400 = tpu.memref_slice %arg2[%dma_start3A_399, %add3A_398] : memref<2x320000xi32, #tpu.memory_space<hbm>> -> memref<2x40xi32, #tpu.memory_space<hbm>>
        %dma_start3A_401 = arith.constant 0 : i32
        %dma_start3A_402 = tpu.memref_slice %arg2[%dma_start3A_401, %add3A_398] : memref<2x320000xi32, #tpu.memory_space<hbm>> -> memref<2x40xi32, #tpu.memory_space<hbm>>
        tpu.enqueue_dma source(%dma_start3A_402 : memref<2x40xi32, #tpu.memory_space<hbm>>) target(%arg10 : memref<2x40xi32, #tpu.memory_space<vmem>>) target_semaphore(%arg25 : memref<!tpu.dma_semaphore, #tpu.memory_space<semaphore_mem>>)
        %add3A_403 = arith.constant 2 : i32
        %add3A_404 = arith.addi %add3A_346, %add3A_403 : i32
        %mul3A_405 = arith.constant 40 : i32
        %mul3A_406 = arith.muli %add3A_404, %mul3A_405 : i32
        %add3A_407 = arith.addi %mul3A_2, %mul3A_406 : i32
        %dma_start3A_408 = arith.constant 0 : i32
        %dma_start3A_409 = tpu.memref_slice %arg3[%add3A_407, %dma_start3A_408] : memref<320000x128xbf16, #tpu.memory_space<hbm>> -> memref<40x128xbf16, #tpu.memory_space<hbm>>
        %dma_start3A_410 = arith.constant 0 : i32
        %dma_start3A_411 = tpu.memref_slice %arg3[%add3A_407, %dma_start3A_410] : memref<320000x128xbf16, #tpu.memory_space<hbm>> -> memref<40x128xbf16, #tpu.memory_space<hbm>>
        tpu.enqueue_dma source(%dma_start3A_411 : memref<40x128xbf16, #tpu.memory_space<hbm>>) target(%arg14 : memref<40x128xbf16, #tpu.memory_space<vmem>>) target_semaphore(%arg29 : memref<!tpu.dma_semaphore, #tpu.memory_space<semaphore_mem>>)
      } else {
      }
      %scan3A_379 = arith.constant 0 : i32
      %scan3A_380 = arith.constant 0 : i32
      %scan3A_381 = arith.constant 20 : i32
      %scan3A_382 = arith.addi %scan3A_380, %scan3A_381 : i32
      %scan3A_383 = arith.constant 1 : i32
      %scan3A_384 = scf.for %scan3A_394 = %scan3A_380 to %scan3A_382 step %scan3A_383 iter_args(%scan3A_395 = %scan3A_379) -> (i32)  : i32 {
        %mul3A_396 = arith.constant 2 : i32
        %mul3A_397 = arith.muli %scan3A_394, %mul3A_396 : i32
        %add3A_398 = arith.constant 0 : i32
        %add3A_399 = arith.addi %mul3A_397, %add3A_398 : i32
        %get3A = arith.index_cast %add3A_399 : i32 to index
        %get3A_400 = arith.constant 0 : index
        %get3A_401 = tpu.vector_load %arg12[%get3A, %get3A_400] {strides = array<i32>} : memref<40x128xbf16, #tpu.memory_space<vmem>>, vector<32xbf16>,
        %get3A_402 = arith.index_cast %add3A_399 : i32 to index
        %get3A_403 = arith.constant 0 : index
        %get3A_404 = tpu.vector_load %arg16[%get3A_402, %get3A_403] {strides = array<i32>} : memref<40x128xbf16, #tpu.memory_space<vmem>>, vector<32xbf16>,
        %mul3A_405 = arith.mulf %get3A_401, %get3A_404 : vector<32xbf16>
        %unpack3A = tpu.unpack_subelements %mul3A_405, 0 {pack_format = #tpu.pack_format<interleaved>} : vector<32xbf16> -> vector<16xf32>
        %unpack3A_406 = tpu.unpack_subelements %mul3A_405, 1 {pack_format = #tpu.pack_format<interleaved>} : vector<32xbf16> -> vector<16xf32>
        %swap3A = arith.index_cast %add3A_399 : i32 to index
        %swap3A_407 = arith.constant 0 : index
        %swap3A_408 = tpu.vector_load %arg20[%swap3A, %swap3A_407] {strides = array<i32>} : memref<40x144xf32, #tpu.memory_space<vmem>>, vector<16xf32>,
        tpu.vector_store %arg20[%swap3A, %swap3A_407], %unpack3A {strides = array<i32>} : memref<40x144xf32, #tpu.memory_space<vmem>>, vector<16xf32>,
        %swap3A_409 = arith.index_cast %add3A_399 : i32 to index
        %swap3A_410 = arith.constant 16 : index
        %swap3A_411 = tpu.vector_load %arg20[%swap3A_409, %swap3A_410] {strides = array<i32>} : memref<40x144xf32, #tpu.memory_space<vmem>>, vector<16xf32>,
        tpu.vector_store %arg20[%swap3A_409, %swap3A_410], %unpack3A_406 {strides = array<i32>} : memref<40x144xf32, #tpu.memory_space<vmem>>, vector<16xf32>,
        %get3A_412 = arith.index_cast %add3A_399 : i32 to index
        %get3A_413 = arith.constant 32 : index
        %get3A_414 = tpu.vector_load %arg12[%get3A_412, %get3A_413] {strides = array<i32>} : memref<40x128xbf16, #tpu.memory_space<vmem>>, vector<32xbf16>,
        %get3A_415 = arith.index_cast %add3A_399 : i32 to index
        %get3A_416 = arith.constant 32 : index
        %get3A_417 = tpu.vector_load %arg16[%get3A_415, %get3A_416] {strides = array<i32>} : memref<40x128xbf16, #tpu.memory_space<vmem>>, vector<32xbf16>,
        %mul3A_418 = arith.mulf %get3A_414, %get3A_417 : vector<32xbf16>
        %unpack3A_419 = tpu.unpack_subelements %mul3A_418, 0 {pack_format = #tpu.pack_format<interleaved>} : vector<32xbf16> -> vector<16xf32>
        %unpack3A_420 = tpu.unpack_subelements %mul3A_418, 1 {pack_format = #tpu.pack_format<interleaved>} : vector<32xbf16> -> vector<16xf32>
        %swap3A_421 = arith.index_cast %add3A_399 : i32 to index
        %swap3A_422 = arith.constant 32 : index
        %swap3A_423 = tpu.vector_load %arg20[%swap3A_421, %swap3A_422] {strides = array<i32>} : memref<40x144xf32, #tpu.memory_space<vmem>>, vector<16xf32>,
        tpu.vector_store %arg20[%swap3A_421, %swap3A_422], %unpack3A_419 {strides = array<i32>} : memref<40x144xf32, #tpu.memory_space<vmem>>, vector<16xf32>,
        %swap3A_424 = arith.index_cast %add3A_399 : i32 to index
        %swap3A_425 = arith.constant 48 : index
        %swap3A_426 = tpu.vector_load %arg20[%swap3A_424, %swap3A_425] {strides = array<i32>} : memref<40x144xf32, #tpu.memory_space<vmem>>, vector<16xf32>,
        tpu.vector_store %arg20[%swap3A_424, %swap3A_425], %unpack3A_420 {strides = array<i32>} : memref<40x144xf32, #tpu.memory_space<vmem>>, vector<16xf32>,
        %get3A_427 = arith.index_cast %add3A_399 : i32 to index
        %get3A_428 = arith.constant 64 : index
        %get3A_429 = tpu.vector_load %arg12[%get3A_427, %get3A_428] {strides = array<i32>} : memref<40x128xbf16, #tpu.memory_space<vmem>>, vector<32xbf16>,
        %get3A_430 = arith.index_cast %add3A_399 : i32 to index
        %get3A_431 = arith.constant 64 : index
        %get3A_432 = tpu.vector_load %arg16[%get3A_430, %get3A_431] {strides = array<i32>} : memref<40x128xbf16, #tpu.memory_space<vmem>>, vector<32xbf16>,
        %mul3A_433 = arith.mulf %get3A_429, %get3A_432 : vector<32xbf16>
        %unpack3A_434 = tpu.unpack_subelements %mul3A_433, 0 {pack_format = #tpu.pack_format<interleaved>} : vector<32xbf16> -> vector<16xf32>
        %unpack3A_435 = tpu.unpack_subelements %mul3A_433, 1 {pack_format = #tpu.pack_format<interleaved>} : vector<32xbf16> -> vector<16xf32>
        %swap3A_436 = arith.index_cast %add3A_399 : i32 to index
        %swap3A_437 = arith.constant 64 : index
        %swap3A_438 = tpu.vector_load %arg20[%swap3A_436, %swap3A_437] {strides = array<i32>} : memref<40x144xf32, #tpu.memory_space<vmem>>, vector<16xf32>,
        tpu.vector_store %arg20[%swap3A_436, %swap3A_437], %unpack3A_434 {strides = array<i32>} : memref<40x144xf32, #tpu.memory_space<vmem>>, vector<16xf32>,
        %swap3A_439 = arith.index_cast %add3A_399 : i32 to index
        %swap3A_440 = arith.constant 80 : index
        %swap3A_441 = tpu.vector_load %arg20[%swap3A_439, %swap3A_440] {strides = array<i32>} : memref<40x144xf32, #tpu.memory_space<vmem>>, vector<16xf32>,
        tpu.vector_store %arg20[%swap3A_439, %swap3A_440], %unpack3A_435 {strides = array<i32>} : memref<40x144xf32, #tpu.memory_space<vmem>>, vector<16xf32>,
        %get3A_442 = arith.index_cast %add3A_399 : i32 to index
        %get3A_443 = arith.constant 96 : index
        %get3A_444 = tpu.vector_load %arg12[%get3A_442, %get3A_443] {strides = array<i32>} : memref<40x128xbf16, #tpu.memory_space<vmem>>, vector<32xbf16>,
        %get3A_445 = arith.index_cast %add3A_399 : i32 to index
        %get3A_446 = arith.constant 96 : index
        %get3A_447 = tpu.vector_load %arg16[%get3A_445, %get3A_446] {strides = array<i32>} : memref<40x128xbf16, #tpu.memory_space<vmem>>, vector<32xbf16>,
        %mul3A_448 = arith.mulf %get3A_444, %get3A_447 : vector<32xbf16>
        %unpack3A_449 = tpu.unpack_subelements %mul3A_448, 0 {pack_format = #tpu.pack_format<interleaved>} : vector<32xbf16> -> vector<16xf32>
        %unpack3A_450 = tpu.unpack_subelements %mul3A_448, 1 {pack_format = #tpu.pack_format<interleaved>} : vector<32xbf16> -> vector<16xf32>
        %swap3A_451 = arith.index_cast %add3A_399 : i32 to index
        %swap3A_452 = arith.constant 96 : index
        %swap3A_453 = tpu.vector_load %arg20[%swap3A_451, %swap3A_452] {strides = array<i32>} : memref<40x144xf32, #tpu.memory_space<vmem>>, vector<16xf32>,
        tpu.vector_store %arg20[%swap3A_451, %swap3A_452], %unpack3A_449 {strides = array<i32>} : memref<40x144xf32, #tpu.memory_space<vmem>>, vector<16xf32>,
        %swap3A_454 = arith.index_cast %add3A_399 : i32 to index
        %swap3A_455 = arith.constant 112 : index
        %swap3A_456 = tpu.vector_load %arg20[%swap3A_454, %swap3A_455] {strides = array<i32>} : memref<40x144xf32, #tpu.memory_space<vmem>>, vector<16xf32>,
        tpu.vector_store %arg20[%swap3A_454, %swap3A_455], %unpack3A_450 {strides = array<i32>} : memref<40x144xf32, #tpu.memory_space<vmem>>, vector<16xf32>,
        %mul3A_457 = arith.constant 2 : i32
        %mul3A_458 = arith.muli %scan3A_394, %mul3A_457 : i32
        %add3A_459 = arith.constant 1 : i32
        %add3A_460 = arith.addi %mul3A_458, %add3A_459 : i32
        %get3A_461 = arith.index_cast %add3A_460 : i32 to index
        %get3A_462 = arith.constant 0 : index
        %get3A_463 = tpu.vector_load %arg12[%get3A_461, %get3A_462] {strides = array<i32>} : memref<40x128xbf16, #tpu.memory_space<vmem>>, vector<32xbf16>,
        %get3A_464 = arith.index_cast %add3A_460 : i32 to index
        %get3A_465 = arith.constant 0 : index
        %get3A_466 = tpu.vector_load %arg16[%get3A_464, %get3A_465] {strides = array<i32>} : memref<40x128xbf16, #tpu.memory_space<vmem>>, vector<32xbf16>,
        %mul3A_467 = arith.mulf %get3A_463, %get3A_466 : vector<32xbf16>
        %unpack3A_468 = tpu.unpack_subelements %mul3A_467, 0 {pack_format = #tpu.pack_format<interleaved>} : vector<32xbf16> -> vector<16xf32>
        %unpack3A_469 = tpu.unpack_subelements %mul3A_467, 1 {pack_format = #tpu.pack_format<interleaved>} : vector<32xbf16> -> vector<16xf32>
        %swap3A_470 = arith.index_cast %add3A_460 : i32 to index
        %swap3A_471 = arith.constant 0 : index
        %swap3A_472 = tpu.vector_load %arg20[%swap3A_470, %swap3A_471] {strides = array<i32>} : memref<40x144xf32, #tpu.memory_space<vmem>>, vector<16xf32>,
        tpu.vector_store %arg20[%swap3A_470, %swap3A_471], %unpack3A_468 {strides = array<i32>} : memref<40x144xf32, #tpu.memory_space<vmem>>, vector<16xf32>,
        %swap3A_473 = arith.index_cast %add3A_460 : i32 to index
        %swap3A_474 = arith.constant 16 : index
        %swap3A_475 = tpu.vector_load %arg20[%swap3A_473, %swap3A_474] {strides = array<i32>} : memref<40x144xf32, #tpu.memory_space<vmem>>, vector<16xf32>,
        tpu.vector_store %arg20[%swap3A_473, %swap3A_474], %unpack3A_469 {strides = array<i32>} : memref<40x144xf32, #tpu.memory_space<vmem>>, vector<16xf32>,
        %get3A_476 = arith.index_cast %add3A_460 : i32 to index
        %get3A_477 = arith.constant 32 : index
        %get3A_478 = tpu.vector_load %arg12[%get3A_476, %get3A_477] {strides = array<i32>} : memref<40x128xbf16, #tpu.memory_space<vmem>>, vector<32xbf16>,
        %get3A_479 = arith.index_cast %add3A_460 : i32 to index
        %get3A_480 = arith.constant 32 : index
        %get3A_481 = tpu.vector_load %arg16[%get3A_479, %get3A_480] {strides = array<i32>} : memref<40x128xbf16, #tpu.memory_space<vmem>>, vector<32xbf16>,
        %mul3A_482 = arith.mulf %get3A_478, %get3A_481 : vector<32xbf16>
        %unpack3A_483 = tpu.unpack_subelements %mul3A_482, 0 {pack_format = #tpu.pack_format<interleaved>} : vector<32xbf16> -> vector<16xf32>
        %unpack3A_484 = tpu.unpack_subelements %mul3A_482, 1 {pack_format = #tpu.pack_format<interleaved>} : vector<32xbf16> -> vector<16xf32>
        %swap3A_485 = arith.index_cast %add3A_460 : i32 to index
        %swap3A_486 = arith.constant 32 : index
        %swap3A_487 = tpu.vector_load %arg20[%swap3A_485, %swap3A_486] {strides = array<i32>} : memref<40x144xf32, #tpu.memory_space<vmem>>, vector<16xf32>,
        tpu.vector_store %arg20[%swap3A_485, %swap3A_486], %unpack3A_483 {strides = array<i32>} : memref<40x144xf32, #tpu.memory_space<vmem>>, vector<16xf32>,
        %swap3A_488 = arith.index_cast %add3A_460 : i32 to index
        %swap3A_489 = arith.constant 48 : index
        %swap3A_490 = tpu.vector_load %arg20[%swap3A_488, %swap3A_489] {strides = array<i32>} : memref<40x144xf32, #tpu.memory_space<vmem>>, vector<16xf32>,
        tpu.vector_store %arg20[%swap3A_488, %swap3A_489], %unpack3A_484 {strides = array<i32>} : memref<40x144xf32, #tpu.memory_space<vmem>>, vector<16xf32>,
        %get3A_491 = arith.index_cast %add3A_460 : i32 to index
        %get3A_492 = arith.constant 64 : index
        %get3A_493 = tpu.vector_load %arg12[%get3A_491, %get3A_492] {strides = array<i32>} : memref<40x128xbf16, #tpu.memory_space<vmem>>, vector<32xbf16>,
        %get3A_494 = arith.index_cast %add3A_460 : i32 to index
        %get3A_495 = arith.constant 64 : index
        %get3A_496 = tpu.vector_load %arg16[%get3A_494, %get3A_495] {strides = array<i32>} : memref<40x128xbf16, #tpu.memory_space<vmem>>, vector<32xbf16>,
        %mul3A_497 = arith.mulf %get3A_493, %get3A_496 : vector<32xbf16>
        %unpack3A_498 = tpu.unpack_subelements %mul3A_497, 0 {pack_format = #tpu.pack_format<interleaved>} : vector<32xbf16> -> vector<16xf32>
        %unpack3A_499 = tpu.unpack_subelements %mul3A_497, 1 {pack_format = #tpu.pack_format<interleaved>} : vector<32xbf16> -> vector<16xf32>
        %swap3A_500 = arith.index_cast %add3A_460 : i32 to index
        %swap3A_501 = arith.constant 64 : index
        %swap3A_502 = tpu.vector_load %arg20[%swap3A_500, %swap3A_501] {strides = array<i32>} : memref<40x144xf32, #tpu.memory_space<vmem>>, vector<16xf32>,
        tpu.vector_store %arg20[%swap3A_500, %swap3A_501], %unpack3A_498 {strides = array<i32>} : memref<40x144xf32, #tpu.memory_space<vmem>>, vector<16xf32>,
        %swap3A_503 = arith.index_cast %add3A_460 : i32 to index
        %swap3A_504 = arith.constant 80 : index
        %swap3A_505 = tpu.vector_load %arg20[%swap3A_503, %swap3A_504] {strides = array<i32>} : memref<40x144xf32, #tpu.memory_space<vmem>>, vector<16xf32>,
        tpu.vector_store %arg20[%swap3A_503, %swap3A_504], %unpack3A_499 {strides = array<i32>} : memref<40x144xf32, #tpu.memory_space<vmem>>, vector<16xf32>,
        %get3A_506 = arith.index_cast %add3A_460 : i32 to index
        %get3A_507 = arith.constant 96 : index
        %get3A_508 = tpu.vector_load %arg12[%get3A_506, %get3A_507] {strides = array<i32>} : memref<40x128xbf16, #tpu.memory_space<vmem>>, vector<32xbf16>,
        %get3A_509 = arith.index_cast %add3A_460 : i32 to index
        %get3A_510 = arith.constant 96 : index
        %get3A_511 = tpu.vector_load %arg16[%get3A_509, %get3A_510] {strides = array<i32>} : memref<40x128xbf16, #tpu.memory_space<vmem>>, vector<32xbf16>,
        %mul3A_512 = arith.mulf %get3A_508, %get3A_511 : vector<32xbf16>
        %unpack3A_513 = tpu.unpack_subelements %mul3A_512, 0 {pack_format = #tpu.pack_format<interleaved>} : vector<32xbf16> -> vector<16xf32>
        %unpack3A_514 = tpu.unpack_subelements %mul3A_512, 1 {pack_format = #tpu.pack_format<interleaved>} : vector<32xbf16> -> vector<16xf32>
        %swap3A_515 = arith.index_cast %add3A_460 : i32 to index
        %swap3A_516 = arith.constant 96 : index
        %swap3A_517 = tpu.vector_load %arg20[%swap3A_515, %swap3A_516] {strides = array<i32>} : memref<40x144xf32, #tpu.memory_space<vmem>>, vector<16xf32>,
        tpu.vector_store %arg20[%swap3A_515, %swap3A_516], %unpack3A_513 {strides = array<i32>} : memref<40x144xf32, #tpu.memory_space<vmem>>, vector<16xf32>,
        %swap3A_518 = arith.index_cast %add3A_460 : i32 to index
        %swap3A_519 = arith.constant 112 : index
        %swap3A_520 = tpu.vector_load %arg20[%swap3A_518, %swap3A_519] {strides = array<i32>} : memref<40x144xf32, #tpu.memory_space<vmem>>, vector<16xf32>,
        tpu.vector_store %arg20[%swap3A_518, %swap3A_519], %unpack3A_514 {strides = array<i32>} : memref<40x144xf32, #tpu.memory_space<vmem>>, vector<16xf32>,
        %scan3A_521 = arith.constant 0 : i32
        scf.yield %scan3A_521 : i32
      }
      %scan3A_385 = arith.constant 20 : i32
      %dma_start3A_386 = arith.constant 0 : i32
      %dma_start3A_387 = arith.constant 0 : i32
      %dma_start3A_388 = tpu.memref_slice %arg8[%dma_start3A_386, %dma_start3A_387] : memref<2x40xi32, #tpu.memory_space<vmem>> -> memref<1x40xi32, #tpu.memory_space<vmem>>
      %dma_start3A_389 = tpu.memref_squeeze %dma_start3A_388 : memref<1x40xi32, #tpu.memory_space<vmem>> -> memref<40xi32, #tpu.memory_space<vmem>>
      %dma_start3A_390 = arith.constant 0 : i32
      %dma_start3A_391 = arith.constant 0 : i32
      %dma_start3A_392 = tpu.memref_slice %arg21[%dma_start3A_390, %dma_start3A_391] : memref<10240x144xf32, #tpu.memory_space<vmem_shared>> -> memref<10240x144xf32, #tpu.memory_space<vmem_shared>>
      tpu.enqueue_indirect_dma source(%arg20 : memref<40x144xf32, #tpu.memory_space<vmem>>) target(%dma_start3A_392 : memref<10240x144xf32, #tpu.memory_space<vmem_shared>>) offsets(%dma_start3A_389 : memref<40xi32, #tpu.memory_space<vmem>>) semaphore(%arg35 : memref<!tpu.dma_semaphore, #tpu.memory_space<semaphore_mem>>) {add = true}
      %scan3A_393 = arith.constant 0 : i32
      scf.yield %scan3A_393 : i32
    }
    %scan3A_162 = arith.constant 62 : i32
    %dma_wait3A_163 = arith.constant 0 : i32
    %dma_wait3A_164 = arith.constant 0 : i32
    %dma_wait3A_165 = tpu.memref_slice %arg7[%dma_wait3A_163, %dma_wait3A_164] : memref<2x40xi32, #tpu.memory_space<vmem>> -> memref<1x40xi32, #tpu.memory_space<vmem>>
    %dma_wait3A_166 = tpu.memref_squeeze %dma_wait3A_165 : memref<1x40xi32, #tpu.memory_space<vmem>> -> memref<40xi32, #tpu.memory_space<vmem>>
    %dma_wait3A_167 = arith.constant 0 : i32
    %dma_wait3A_168 = arith.constant 0 : i32
    %dma_wait3A_169 = tpu.memref_slice %arg21[%dma_wait3A_167, %dma_wait3A_168] : memref<10240x144xf32, #tpu.memory_space<vmem_shared>> -> memref<10240x144xf32, #tpu.memory_space<vmem_shared>>
    tpu.wait_indirect_dma semaphore(%arg34 : memref<!tpu.dma_semaphore, #tpu.memory_space<semaphore_mem>>) src(%arg19 : memref<40x144xf32, #tpu.memory_space<vmem>>) dst(%dma_wait3A_169 : memref<10240x144xf32, #tpu.memory_space<vmem_shared>>)
    %dma_wait3A_170 = arith.constant 0 : i32
    %dma_wait3A_171 = arith.constant 0 : i32
    %dma_wait3A_172 = tpu.memref_slice %arg7[%dma_wait3A_170, %dma_wait3A_171] : memref<2x40xi32, #tpu.memory_space<vmem>> -> memref<1x40xi32, #tpu.memory_space<vmem>>
    %dma_wait3A_173 = tpu.memref_squeeze %dma_wait3A_172 : memref<1x40xi32, #tpu.memory_space<vmem>> -> memref<40xi32, #tpu.memory_space<vmem>>
    %dma_wait3A_174 = arith.constant 0 : i32
    %dma_wait3A_175 = arith.constant 0 : i32
    %dma_wait3A_176 = tpu.memref_slice %arg21[%dma_wait3A_174, %dma_wait3A_175] : memref<10240x144xf32, #tpu.memory_space<vmem_shared>> -> memref<10240x144xf32, #tpu.memory_space<vmem_shared>>
    tpu.wait_indirect_dma semaphore(%arg35 : memref<!tpu.dma_semaphore, #tpu.memory_space<semaphore_mem>>) src(%arg20 : memref<40x144xf32, #tpu.memory_space<vmem>>) dst(%dma_wait3A_176 : memref<10240x144xf32, #tpu.memory_space<vmem_shared>>)
    %barrier3A_177 = arith.constant 0 : index
    tpu.barrier barrier_id(%barrier3A_177)
    %scan3A_178 = arith.constant 0 : i32
    %scan3A_179 = arith.constant 0 : i32
    %scan3A_180 = arith.constant 16 : i32
    %scan3A_181 = arith.addi %scan3A_179, %scan3A_180 : i32
    %scan3A_182 = arith.constant 1 : i32
    %scan3A_183 = scf.for %scan3A_185 = %scan3A_179 to %scan3A_181 step %scan3A_182 iter_args(%scan3A_186 = %scan3A_178) -> (i32)  : i32 {
      %mul3A_187 = arith.constant 640 : i32
      %mul3A_188 = arith.muli %arg1, %mul3A_187 : i32
      %mul3A_189 = arith.constant 40 : i32
      %mul3A_190 = arith.muli %scan3A_185, %mul3A_189 : i32
      %add3A_191 = arith.addi %mul3A_188, %mul3A_190 : i32
      "tpu.region"() ({
        %run_scoped3A = tpu.sem_alloc : memref<!tpu.dma_semaphore, #tpu.memory_space<semaphore_mem>>
        %dma_start3A_193 = arith.constant 0 : i32
        %dma_start3A_194 = tpu.memref_slice %arg5[%arg0, %add3A_191, %dma_start3A_193] : memref<2x10240x128xf32, #tpu.memory_space<hbm>> -> memref<1x40x128xf32, #tpu.memory_space<hbm>>
        %dma_start3A_195 = tpu.memref_squeeze %dma_start3A_194 : memref<1x40x128xf32, #tpu.memory_space<hbm>> -> memref<40x128xf32, #tpu.memory_space<hbm>>
        %dma_start3A_196 = arith.constant 0 : i32
        %dma_start3A_197 = tpu.memref_slice %arg21[%add3A_191, %dma_start3A_196] : memref<10240x144xf32, #tpu.memory_space<vmem_shared>> -> memref<40x128xf32, #tpu.memory_space<vmem_shared>>
        tpu.enqueue_dma source(%dma_start3A_197 : memref<40x128xf32, #tpu.memory_space<vmem_shared>>) target(%dma_start3A_195 : memref<40x128xf32, #tpu.memory_space<hbm>>) target_semaphore(%run_scoped3A : memref<!tpu.dma_semaphore, #tpu.memory_space<semaphore_mem>>)
        %dma_wait3A_198 = arith.constant 0 : i32
        %dma_wait3A_199 = tpu.memref_slice %arg5[%arg0, %add3A_191, %dma_wait3A_198] : memref<2x10240x128xf32, #tpu.memory_space<hbm>> -> memref<1x40x128xf32, #tpu.memory_space<hbm>>
        %dma_wait3A_200 = tpu.memref_squeeze %dma_wait3A_199 : memref<1x40x128xf32, #tpu.memory_space<hbm>> -> memref<40x128xf32, #tpu.memory_space<hbm>>
        %dma_wait3A_201 = arith.constant 0 : i32
        %dma_wait3A_202 = tpu.memref_slice %arg21[%add3A_191, %dma_wait3A_201] : memref<10240x144xf32, #tpu.memory_space<vmem_shared>> -> memref<40x128xf32, #tpu.memory_space<vmem_shared>>
        tpu.wait_dma2 semaphore(%run_scoped3A : memref<!tpu.dma_semaphore, #tpu.memory_space<semaphore_mem>>) src(%dma_wait3A_202 : memref<40x128xf32, #tpu.memory_space<vmem_shared>>) dst(%dma_wait3A_200 : memref<40x128xf32, #tpu.memory_space<hbm>>)
        tpu.yield
      }) : () -> ()
      "tpu.region"() ({
        %run_scoped3A = tpu.sem_alloc : memref<!tpu.dma_semaphore, #tpu.memory_space<semaphore_mem>>
        %dma_start3A_193 = arith.constant 0 : i32
        %dma_start3A_194 = tpu.memref_slice %arg6[%arg0, %add3A_191, %dma_start3A_193] : memref<2x10240x16xf32, #tpu.memory_space<hbm>> -> memref<1x40x16xf32, #tpu.memory_space<hbm>>
        %dma_start3A_195 = tpu.memref_squeeze %dma_start3A_194 : memref<1x40x16xf32, #tpu.memory_space<hbm>> -> memref<40x16xf32, #tpu.memory_space<hbm>>
        %dma_start3A_196 = arith.constant 128 : i32
        %dma_start3A_197 = tpu.memref_slice %arg21[%add3A_191, %dma_start3A_196] : memref<10240x144xf32, #tpu.memory_space<vmem_shared>> -> memref<40x16xf32, #tpu.memory_space<vmem_shared>>
        tpu.enqueue_dma source(%dma_start3A_197 : memref<40x16xf32, #tpu.memory_space<vmem_shared>>) target(%dma_start3A_195 : memref<40x16xf32, #tpu.memory_space<hbm>>) target_semaphore(%run_scoped3A : memref<!tpu.dma_semaphore, #tpu.memory_space<semaphore_mem>>)
        %dma_wait3A_198 = arith.constant 0 : i32
        %dma_wait3A_199 = tpu.memref_slice %arg6[%arg0, %add3A_191, %dma_wait3A_198] : memref<2x10240x16xf32, #tpu.memory_space<hbm>> -> memref<1x40x16xf32, #tpu.memory_space<hbm>>
        %dma_wait3A_200 = tpu.memref_squeeze %dma_wait3A_199 : memref<1x40x16xf32, #tpu.memory_space<hbm>> -> memref<40x16xf32, #tpu.memory_space<hbm>>
        %dma_wait3A_201 = arith.constant 128 : i32
        %dma_wait3A_202 = tpu.memref_slice %arg21[%add3A_191, %dma_wait3A_201] : memref<10240x144xf32, #tpu.memory_space<vmem_shared>> -> memref<40x16xf32, #tpu.memory_space<vmem_shared>>
        tpu.wait_dma2 semaphore(%run_scoped3A : memref<!tpu.dma_semaphore, #tpu.memory_space<semaphore_mem>>) src(%dma_wait3A_202 : memref<40x16xf32, #tpu.memory_space<vmem_shared>>) dst(%dma_wait3A_200 : memref<40x16xf32, #tpu.memory_space<hbm>>)
        tpu.yield
      }) : () -> ()
      %scan3A_192 = arith.constant 0 : i32
      scf.yield %scan3A_192 : i32
    }
    %scan3A_184 = arith.constant 16 : i32
    return
  }
}

module attributes {stable_mosaic.version = 14 : i64} {
  func.func @_edge_mlp_body(%arg0: i32, %arg1: memref<4x2560xf32, #tpu.memory_space<vmem>>, %arg2: memref<64x4xbf16, #tpu.memory_space<vmem>>, %arg3: memref<64xf32, #tpu.memory_space<vmem>>, %arg4: memref<64x64xbf16, #tpu.memory_space<vmem>>, %arg5: memref<64xf32, #tpu.memory_space<vmem>>, %arg6: memref<64x128xbf16, #tpu.memory_space<vmem>>, %arg7: memref<128xf32, #tpu.memory_space<vmem>>, %arg8: memref<2560x128xbf16, #tpu.memory_space<vmem>>) attributes {dimension_semantics = [#tpu.dimension_semantics<arbitrary>], iteration_bounds = array<i64: 125>, scalar_prefetch = 0 : i64, scratch_operands = 0 : i64, tpu.core_type = #tpu.core_type<tc>, window_params = [{transform_indices = @transform_0, window_bounds = array<i64: 4, 2560>}, {pipeline_mode = #tpu.pipeline_mode<synchronous>, transform_indices = @transform_1, window_bounds = array<i64: 64, 4>}, {pipeline_mode = #tpu.pipeline_mode<synchronous>, transform_indices = @transform_2, window_bounds = array<i64: 64>}, {pipeline_mode = #tpu.pipeline_mode<synchronous>, transform_indices = @transform_3, window_bounds = array<i64: 64, 64>}, {pipeline_mode = #tpu.pipeline_mode<synchronous>, transform_indices = @transform_4, window_bounds = array<i64: 64>}, {pipeline_mode = #tpu.pipeline_mode<synchronous>, transform_indices = @transform_5, window_bounds = array<i64: 64, 128>}, {pipeline_mode = #tpu.pipeline_mode<synchronous>, transform_indices = @transform_6, window_bounds = array<i64: 128>}, {transform_indices = @transform_7, window_bounds = array<i64: 2560, 128>}]} {
    %get3A = arith.constant 0 : index
    %get3A_0 = arith.constant 0 : index
    %get3A_1 = vector.load %arg1[%get3A, %get3A_0] : memref<4x2560xf32, #tpu.memory_space<vmem>>, vector<4x2560xf32>
    %convert_element_type3A = arith.truncf %get3A_1 : vector<4x2560xf32> to vector<4x2560xbf16>
    %get3A_2 = arith.constant 0 : index
    %get3A_3 = arith.constant 0 : index
    %get3A_4 = vector.load %arg2[%get3A_2, %get3A_3] : memref<64x4xbf16, #tpu.memory_space<vmem>>, vector<64x4xbf16>
    %dot_general3A = arith.constant dense<0.000000e+00> : vector<64x2560xf32>
    %dot_general3A_5 = tpu.matmul %get3A_4, %convert_element_type3A, %dot_general3A {dimension_numbers = #tpu.dot_dimension_numbers<[1], [0], [0], [1], [0, 0, 1, 1], [], []>, transpose_lhs_hint = false} : vector<64x4xbf16>, vector<4x2560xbf16>, vector<64x2560xf32> -> vector<64x2560xf32>
    %get3A_6 = arith.constant 0 : index
    %get3A_7 = vector.load %arg3[%get3A_6] : memref<64xf32, #tpu.memory_space<vmem>>, vector<64xf32>
    %broadcast_in_dim3A = vector.shape_cast %get3A_7 : vector<64xf32> to vector<64x1xf32>
    %add3A = vector.broadcast %broadcast_in_dim3A : vector<64x1xf32> to vector<64x2560xf32>
    %add3A_8 = arith.addf %dot_general3A_5, %add3A : vector<64x2560xf32>
    %integer_pow3A = arith.mulf %add3A_8, %add3A_8 : vector<64x2560xf32>
    %integer_pow3A_9 = arith.mulf %add3A_8, %integer_pow3A : vector<64x2560xf32>
    %mul3A = arith.constant 4.471500e-02 : f32
    %mul3A_10 = vector.broadcast %mul3A : f32 to vector<64x2560xf32>
    %mul3A_11 = arith.mulf %mul3A_10, %integer_pow3A_9 : vector<64x2560xf32>
    %add3A_12 = arith.addf %add3A_8, %mul3A_11 : vector<64x2560xf32>
    %mul3A_13 = arith.constant 0.797884583 : f32
    %mul3A_14 = vector.broadcast %mul3A_13 : f32 to vector<64x2560xf32>
    %mul3A_15 = arith.mulf %mul3A_14, %add3A_12 : vector<64x2560xf32>
    %tanh3A = math.tanh %mul3A_15 : vector<64x2560xf32>
    %add3A_16 = arith.constant 1.000000e+00 : f32
    %add3A_17 = vector.broadcast %add3A_16 : f32 to vector<64x2560xf32>
    %add3A_18 = arith.addf %add3A_17, %tanh3A : vector<64x2560xf32>
    %mul3A_19 = arith.constant 5.000000e-01 : f32
    %mul3A_20 = vector.broadcast %mul3A_19 : f32 to vector<64x2560xf32>
    %mul3A_21 = arith.mulf %mul3A_20, %add3A_18 : vector<64x2560xf32>
    %mul3A_22 = arith.mulf %add3A_8, %mul3A_21 : vector<64x2560xf32>
    %get3A_23 = arith.constant 0 : index
    %get3A_24 = arith.constant 0 : index
    %get3A_25 = vector.load %arg4[%get3A_23, %get3A_24] : memref<64x64xbf16, #tpu.memory_space<vmem>>, vector<64x64xbf16>
    %convert_element_type3A_26 = arith.truncf %mul3A_22 : vector<64x2560xf32> to vector<64x2560xbf16>
    %dot_general3A_27 = arith.constant dense<0.000000e+00> : vector<64x2560xf32>
    %dot_general3A_28 = tpu.matmul %get3A_25, %convert_element_type3A_26, %dot_general3A_27 {dimension_numbers = #tpu.dot_dimension_numbers<[1], [0], [0], [1], [0, 0, 1, 1], [], []>, transpose_lhs_hint = false} : vector<64x64xbf16>, vector<64x2560xbf16>, vector<64x2560xf32> -> vector<64x2560xf32>
    %get3A_29 = arith.constant 0 : index
    %get3A_30 = vector.load %arg5[%get3A_29] : memref<64xf32, #tpu.memory_space<vmem>>, vector<64xf32>
    %broadcast_in_dim3A_31 = vector.shape_cast %get3A_30 : vector<64xf32> to vector<64x1xf32>
    %add3A_32 = vector.broadcast %broadcast_in_dim3A_31 : vector<64x1xf32> to vector<64x2560xf32>
    %add3A_33 = arith.addf %dot_general3A_28, %add3A_32 : vector<64x2560xf32>
    %integer_pow3A_34 = arith.mulf %add3A_33, %add3A_33 : vector<64x2560xf32>
    %integer_pow3A_35 = arith.mulf %add3A_33, %integer_pow3A_34 : vector<64x2560xf32>
    %mul3A_36 = arith.constant 4.471500e-02 : f32
    %mul3A_37 = vector.broadcast %mul3A_36 : f32 to vector<64x2560xf32>
    %mul3A_38 = arith.mulf %mul3A_37, %integer_pow3A_35 : vector<64x2560xf32>
    %add3A_39 = arith.addf %add3A_33, %mul3A_38 : vector<64x2560xf32>
    %mul3A_40 = arith.constant 0.797884583 : f32
    %mul3A_41 = vector.broadcast %mul3A_40 : f32 to vector<64x2560xf32>
    %mul3A_42 = arith.mulf %mul3A_41, %add3A_39 : vector<64x2560xf32>
    %tanh3A_43 = math.tanh %mul3A_42 : vector<64x2560xf32>
    %add3A_44 = arith.constant 1.000000e+00 : f32
    %add3A_45 = vector.broadcast %add3A_44 : f32 to vector<64x2560xf32>
    %add3A_46 = arith.addf %add3A_45, %tanh3A_43 : vector<64x2560xf32>
    %mul3A_47 = arith.constant 5.000000e-01 : f32
    %mul3A_48 = vector.broadcast %mul3A_47 : f32 to vector<64x2560xf32>
    %mul3A_49 = arith.mulf %mul3A_48, %add3A_46 : vector<64x2560xf32>
    %mul3A_50 = arith.mulf %add3A_33, %mul3A_49 : vector<64x2560xf32>
    %convert_element_type3A_51 = arith.truncf %mul3A_50 : vector<64x2560xf32> to vector<64x2560xbf16>
    %get3A_52 = arith.constant 0 : index
    %get3A_53 = arith.constant 0 : index
    %get3A_54 = vector.load %arg6[%get3A_52, %get3A_53] : memref<64x128xbf16, #tpu.memory_space<vmem>>, vector<64x128xbf16>
    %dot_general3A_55 = arith.constant dense<0.000000e+00> : vector<2560x128xf32>
    %dot_general3A_56 = tpu.matmul %convert_element_type3A_51, %get3A_54, %dot_general3A_55 {dimension_numbers = #tpu.dot_dimension_numbers<[0], [0], [1], [1], [0, 1, 1, 1], [], []>, transpose_lhs_hint = false} : vector<64x2560xbf16>, vector<64x128xbf16>, vector<2560x128xf32> -> vector<2560x128xf32>
    %get3A_57 = arith.constant 0 : index
    %get3A_58 = vector.load %arg7[%get3A_57] : memref<128xf32, #tpu.memory_space<vmem>>, vector<128xf32>
    %broadcast_in_dim3A_59 = vector.shape_cast %get3A_58 : vector<128xf32> to vector<1x128xf32>
    %add3A_60 = vector.broadcast %broadcast_in_dim3A_59 : vector<1x128xf32> to vector<2560x128xf32>
    %add3A_61 = arith.addf %dot_general3A_56, %add3A_60 : vector<2560x128xf32>
    %convert_element_type3A_62 = arith.truncf %add3A_61 : vector<2560x128xf32> to vector<2560x128xbf16>
    %swap3A = arith.constant 0 : index
    %swap3A_63 = arith.constant 0 : index
    %swap3A_64 = vector.load %arg8[%swap3A, %swap3A_63] : memref<2560x128xbf16, #tpu.memory_space<vmem>>, vector<2560x128xbf16>
    tpu.vector_store %arg8[%swap3A, %swap3A_63], %convert_element_type3A_62 {strides = array<i32>} : memref<2560x128xbf16, #tpu.memory_space<vmem>>, vector<2560x128xbf16>,
    return
  }
  func.func @transform_0(%arg0: i32) -> (i32, i32) {
    %c0_i32 = arith.constant 0 : i32
    %c0_i32_0 = arith.constant 0 : i32
    return %c0_i32, %arg0 : i32, i32
  }
  func.func @transform_1(%arg0: i32) -> (i32, i32) {
    %c0_i32 = arith.constant 0 : i32
    %c0_i32_0 = arith.constant 0 : i32
    %c0_i32_1 = arith.constant 0 : i32
    return %c0_i32, %c0_i32_0 : i32, i32
  }
  func.func @transform_2(%arg0: i32) -> i32 {
    %c0_i32 = arith.constant 0 : i32
    %c0_i32_0 = arith.constant 0 : i32
    return %c0_i32 : i32
  }
  func.func @transform_3(%arg0: i32) -> (i32, i32) {
    %c0_i32 = arith.constant 0 : i32
    %c0_i32_0 = arith.constant 0 : i32
    %c0_i32_1 = arith.constant 0 : i32
    return %c0_i32, %c0_i32_0 : i32, i32
  }
  func.func @transform_4(%arg0: i32) -> i32 {
    %c0_i32 = arith.constant 0 : i32
    %c0_i32_0 = arith.constant 0 : i32
    return %c0_i32 : i32
  }
  func.func @transform_5(%arg0: i32) -> (i32, i32) {
    %c0_i32 = arith.constant 0 : i32
    %c0_i32_0 = arith.constant 0 : i32
    %c0_i32_1 = arith.constant 0 : i32
    return %c0_i32, %c0_i32_0 : i32, i32
  }
  func.func @transform_6(%arg0: i32) -> i32 {
    %c0_i32 = arith.constant 0 : i32
    %c0_i32_0 = arith.constant 0 : i32
    return %c0_i32 : i32
  }
  func.func @transform_7(%arg0: i32) -> (i32, i32) {
    %c0_i32 = arith.constant 0 : i32
    %c0_i32_0 = arith.constant 0 : i32
    return %arg0, %c0_i32 : i32, i32
  }
}

module attributes {stable_mosaic.version = 14 : i64} {
  func.func @_proj_body(%arg0: i32, %arg1: memref<1x400x128xf32, #tpu.memory_space<vmem>>, %arg2: memref<1x400x128xf32, #tpu.memory_space<vmem>>, %arg3: memref<1x400x16xf32, #tpu.memory_space<vmem>>, %arg4: memref<1x400x16xf32, #tpu.memory_space<vmem>>, %arg5: memref<128x256xf32, #tpu.memory_space<vmem>>, %arg6: memref<256xf32, #tpu.memory_space<vmem>>, %arg7: memref<256x128xf32, #tpu.memory_space<vmem>>, %arg8: memref<128xf32, #tpu.memory_space<vmem>>, %arg9: memref<400x128xf32, #tpu.memory_space<vmem>>) attributes {dimension_semantics = [#tpu.dimension_semantics<arbitrary>], iteration_bounds = array<i64: 25>, scalar_prefetch = 0 : i64, scratch_operands = 0 : i64, tpu.core_type = #tpu.core_type<tc>, window_params = [{transform_indices = @transform_0, window_bounds = array<i64: 1, 400, 128>}, {transform_indices = @transform_1, window_bounds = array<i64: 1, 400, 128>}, {transform_indices = @transform_2, window_bounds = array<i64: 1, 400, 16>}, {transform_indices = @transform_3, window_bounds = array<i64: 1, 400, 16>}, {pipeline_mode = #tpu.pipeline_mode<synchronous>, transform_indices = @transform_4, window_bounds = array<i64: 128, 256>}, {pipeline_mode = #tpu.pipeline_mode<synchronous>, transform_indices = @transform_5, window_bounds = array<i64: 256>}, {pipeline_mode = #tpu.pipeline_mode<synchronous>, transform_indices = @transform_6, window_bounds = array<i64: 256, 128>}, {pipeline_mode = #tpu.pipeline_mode<synchronous>, transform_indices = @transform_7, window_bounds = array<i64: 128>}, {transform_indices = @transform_8, window_bounds = array<i64: 400, 128>}]} {
    %get3A = arith.constant 0 : index
    %get3A_0 = arith.constant 0 : index
    %get3A_1 = arith.constant 0 : index
    %get3A_2 = vector.load %arg1[%get3A, %get3A_0, %get3A_1] : memref<1x400x128xf32, #tpu.memory_space<vmem>>, vector<1x400x128xf32>
    %get3A_3 = vector.shape_cast %get3A_2 : vector<1x400x128xf32> to vector<400x128xf32>
    %get3A_4 = arith.constant 0 : index
    %get3A_5 = arith.constant 0 : index
    %get3A_6 = arith.constant 0 : index
    %get3A_7 = vector.load %arg2[%get3A_4, %get3A_5, %get3A_6] : memref<1x400x128xf32, #tpu.memory_space<vmem>>, vector<1x400x128xf32>
    %get3A_8 = vector.shape_cast %get3A_7 : vector<1x400x128xf32> to vector<400x128xf32>
    %add3A = arith.addf %get3A_3, %get3A_8 : vector<400x128xf32>
    %get3A_9 = arith.constant 0 : index
    %get3A_10 = arith.constant 0 : index
    %get3A_11 = arith.constant 0 : index
    %get3A_12 = vector.load %arg3[%get3A_9, %get3A_10, %get3A_11] : memref<1x400x16xf32, #tpu.memory_space<vmem>>, vector<1x400x16xf32>
    %get3A_13 = vector.shape_cast %get3A_12 : vector<1x400x16xf32> to vector<400x16xf32>
    %get3A_14 = arith.constant 0 : index
    %get3A_15 = arith.constant 0 : index
    %get3A_16 = arith.constant 0 : index
    %get3A_17 = vector.load %arg4[%get3A_14, %get3A_15, %get3A_16] : memref<1x400x16xf32, #tpu.memory_space<vmem>>, vector<1x400x16xf32>
    %get3A_18 = vector.shape_cast %get3A_17 : vector<1x400x16xf32> to vector<400x16xf32>
    %add3A_19 = arith.addf %get3A_13, %get3A_18 : vector<400x16xf32>
    %reduce_sum3A = arith.constant dense<0.000000e+00> : vector<400xf32>
    %reduce_sum3A_20 = vector.multi_reduction <add>, %add3A_19, %reduce_sum3A [1] : vector<400x16xf32> to vector<400xf32>
    %broadcast_in_dim3A = vector.shape_cast %reduce_sum3A_20 : vector<400xf32> to vector<400x1xf32>
    %max3A = arith.constant 1.000000e+00 : f32
    %max3A_21 = vector.broadcast %max3A : f32 to vector<400x1xf32>
    %max3A_22 = arith.maximumf %broadcast_in_dim3A, %max3A_21 : vector<400x1xf32>
    %div3A = vector.broadcast %max3A_22 : vector<400x1xf32> to vector<400x128xf32>
    %div3A_23 = arith.divf %add3A, %div3A : vector<400x128xf32>
    %get3A_24 = arith.constant 0 : index
    %get3A_25 = arith.constant 0 : index
    %get3A_26 = vector.load %arg5[%get3A_24, %get3A_25] : memref<128x256xf32, #tpu.memory_space<vmem>>, vector<128x256xf32>
    %dot_general3A = arith.constant dense<0.000000e+00> : vector<400x256xf32>
    %dot_general3A_27 = tpu.matmul %div3A_23, %get3A_26, %dot_general3A {dimension_numbers = #tpu.dot_dimension_numbers<[1], [0], [0], [1], [0, 0, 1, 1], [], []>, transpose_lhs_hint = false} : vector<400x128xf32>, vector<128x256xf32>, vector<400x256xf32> -> vector<400x256xf32>
    %get3A_28 = arith.constant 0 : index
    %get3A_29 = vector.load %arg6[%get3A_28] : memref<256xf32, #tpu.memory_space<vmem>>, vector<256xf32>
    %broadcast_in_dim3A_30 = vector.shape_cast %get3A_29 : vector<256xf32> to vector<1x256xf32>
    %add3A_31 = vector.broadcast %broadcast_in_dim3A_30 : vector<1x256xf32> to vector<400x256xf32>
    %add3A_32 = arith.addf %dot_general3A_27, %add3A_31 : vector<400x256xf32>
    %integer_pow3A = arith.mulf %add3A_32, %add3A_32 : vector<400x256xf32>
    %integer_pow3A_33 = arith.mulf %add3A_32, %integer_pow3A : vector<400x256xf32>
    %mul3A = arith.constant 4.471500e-02 : f32
    %mul3A_34 = vector.broadcast %mul3A : f32 to vector<400x256xf32>
    %mul3A_35 = arith.mulf %mul3A_34, %integer_pow3A_33 : vector<400x256xf32>
    %add3A_36 = arith.addf %add3A_32, %mul3A_35 : vector<400x256xf32>
    %mul3A_37 = arith.constant 0.797884583 : f32
    %mul3A_38 = vector.broadcast %mul3A_37 : f32 to vector<400x256xf32>
    %mul3A_39 = arith.mulf %mul3A_38, %add3A_36 : vector<400x256xf32>
    %tanh3A = math.tanh %mul3A_39 : vector<400x256xf32>
    %add3A_40 = arith.constant 1.000000e+00 : f32
    %add3A_41 = vector.broadcast %add3A_40 : f32 to vector<400x256xf32>
    %add3A_42 = arith.addf %add3A_41, %tanh3A : vector<400x256xf32>
    %mul3A_43 = arith.constant 5.000000e-01 : f32
    %mul3A_44 = vector.broadcast %mul3A_43 : f32 to vector<400x256xf32>
    %mul3A_45 = arith.mulf %mul3A_44, %add3A_42 : vector<400x256xf32>
    %mul3A_46 = arith.mulf %add3A_32, %mul3A_45 : vector<400x256xf32>
    %get3A_47 = arith.constant 0 : index
    %get3A_48 = arith.constant 0 : index
    %get3A_49 = vector.load %arg7[%get3A_47, %get3A_48] : memref<256x128xf32, #tpu.memory_space<vmem>>, vector<256x128xf32>
    %dot_general3A_50 = arith.constant dense<0.000000e+00> : vector<400x128xf32>
    %dot_general3A_51 = tpu.matmul %mul3A_46, %get3A_49, %dot_general3A_50 {dimension_numbers = #tpu.dot_dimension_numbers<[1], [0], [0], [1], [0, 0, 1, 1], [], []>, transpose_lhs_hint = false} : vector<400x256xf32>, vector<256x128xf32>, vector<400x128xf32> -> vector<400x128xf32>
    %get3A_52 = arith.constant 0 : index
    %get3A_53 = vector.load %arg8[%get3A_52] : memref<128xf32, #tpu.memory_space<vmem>>, vector<128xf32>
    %broadcast_in_dim3A_54 = vector.shape_cast %get3A_53 : vector<128xf32> to vector<1x128xf32>
    %add3A_55 = vector.broadcast %broadcast_in_dim3A_54 : vector<1x128xf32> to vector<400x128xf32>
    %add3A_56 = arith.addf %dot_general3A_51, %add3A_55 : vector<400x128xf32>
    %swap3A = arith.constant 0 : index
    %swap3A_57 = arith.constant 0 : index
    %swap3A_58 = vector.load %arg9[%swap3A, %swap3A_57] : memref<400x128xf32, #tpu.memory_space<vmem>>, vector<400x128xf32>
    tpu.vector_store %arg9[%swap3A, %swap3A_57], %add3A_56 {strides = array<i32>} : memref<400x128xf32, #tpu.memory_space<vmem>>, vector<400x128xf32>,
    return
  }
  func.func @transform_0(%arg0: i32) -> (i32, i32, i32) {
    %c0_i32 = arith.constant 0 : i32
    %c0_i32_0 = arith.constant 0 : i32
    %c0_i32_1 = arith.constant 0 : i32
    return %c0_i32, %arg0, %c0_i32_0 : i32, i32, i32
  }
  func.func @transform_1(%arg0: i32) -> (i32, i32, i32) {
    %c1_i32 = arith.constant 1 : i32
    %c0_i32 = arith.constant 0 : i32
    %c0_i32_0 = arith.constant 0 : i32
    return %c1_i32, %arg0, %c0_i32 : i32, i32, i32
  }
  func.func @transform_2(%arg0: i32) -> (i32, i32, i32) {
    %c0_i32 = arith.constant 0 : i32
    %c0_i32_0 = arith.constant 0 : i32
    %c0_i32_1 = arith.constant 0 : i32
    return %c0_i32, %arg0, %c0_i32_0 : i32, i32, i32
  }
  func.func @transform_3(%arg0: i32) -> (i32, i32, i32) {
    %c1_i32 = arith.constant 1 : i32
    %c0_i32 = arith.constant 0 : i32
    %c0_i32_0 = arith.constant 0 : i32
    return %c1_i32, %arg0, %c0_i32 : i32, i32, i32
  }
  func.func @transform_4(%arg0: i32) -> (i32, i32) {
    %c0_i32 = arith.constant 0 : i32
    %c0_i32_0 = arith.constant 0 : i32
    %c0_i32_1 = arith.constant 0 : i32
    return %c0_i32, %c0_i32_0 : i32, i32
  }
  func.func @transform_5(%arg0: i32) -> i32 {
    %c0_i32 = arith.constant 0 : i32
    %c0_i32_0 = arith.constant 0 : i32
    return %c0_i32 : i32
  }
  func.func @transform_6(%arg0: i32) -> (i32, i32) {
    %c0_i32 = arith.constant 0 : i32
    %c0_i32_0 = arith.constant 0 : i32
    %c0_i32_1 = arith.constant 0 : i32
    return %c0_i32, %c0_i32_0 : i32, i32
  }
  func.func @transform_7(%arg0: i32) -> i32 {
    %c0_i32 = arith.constant 0 : i32
    %c0_i32_0 = arith.constant 0 : i32
    return %c0_i32 : i32
  }
  func.func @transform_8(%arg0: i32) -> (i32, i32) {
    %c0_i32 = arith.constant 0 : i32
    %c0_i32_0 = arith.constant 0 : i32
    return %arg0, %c0_i32 : i32, i32
  }
}

</mosaic_0001>

<sc_bundles>
// kernel: kernel.6.cloned.1.call-start
scs
__scs_entry_jumppad:
0x0: {  	(pc) =	sbr.rel $0x88, $3  }
0x1: {  	(tag) =	ssettag $0x0;
	lr =	simm.s32 $0x1  }
0x2: {  	[smem:$0x3F93] =	sst lr;
	_ =	strace $0xD0000000  }
0x3: {  	_ = 	snop  }
0x4: {  	_ = 	snop  }
0x5: {  	_ = 	snop  }
0x6: {  	_ = 	snop  }
0x7: {  	_ = 	snop  }
__scs_overlays_trampoline_lowered:
0x8: {  	[smem:$0x3FA2] =	sst s0  }
0x9: {  	[smem:$0x3FA3] =	sst s1  }
0xa: {  	[smem:$0x3FA4] =	sst s2  }
0xb: {  	[smem:$0x3FA5] =	sst s3  }
0xc: {  	[smem:$0x3FA6] =	sst s4  }
0xd: {  	[smem:$0x3FA7] =	sst s5  }
0xe: {  	[smem:$0x3FA8] =	sst s6  }
0xf: {  	[smem:$0x3FA9] =	sst s7  }
0x10: {  	[smem:$0x3FAA] =	sst s8  }
0x11: {  	[smem:$0x3FAB] =	sst s9;
	s0 =	simm.s32 @!p0 $0x0  }
0x12: {  	s1 =	sld [smem:$0x3F91];
	s0 =	simm.s32 @p0 $0x1  }
0x13: {  	[smem:$0x3FAC] =	sst s0;
	s0 =	simm.s32 @!p1 $0x0  }
0x14: {  	s2 =	sld [smem:$0x3F90];
	s0 =	simm.s32 @p1 $0x1  }
0x15: {  	[smem:$0x3FAD] =	sst s0;
	s0 =	simm.s32 @!p2 $0x0  }
0x16: {  	s3 =	sld [smem:$0x3FDB];
	s0 =	simm.s32 @p2 $0x1  }
0x17: {  	s4 =	simm.s32 $0x1BF5;
	[smem:$0x3FAF] =	sst s0  }
0x18: {  	s0 =	sld [smem:$0x3F92];
	_ =	swait.ge [sflag:s4], $0x0  }
0x19: {  	s7 =	sld [smem:$0x3F93]  }
0x1a: {  	s8 =	sadd.s32 $0xFFFFE003, lr  }
0x1b: {  	s9 =	sadd.s32 $0xFFFFFEF7, lr;
	s5 =	simm.s32 $0xFFFFFFFF;
	p2 =	slt.u32 s8, $0xFFFFF086  }
0x1c: {  	p1 =	slt.u32 s9, $0xF7A;
	s5 =	simm.s32 @!p2 $0x0  }
0x1d: {  	s5 =	simm.s32 @p1 $0x1;
	p0 =	seq.s32 s7, s2  }
0x1e: {  	s7 =	smul.u32 @!p0 $0xF7A, s2;
	p2 =	seq.s32 @!p0 s5, $0x0  }
0x1f: {  	s9 =	smul.u32 $0xF7A, s1;
	s8 =	simm.s32 @!p0 $0x1BF5;
	p2 =	por !p2, p0  }
0x20: {  	[sflag:s8] =	ssyncset.s32 @!p0 $0xFFFFF086;
	s6 =	sadd.s32 @!p0 s3, s7;
	s7 =	simm.s32 @!p0 $0x108  }
0x21: {  	s3 =	sadd.s32 s3, s9;
	s6 =	sadd.s32 @!p0 $0x88, s6;
	s7 =	simm.s32 @p2 $0x1082  }
0x22: {  	[simem:s7], [sflag:s8] =	dma.local @!p0 [hbm:s6], $0xF7A  }
0x23: {  	s9 =	sor.u32 $0xD0000000, s2;
	s6 =	simm.s32 $0x108;
	_ =	swait.ge @!p0 [sflag:s8], $0x0  }
0x24: {  	s3 =	sadd.s32 $0x88, s3;
	s6 =	simm.s32 @!p1 $0x1082;
	[sflag:s4] =	ssyncset.s32 $0xFFFFF086  }
0x25: {  	[simem:s6], [sflag:s4] =	dma.local [hbm:s3], $0xF7A  }
0x26: {  	[smem:$0x3F93] =	sst s1;
	(tag) =	ssettag s2;
	_ =	strace s9  }
0x27: {  	s1 =	sld [smem:$0x3FA3]  }
0x28: {  	s2 =	sld [smem:$0x3FA4]  }
0x29: {  	s4 =	sld [smem:$0x3FA6]  }
0x2a: {  	p0 =	seq.s32 s5, $0x0;
	s5 =	sld [smem:$0x3FA7]  }
0x2b: {  	s6 =	sld [smem:$0x3FA8]  }
0x2c: {  	s7 =	sld [smem:$0x3FA9]  }
0x2d: {  	s3 =	simm.s32 $0x108;
	s8 =	sld [smem:$0x3FAA]  }
0x2e: {  	s3 =	simm.s32 @!p0 $0x1082;
	s9 =	sld [smem:$0x3FAB]  }
0x2f: {  	lr =	sadd.s32 s0, s3;
	s0 =	sld [smem:$0x3FA2]  }
0x30: {  	s3 =	sld [smem:$0x3FA5]  }
0x31: {  	[smem:$0x3FAE] =	sst s10  }
0x32: {  	s10 =	sld [smem:$0x3FAC];
	_ =	sdelay $0x3  }
0x33: {  	p0 =	seq.s32 s10, $0x1;
	s10 =	sld [smem:$0x3FAE];
	_ =	sdelay $0x3  }
0x34: {  	[smem:$0x3FAE] =	sst s10  }
0x35: {  	s10 =	sld [smem:$0x3FAD];
	_ =	sdelay $0x3  }
0x36: {  	p1 =	seq.s32 s10, $0x1;
	s10 =	sld [smem:$0x3FAE];
	_ =	sdelay $0x3  }
0x37: {  	[smem:$0x3FAE] =	sst s10  }
0x38: {  	s10 =	sld [smem:$0x3FAF]  }
0x39: {  	_ = 	snop;
	(pc) =	sbr.ind lr, $3  }
0x3a: {  	_ = 	snop  }
0x3b: {  	_ = 	snop  }
0x3c: {  	p2 =	seq.s32 s10, $0x1;
	s10 =	sld [smem:$0x3FAE]  }
0x3d: {  	_ =	shalt  }
0x3e: {  	_ =	shalt  }
0x3f: {  	_ =	shalt  }
0x40: {  	_ =	shalt  }
0x41: {  	_ =	shalt  }
0x42: {  	_ =	shalt  }
0x43: {  	_ =	shalt  }
0x44: {  	_ =	shalt  }
0x45: {  	_ =	shalt  }
0x46: {  	_ =	shalt  }
0x47: {  	_ =	shalt  }
0x48: {  	_ =	shalt  }
0x49: {  	_ =	shalt  }
0x4a: {  	_ =	shalt  }
0x4b: {  	_ =	shalt  }
0x4c: {  	_ =	shalt  }
0x4d: {  	_ =	shalt  }
0x4e: {  	_ =	shalt  }
0x4f: {  	_ =	shalt  }
0x50: {  	_ =	shalt  }
0x51: {  	_ =	shalt  }
0x52: {  	_ =	shalt  }
0x53: {  	_ =	shalt  }
0x54: {  	_ =	shalt  }
0x55: {  	_ =	shalt  }
0x56: {  	_ =	shalt  }
0x57: {  	_ =	shalt  }
0x58: {  	_ =	shalt  }
0x59: {  	_ =	shalt  }
0x5a: {  	_ =	shalt  }
0x5b: {  	_ =	shalt  }
0x5c: {  	_ =	shalt  }
0x5d: {  	_ =	shalt  }
0x5e: {  	_ =	shalt  }
0x5f: {  	_ =	shalt  }
0x60: {  	_ =	shalt  }
0x61: {  	_ =	shalt  }
0x62: {  	_ =	shalt  }
0x63: {  	_ =	shalt  }
0x64: {  	_ =	shalt  }
0x65: {  	_ =	shalt  }
0x66: {  	_ =	shalt  }
0x67: {  	_ =	shalt  }
0x68: {  	_ =	shalt  }
0x69: {  	_ =	shalt  }
0x6a: {  	_ =	shalt  }
0x6b: {  	_ =	shalt  }
0x6c: {  	_ =	shalt  }
0x6d: {  	_ =	shalt  }
0x6e: {  	_ =	shalt  }
0x6f: {  	_ =	shalt  }
0x70: {  	_ =	shalt  }
0x71: {  	_ =	shalt  }
0x72: {  	_ =	shalt  }
0x73: {  	_ =	shalt  }
0x74: {  	_ =	shalt  }
0x75: {  	_ =	shalt  }
0x76: {  	_ =	shalt  }
0x77: {  	_ =	shalt  }
0x78: {  	_ =	shalt  }
0x79: {  	_ =	shalt  }
0x7a: {  	_ =	shalt  }
0x7b: {  	_ =	shalt  }
0x7c: {  	_ =	shalt  }
0x7d: {  	_ =	shalt  }
0x7e: {  	_ =	shalt  }
0x7f: {  	_ =	shalt  }
0x80: {  	_ =	shalt  }
0x81: {  	_ =	shalt  }
0x82: {  	_ =	shalt  }
0x83: {  	_ =	shalt  }
0x84: {  	_ =	shalt  }
0x85: {  	_ =	shalt  }
0x86: {  	_ =	shalt  }
0x87: {  	_ =	shalt  }
.Lfunc_end0:
.L_simem_size_0:
called_computation.1_lowered:
.L_overlay_start_0:
0x88: {  	s2 =	sld [smem:$0x3FD9]  }
0x89: {  	s3 =	sld [smem:$0x3FFE];
	_ =	sdelay $0x1  }
0x8a: {  	s1 =	srdreg.scid  }
0x8b: {  	s0 =	sand.u32 $0x1, s1  }
0x8c: {  	s17 =	sshll.u32 s0, $0xA;
	s2 =	sadd.s32 s3, s2  }
0x8d: {  	s2 =	sadd.s32 s2, s17  }
0x8e: {  	[smem:$0x3FBA] =	sst s2  }
0x8f: {  	_ = 	snop  }
0x90: {  	s2 =	sld [smem:$0x3FD0];
	(tm) =	ssettm $0x1  }
0x91: {  	s18 =	sld [smem:$0x3FFB];
	_ =	sdelay $0x3  }
0x92: {  	_ =	strace s18  }
0x93: {  	s3 =	sld [smem:$0x3FFC];
	_ =	sdelay $0x3  }
0x94: {  	_ =	strace s3  }
0x95: {  	s3 =	sld [smem:$0x3FFD];
	_ =	sdelay $0x3  }
0x96: {  	_ =	strace s3  }
0x97: {  	_ =	strace $0x8FFFFFFF  }
0x98: {  	s19 =	sld [smem:$0x3FDB];
	_ =	sdelay $0x1  }
0x99: {  	s4 =	simm.s32 $_scs_section_size  }
0x9a: {  	s5 =	simm.s32 $_size__tile_overlayer_lowered;
	s6 =	simm.s32 $_tile_overlayer_lowered  }
0x9b: {  	s22 =	simm.s32 $0x1BFF;
	s21 =	sshll.u32 s6, $0x1;
	s3 =	sadd.s32 s4, s19  }
0x9c: {  	s7 =	simm.s32 $0x0;
	s20 =	sshll.u32 s5, $0x1;
	s5 =	sadd.s32 s21, s3  }
0x9d: {  	[timem:s7], [sflag:s22] =	dma.local [hbm:s5], s20  }
0x9e: {  	_ =	swait.ge [sflag:s22], s20  }
0x9f: {  	s4 =	ssub.s32 $0x0, s20;
	[sflag:s22] =	ssyncset.done $0x0  }
0xa0: {  	[sflag:s22] =	ssyncadd.s32 s4;
	_ =	sdelay $0x1  }
0xa1: {  	s23 =	simm.s32 $0x1B8B  }
0xa2: {  	_ =	swait.ge [sflag:s23], $0x1  }
0xa3: {  	[sflag:s23] =	ssyncset.done $0x0  }
0xa4: {  	s25 =	simm.s32 $0x1B8E;
	s24 =	sld [smem:$0x3FFE];
	[sflag:s23] =	ssyncadd.s32 $0xFFFFFFFF  }
0xa5: {  	s26 =	simm.s32 $execute0_lowered;
	[smem:$0x3FD2] =	sst s25  }
0xa6: {  	s5 =	sshll.u32 s26, $0x1;
	_ =	strace $0x80000046;
	[dreg:$0x1] =	wrdreg $0xFFFFFFFF  }
0xa7: {  	s28 =	simm.s32 $_size_execute0_lowered;
	s3 =	sadd.s32 s3, s5;
	[dreg:$0x0] =	wrdreg $0x0  }
0xa8: {  	s5 =	sshll.u32 s28, $0x1;
	[dreg:$0x2] =	wrdreg s3  }
0xa9: {  	[dreg:$0x3] =	wrdreg s5  }
0xaa: {  	[dreg:$0x4] =	wrdreg $0xC0  }
0xab: {  	_ =	task [dreg:s7], $0x5FFFF  }
0xac: {  	[dreg:$0x1] =	wrdreg $0xFFFFFFFF  }
0xad: {  	[dreg:$0x0] =	wrdreg $0x60  }
0xae: {  	[dreg:$0x2] =	wrdreg s24  }
0xaf: {  	[dreg:$0x3] =	wrdreg s2  }
0xb0: {  	[dreg:$0x4] =	wrdreg $0x9  }
0xb1: {  	_ =	task.clear_ibuf [dreg:s7], $0x5FFFF;
	_ =	strace $0x90000046  }
0xb2: {  	s29 =	simm.s32 $0x9;
	_ =	strace $0x80000048  }
0xb3: {  	_ =	swait.ge [sflag:s29], $0x1  }
0xb4: {  	[sflag:s29] =	ssyncadd.s32 $0xFFFFFFFF  }
0xb5: {  	_ =	strace $0x90000048  }
0xb6: {  	_ =	sfence  }
0xb7: {  	s30 =	sld [smem:$0x0];
	_ =	sdelay $0x2  }
0xb8: {  	s31 =	sshll.u32 s1, $0xD;
	s1 =	sshrl.u32 s1, $0x2  }
0xb9: {  	s3 =	sand.u32 $0x4000, s31;
	s1 =	sadd.s32 s1, s30  }
0xba: {  	s0 =	sor.u32 s3, s0;
	s1 =	sshll.u32 s1, $0x11  }
0xbb: {  	s0 =	sor.u32 s1, s0  }
0xbc: {  	s0 =	sadd.s32 $0x8F2B, s0  }
0xbd: {  	[sflag:s0] =	ssyncadd.remote.s32 $0x1  }
0xbe: {  	_ =	sfence.sel $0xFFFF  }
0xbf: {  	[dreg:$0x0] =	wrdreg $0xFFFFFFFF;
	(pc) =	sbr.abs _section_cstart, $3  }
0xc0: {  	[dreg:$0x1] =	wrdreg $0xFFFFFFFF  }
0xc1: {  	_ =	task.clear_ibuf [dreg:s7], $0x2FFFF;
	_ =	strace $0x9FFFFFFF  }
0xc2: {  	(tm) =	ssettm $0x7FFFFFFF  }
0xc3: {  	_ =	shalt  }
tec
execute0_lowered:
.L_overlay_start_1:
0x0: {  	(tag) =	ssettag $0x1  }
0x1: {  	s6 =	rddreg [dreg:$0x0]  }
0x2: {  	s1 =	rddreg [dreg:$0x1]  }
0x3: {  	s0 =	rddreg [dreg:$0x2];
	s2 =	simm.s32 $0x0;
	s3 =	srdreg.scid  }
0x4: {  	s11 =	simm.s32 $0x7D0;
	s12 =	simm.s32 $0x4E200;
	s13 =	simm.s32 $0x5E20  }
0x5: {  	s14 =	simm.s32 $0x6DC0;
	s15 =	simm.s32 $0x0;
	[smem:$0x7FF] =	sst s2  }
0x6: {  	s7 =	sand.u32 $0x1, s3;
	s4 =	sadd.s32 $0x2400, s6;
	s3 =	stileid.u32  }
0x7: {  	s5 =	sadd.s32 $0x16800, s6;
	s6 =	sadd.s32 $0x15E00, s6;
	s8 =	ssub.s32 $0x2, s7  }
0x8: {  	_ =	strace $0x80000047;
	s10 =	sshll.u32 s3, $0x1;
	s9 =	sshrl.u32 s8, $0x1  }
0x9: {  	s7 =	sor.u32 s7, s10;
	s10 =	simm.s32 $0x1000;
	s8 =	ssub.s32 s8, s9  }
0xa: {  	s7 =	smul.u32 $0x2710, s7;
	s9 =	simm.s32 $0x1;
	s8 =	smax.u32 s8, $0x1  }
.LBB2_1:
0xb: {  	[tilespmem:s2], [sflag:$0x1] =	stream.linear.gather [hbm4b:s5+s2], $0x1000, $0x38;
	[tilespmem:$0x8D00] =	vst v63  }
0xc: {  	_ =	swait.ge [sflag:s9], $0x1000  }
0xd: {  	[sflag:s9] =	ssyncset.done $0x0  }
0xe: {  	[sflag:s9] =	ssyncadd.s32 $0xFFFFF000  }
0xf: {  	[tilespmem:s10], [sflag:$0x1] =	stream.linear.gather [hbm4b:s6+s2], $0x4E20, $0x38;
	[tilespmem:$0x8D00] =	vst v63  }
0x10: {  	_ =	swait.ge [sflag:s9], $0x4E20  }
0x11: {  	[sflag:s9] =	ssyncset.done $0x0  }
0x12: {  	s16 =	simm.s32 $0x0;
	[sflag:s9] =	ssyncadd.s32 $0xFFFFB1E0  }
.LBB2_2:
0x13: {  	s17 =	smul.u32 $0x7D0, s16;
	_ =	sdelay $0x1  }
0x14: {  	s17 =	sadd.s32 s7, s17  }
0x15: {  	s17 =	sshrl.u32 s17, $0x3  }
0x16: {  	s18 =	sadd.s32 s4, s17  }
0x17: {  	[tilespmem:s13], [sflag:$0x1] =	stream.strided.gather [hbm4b:s18+s11], $0xFA0, s12, s11, $0x38;
	[tilespmem:$0x8D00] =	vst v63  }
0x18: {  	_ =	swait.ge [sflag:s9], $0xFA0  }
0x19: {  	[sflag:s9] =	ssyncset.done $0x0  }
0x1a: {  	s18 =	simm.s32 $0x0;
	[sflag:s9] =	ssyncadd.s32 $0xFFFFF060  }
0x1b: {  	v0 =	vld [tilespmem:s18+$0x65F0];
	_ =	sdelay $0x4  }
0x1c: {  	v0 =	vshll.u32 v0, $0x1;
	_ =	sdelay $0x4  }
0x1d: {  	v1 =	vld.idx.msk [tilespmem:v0+s2+$0x0], $0xffff  }
0x1e: {  	v0 =	vor.u32 $0x1, v0  }
0x1f: {  	v2 =	vld [tilespmem:s18+$0x5E20];
	_ =	sdelay $0x2  }
0x20: {  	[tilespmem:s18+$0x6DC0] =	vst v1  }
0x21: {  	v0 =	vld.idx.msk [tilespmem:v0+s2+$0x0], $0xffff  }
0x22: {  	v1 =	vshll.u32 v2, $0x1;
	_ =	sdelay $0x3  }
0x23: {  	[tilespmem:s18+$0x7590] =	vst v0  }
0x24: {  	v0 =	vld.idx.msk [tilespmem:v1+s10+$0x0], $0xffff  }
0x25: {  	v1 =	vor.u32 $0x1, v1  }
0x26: {  	s20 =	simm.s32 $0x10;
	s19 =	simm.s32 $0x80  }
.LBB2_3:
0x27: {  	p0 =	sne.s32 s19, $0x1F00;
	v2 =	vld [tilespmem:s20+$0x65F0];
	_ =	sdelay $0x1  }
0x28: {  	[tilespmem:s18+$0x7D60] =	vst v0  }
0x29: {  	v0 =	vld.idx.msk [tilespmem:v1+s10+$0x0], $0xffff;
	_ =	sdelay $0x1  }
0x2a: {  	v1 =	vshll.u32 v2, $0x1;
	_ =	sdelay $0x3  }
0x2b: {  	[tilespmem:s18+$0x8530] =	vst v0;
	s18 =	smov.u32 s20  }
0x2c: {  	v0 =	vld.idx.msk [tilespmem:v1+s2+$0x0], $0xffff;
	_ =	sdelay $0x1  }
0x2d: {  	v1 =	vor.u32 $0x1, v1;
	_ =	sdelay $0x1  }
0x2e: {  	v2 =	vld [tilespmem:s18+$0x5E20];
	_ =	sdelay $0x1  }
0x2f: {  	[tilespmem:s18+$0x6DC0] =	vst v0  }
0x30: {  	v0 =	vld.idx.msk [tilespmem:v1+s2+$0x0], $0xffff;
	_ =	sdelay $0x1  }
0x31: {  	v1 =	vshll.u32 v2, $0x1;
	_ =	sdelay $0x3  }
.Ltmp0:
0x32: {  	[tilespmem:s18+$0x7590] =	vst v0;
	(pc) =	sbr.rel @p0 .LBB2_3-.Ltmp0, $3  }
0x33: {  	v0 =	vld.idx.msk [tilespmem:v1+s10+$0x0], $0xffff;
	_ =	sdelay $0x1  }
0x34: {  	v1 =	vor.u32 $0x1, v1  }
0x35: {  	s20 =	sshra.s32 s19, $0x2;
	s19 =	sadd.s32 $0x40, s19  }
0x36: {  	v2 =	vld [tilespmem:s20+$0x65F0];
	_ =	sdelay $0x2  }
0x37: {  	[tilespmem:s18+$0x7D60] =	vst v0  }
0x38: {  	v0 =	vld.idx.msk [tilespmem:v1+s10+$0x0], $0xffff  }
0x39: {  	v61 =	vshll.u32 v2, $0x1;
	_ =	sdelay $0x3  }
0x3a: {  	[tilespmem:s18+$0x8530] =	vst v0  }
0x3b: {  	v0 =	vld.idx.msk [tilespmem:v61+s2+$0x0], $0xffff  }
0x3c: {  	v1 =	vor.u32 $0x1, v61  }
0x3d: {  	v62 =	vld [tilespmem:s20+$0x5E20];
	_ =	sdelay $0x2  }
0x3e: {  	[tilespmem:s20+$0x6DC0] =	vst v0  }
0x3f: {  	v0 =	vld.idx.msk [tilespmem:v1+s2+$0x0], $0xffff  }
0x40: {  	v63 =	vshll.u32 v62, $0x1;
	_ =	sdelay $0x3  }
0x41: {  	[tilespmem:s20+$0x7590] =	vst v0  }
0x42: {  	v0 =	vld.idx.msk [tilespmem:v63+s10+$0x0], $0xffff  }
0x43: {  	v1 =	vor.u32 $0x1, v63;
	_ =	sdelay $0x3  }
0x44: {  	[tilespmem:s20+$0x7D60] =	vst v0  }
0x45: {  	v0 =	vld.idx.msk [tilespmem:v1+s10+$0x0], $0xffff;
	_ =	sdelay $0x2  }
0x46: {  	s16 =	sadd.s32 $0x1, s16  }
0x47: {  	p0 =	sne.s32 s16, $0x5  }
.Ltmp1:
0x48: {  	s17 =	sadd.s32 s1, s17;
	[tilespmem:s20+$0x8530] =	vst v0;
	(pc) =	sbr.rel @p0 .LBB2_2-.Ltmp1, $4  }
0x49: {  	[hbm4b:s17+s11] =	stream.strided.scatter [tilespmem:s14], [sflag:$0x1], $0x1F40, s12, s11, $0x38;
	[tilespmem:$0x8D00] =	vst v63  }
0x4a: {  	_ =	swait.ge [sflag:s9], $0x1F40  }
0x4b: {  	[sflag:s9] =	ssyncset.done $0x0  }
0x4c: {  	[sflag:s9] =	ssyncadd.s32 $0xFFFFE0C0  }
0x4d: {  	s15 =	sadd.s32 $0x1, s15  }
0x4e: {  	p0 =	sne.s32 s15, s8  }
.Ltmp2:
0x4f: {  	_ = 	snop;
	(pc) =	sbr.rel @p0 .LBB2_1-.Ltmp2, $1  }
0x50: {  	_ =	sdelay $0x3  }
0x51: {  	_ =	sfence.sel $0x180000  }
0x52: {  	[bflag:$0x0] =	sbarrier.arrive $0xFFFF  }
0x53: {  	p0 =	sne.s32 s3, $0x0;
	_ =	strace $0x90000047  }
0x54: {  	s0 =	sadd.s32 @!p0 $0x100000, s0;
	[bflag:$0x2] =	sbarrier.arrive $0xFFFF  }
0x55: {  	[sflag:s0] =	ssyncadd.tile.s32 @!p0 $0x1;
	_ =	shalt  }
.Lfunc_end2:
_tile_overlayer_lowered:
.L_overlay_start_2:
0x56: {  	(tag) =	ssettag $0x2  }
0x57: {  	s0 =	rddreg [dreg:$0x0];
	s2 =	stileid.u32  }
0x58: {  	s1 =	rddreg [dreg:$0x1];
	p0 =	sne.s32 s2, $0x0  }
0x59: {  	s3 =	rddreg [dreg:$0x2];
	[bflag:$0x3] =	sbarrier.arrive $0xFFFF;
	s2 =	simm.s32 @!p0 $0x1C01  }
0x5a: {  	[timem:s3], [sflag:s2] =	dma.local @!p0 [hbm:s0], s1  }
0x5b: {  	s0 =	simm.s32 @!p0 $0x1  }
0x5c: {  	_ =	swait.ge @!p0 [sflag:s0], s1  }
0x5d: {  	s1 =	ssub.s32 @!p0 $0x0, s1;
	[sflag:s0] =	ssyncset.done @!p0 $0x0  }
0x5e: {  	[sflag:s0] =	ssyncadd.s32 @!p0 s1  }
0x5f: {  	[bflag:$0x3] =	sbarrier.arrive $0xFFFF  }
0x60: {  	_ =	shalt  }

// kernel: kernel.9.cloned.1.call-start
scs
__scs_entry_jumppad:
0x0: {  	(pc) =	sbr.rel $0x88, $3  }
0x1: {  	(tag) =	ssettag $0x0;
	lr =	simm.s32 $0x1  }
0x2: {  	[smem:$0x3F93] =	sst lr;
	_ =	strace $0xD0000000  }
0x3: {  	_ = 	snop  }
0x4: {  	_ = 	snop  }
0x5: {  	_ = 	snop  }
0x6: {  	_ = 	snop  }
0x7: {  	_ = 	snop  }
__scs_overlays_trampoline_lowered:
0x8: {  	[smem:$0x3FA2] =	sst s0  }
0x9: {  	[smem:$0x3FA3] =	sst s1  }
0xa: {  	[smem:$0x3FA4] =	sst s2  }
0xb: {  	[smem:$0x3FA5] =	sst s3  }
0xc: {  	[smem:$0x3FA6] =	sst s4  }
0xd: {  	[smem:$0x3FA7] =	sst s5  }
0xe: {  	[smem:$0x3FA8] =	sst s6  }
0xf: {  	[smem:$0x3FA9] =	sst s7  }
0x10: {  	[smem:$0x3FAA] =	sst s8  }
0x11: {  	[smem:$0x3FAB] =	sst s9;
	s0 =	simm.s32 @!p0 $0x0  }
0x12: {  	s1 =	sld [smem:$0x3F91];
	s0 =	simm.s32 @p0 $0x1  }
0x13: {  	[smem:$0x3FAC] =	sst s0;
	s0 =	simm.s32 @!p1 $0x0  }
0x14: {  	s2 =	sld [smem:$0x3F90];
	s0 =	simm.s32 @p1 $0x1  }
0x15: {  	[smem:$0x3FAD] =	sst s0;
	s0 =	simm.s32 @!p2 $0x0  }
0x16: {  	s3 =	sld [smem:$0x3FDB];
	s0 =	simm.s32 @p2 $0x1  }
0x17: {  	s4 =	simm.s32 $0x1BF5;
	[smem:$0x3FAF] =	sst s0  }
0x18: {  	s0 =	sld [smem:$0x3F92];
	_ =	swait.ge [sflag:s4], $0x0  }
0x19: {  	s7 =	sld [smem:$0x3F93]  }
0x1a: {  	s8 =	sadd.s32 $0xFFFFE003, lr  }
0x1b: {  	s9 =	sadd.s32 $0xFFFFFEF7, lr;
	s5 =	simm.s32 $0xFFFFFFFF;
	p2 =	slt.u32 s8, $0xFFFFF086  }
0x1c: {  	p1 =	slt.u32 s9, $0xF7A;
	s5 =	simm.s32 @!p2 $0x0  }
0x1d: {  	s5 =	simm.s32 @p1 $0x1;
	p0 =	seq.s32 s7, s2  }
0x1e: {  	s7 =	smul.u32 @!p0 $0xF7A, s2;
	p2 =	seq.s32 @!p0 s5, $0x0  }
0x1f: {  	s9 =	smul.u32 $0xF7A, s1;
	s8 =	simm.s32 @!p0 $0x1BF5;
	p2 =	por !p2, p0  }
0x20: {  	[sflag:s8] =	ssyncset.s32 @!p0 $0xFFFFF086;
	s6 =	sadd.s32 @!p0 s3, s7;
	s7 =	simm.s32 @!p0 $0x108  }
0x21: {  	s3 =	sadd.s32 s3, s9;
	s6 =	sadd.s32 @!p0 $0x88, s6;
	s7 =	simm.s32 @p2 $0x1082  }
0x22: {  	[simem:s7], [sflag:s8] =	dma.local @!p0 [hbm:s6], $0xF7A  }
0x23: {  	s9 =	sor.u32 $0xD0000000, s2;
	s6 =	simm.s32 $0x108;
	_ =	swait.ge @!p0 [sflag:s8], $0x0  }
0x24: {  	s3 =	sadd.s32 $0x88, s3;
	s6 =	simm.s32 @!p1 $0x1082;
	[sflag:s4] =	ssyncset.s32 $0xFFFFF086  }
0x25: {  	[simem:s6], [sflag:s4] =	dma.local [hbm:s3], $0xF7A  }
0x26: {  	[smem:$0x3F93] =	sst s1;
	(tag) =	ssettag s2;
	_ =	strace s9  }
0x27: {  	s1 =	sld [smem:$0x3FA3]  }
0x28: {  	s2 =	sld [smem:$0x3FA4]  }
0x29: {  	s4 =	sld [smem:$0x3FA6]  }
0x2a: {  	p0 =	seq.s32 s5, $0x0;
	s5 =	sld [smem:$0x3FA7]  }
0x2b: {  	s6 =	sld [smem:$0x3FA8]  }
0x2c: {  	s7 =	sld [smem:$0x3FA9]  }
0x2d: {  	s3 =	simm.s32 $0x108;
	s8 =	sld [smem:$0x3FAA]  }
0x2e: {  	s3 =	simm.s32 @!p0 $0x1082;
	s9 =	sld [smem:$0x3FAB]  }
0x2f: {  	lr =	sadd.s32 s0, s3;
	s0 =	sld [smem:$0x3FA2]  }
0x30: {  	s3 =	sld [smem:$0x3FA5]  }
0x31: {  	[smem:$0x3FAE] =	sst s10  }
0x32: {  	s10 =	sld [smem:$0x3FAC];
	_ =	sdelay $0x3  }
0x33: {  	p0 =	seq.s32 s10, $0x1;
	s10 =	sld [smem:$0x3FAE];
	_ =	sdelay $0x3  }
0x34: {  	[smem:$0x3FAE] =	sst s10  }
0x35: {  	s10 =	sld [smem:$0x3FAD];
	_ =	sdelay $0x3  }
0x36: {  	p1 =	seq.s32 s10, $0x1;
	s10 =	sld [smem:$0x3FAE];
	_ =	sdelay $0x3  }
0x37: {  	[smem:$0x3FAE] =	sst s10  }
0x38: {  	s10 =	sld [smem:$0x3FAF]  }
0x39: {  	_ = 	snop;
	(pc) =	sbr.ind lr, $3  }
0x3a: {  	_ = 	snop  }
0x3b: {  	_ = 	snop  }
0x3c: {  	p2 =	seq.s32 s10, $0x1;
	s10 =	sld [smem:$0x3FAE]  }
0x3d: {  	_ =	shalt  }
0x3e: {  	_ =	shalt  }
0x3f: {  	_ =	shalt  }
0x40: {  	_ =	shalt  }
0x41: {  	_ =	shalt  }
0x42: {  	_ =	shalt  }
0x43: {  	_ =	shalt  }
0x44: {  	_ =	shalt  }
0x45: {  	_ =	shalt  }
0x46: {  	_ =	shalt  }
0x47: {  	_ =	shalt  }
0x48: {  	_ =	shalt  }
0x49: {  	_ =	shalt  }
0x4a: {  	_ =	shalt  }
0x4b: {  	_ =	shalt  }
0x4c: {  	_ =	shalt  }
0x4d: {  	_ =	shalt  }
0x4e: {  	_ =	shalt  }
0x4f: {  	_ =	shalt  }
0x50: {  	_ =	shalt  }
0x51: {  	_ =	shalt  }
0x52: {  	_ =	shalt  }
0x53: {  	_ =	shalt  }
0x54: {  	_ =	shalt  }
0x55: {  	_ =	shalt  }
0x56: {  	_ =	shalt  }
0x57: {  	_ =	shalt  }
0x58: {  	_ =	shalt  }
0x59: {  	_ =	shalt  }
0x5a: {  	_ =	shalt  }
0x5b: {  	_ =	shalt  }
0x5c: {  	_ =	shalt  }
0x5d: {  	_ =	shalt  }
0x5e: {  	_ =	shalt  }
0x5f: {  	_ =	shalt  }
0x60: {  	_ =	shalt  }
0x61: {  	_ =	shalt  }
0x62: {  	_ =	shalt  }
0x63: {  	_ =	shalt  }
0x64: {  	_ =	shalt  }
0x65: {  	_ =	shalt  }
0x66: {  	_ =	shalt  }
0x67: {  	_ =	shalt  }
0x68: {  	_ =	shalt  }
0x69: {  	_ =	shalt  }
0x6a: {  	_ =	shalt  }
0x6b: {  	_ =	shalt  }
0x6c: {  	_ =	shalt  }
0x6d: {  	_ =	shalt  }
0x6e: {  	_ =	shalt  }
0x6f: {  	_ =	shalt  }
0x70: {  	_ =	shalt  }
0x71: {  	_ =	shalt  }
0x72: {  	_ =	shalt  }
0x73: {  	_ =	shalt  }
0x74: {  	_ =	shalt  }
0x75: {  	_ =	shalt  }
0x76: {  	_ =	shalt  }
0x77: {  	_ =	shalt  }
0x78: {  	_ =	shalt  }
0x79: {  	_ =	shalt  }
0x7a: {  	_ =	shalt  }
0x7b: {  	_ =	shalt  }
0x7c: {  	_ =	shalt  }
0x7d: {  	_ =	shalt  }
0x7e: {  	_ =	shalt  }
0x7f: {  	_ =	shalt  }
0x80: {  	_ =	shalt  }
0x81: {  	_ =	shalt  }
0x82: {  	_ =	shalt  }
0x83: {  	_ =	shalt  }
0x84: {  	_ =	shalt  }
0x85: {  	_ =	shalt  }
0x86: {  	_ =	shalt  }
0x87: {  	_ =	shalt  }
.Lfunc_end0:
.L_simem_size_0:
called_computation.2_lowered:
.L_overlay_start_0:
0x88: {  	s2 =	sld [smem:$0x3FD9]  }
0x89: {  	s3 =	sld [smem:$0x3FFE];
	_ =	sdelay $0x1  }
0x8a: {  	s1 =	srdreg.scid  }
0x8b: {  	s0 =	sand.u32 $0x1, s1  }
0x8c: {  	s17 =	sshll.u32 s0, $0xA;
	s2 =	sadd.s32 s3, s2  }
0x8d: {  	s2 =	sadd.s32 s2, s17  }
0x8e: {  	[smem:$0x3FBA] =	sst s2  }
0x8f: {  	_ = 	snop  }
0x90: {  	s2 =	sld [smem:$0x3FD0];
	(tm) =	ssettm $0x1  }
0x91: {  	s18 =	sld [smem:$0x3FFB];
	_ =	sdelay $0x3  }
0x92: {  	_ =	strace s18  }
0x93: {  	s3 =	sld [smem:$0x3FFC];
	_ =	sdelay $0x3  }
0x94: {  	_ =	strace s3  }
0x95: {  	s3 =	sld [smem:$0x3FFD];
	_ =	sdelay $0x3  }
0x96: {  	_ =	strace s3  }
0x97: {  	_ =	strace $0x8FFFFFFF  }
0x98: {  	s19 =	sld [smem:$0x3FDB];
	_ =	sdelay $0x1  }
0x99: {  	s4 =	simm.s32 $_scs_section_size  }
0x9a: {  	s5 =	simm.s32 $_size__tile_overlayer_lowered;
	s6 =	simm.s32 $_tile_overlayer_lowered  }
0x9b: {  	s22 =	simm.s32 $0x1BFF;
	s21 =	sshll.u32 s6, $0x1;
	s3 =	sadd.s32 s4, s19  }
0x9c: {  	s7 =	simm.s32 $0x0;
	s20 =	sshll.u32 s5, $0x1;
	s5 =	sadd.s32 s21, s3  }
0x9d: {  	[timem:s7], [sflag:s22] =	dma.local [hbm:s5], s20  }
0x9e: {  	_ =	swait.ge [sflag:s22], s20  }
0x9f: {  	s4 =	ssub.s32 $0x0, s20;
	[sflag:s22] =	ssyncset.done $0x0  }
0xa0: {  	[sflag:s22] =	ssyncadd.s32 s4;
	_ =	sdelay $0x1  }
0xa1: {  	s23 =	simm.s32 $0x1B8B  }
0xa2: {  	_ =	swait.ge [sflag:s23], $0x1  }
0xa3: {  	[sflag:s23] =	ssyncset.done $0x0  }
0xa4: {  	s25 =	simm.s32 $0x1B8E;
	s24 =	sld [smem:$0x3FFE];
	[sflag:s23] =	ssyncadd.s32 $0xFFFFFFFF  }
0xa5: {  	s26 =	simm.s32 $execute0_lowered;
	[smem:$0x3FD2] =	sst s25  }
0xa6: {  	s5 =	sshll.u32 s26, $0x1;
	_ =	strace $0x8000004C;
	[dreg:$0x1] =	wrdreg $0xFFFFFFFF  }
0xa7: {  	s28 =	simm.s32 $_size_execute0_lowered;
	s3 =	sadd.s32 s3, s5;
	[dreg:$0x0] =	wrdreg $0x0  }
0xa8: {  	s5 =	sshll.u32 s28, $0x1;
	[dreg:$0x2] =	wrdreg s3  }
0xa9: {  	[dreg:$0x3] =	wrdreg s5  }
0xaa: {  	[dreg:$0x4] =	wrdreg $0xC0  }
0xab: {  	_ =	task [dreg:s7], $0x5FFFF  }
0xac: {  	[dreg:$0x1] =	wrdreg $0xFFFFFFFF  }
0xad: {  	[dreg:$0x0] =	wrdreg $0x60  }
0xae: {  	[dreg:$0x2] =	wrdreg s24  }
0xaf: {  	[dreg:$0x3] =	wrdreg s2  }
0xb0: {  	[dreg:$0x4] =	wrdreg $0x7E400  }
0xb1: {  	[dreg:$0x5] =	wrdreg $0x9  }
0xb2: {  	_ =	task.clear_ibuf [dreg:s7], $0x6FFFF;
	_ =	strace $0x9000004C  }
0xb3: {  	s29 =	simm.s32 $0x9;
	_ =	strace $0x8000004E  }
0xb4: {  	_ =	swait.ge [sflag:s29], $0x1  }
0xb5: {  	[sflag:s29] =	ssyncadd.s32 $0xFFFFFFFF  }
0xb6: {  	_ =	strace $0x9000004E  }
0xb7: {  	_ =	sfence  }
0xb8: {  	s30 =	sld [smem:$0x0];
	_ =	sdelay $0x2  }
0xb9: {  	s31 =	sshll.u32 s1, $0xD;
	s1 =	sshrl.u32 s1, $0x2  }
0xba: {  	s3 =	sand.u32 $0x4000, s31;
	s1 =	sadd.s32 s1, s30  }
0xbb: {  	s0 =	sor.u32 s3, s0;
	s1 =	sshll.u32 s1, $0x11  }
0xbc: {  	s0 =	sor.u32 s1, s0  }
0xbd: {  	s0 =	sadd.s32 $0x8F2B, s0  }
0xbe: {  	[sflag:s0] =	ssyncadd.remote.s32 $0x1  }
0xbf: {  	_ =	sfence.sel $0xFFFF  }
0xc0: {  	[dreg:$0x0] =	wrdreg $0xFFFFFFFF;
	(pc) =	sbr.abs _section_cstart, $3  }
0xc1: {  	[dreg:$0x1] =	wrdreg $0xFFFFFFFF  }
0xc2: {  	_ =	task.clear_ibuf [dreg:s7], $0x2FFFF;
	_ =	strace $0x9FFFFFFF  }
0xc3: {  	(tm) =	ssettm $0x7FFFFFFF  }
tec
execute0_lowered:
.L_overlay_start_1:
0x0: {  	(tag) =	ssettag $0x1  }
0x1: {  	s0 =	rddreg [dreg:$0x0]  }
0x2: {  	s2 =	rddreg [dreg:$0x1]  }
0x3: {  	s1 =	rddreg [dreg:$0x2];
	s3 =	srdreg.scid  }
0x4: {  	s4 =	simm.s32 $0x0;
	s14 =	stileid.u32;
	s3 =	sand.u32 $0x1, s3  }
0x5: {  	[smem:$0x7FF] =	sst s4;
	s7 =	smul.u32 $0x14000, s14;
	s5 =	sshll.u32 s14, $0x1  }
0x6: {  	s6 =	smul.u32 $0x140000, s3;
	_ =	strace $0x8000004D;
	s8 =	sor.u32 s3, s5  }
0x7: {  	s4 =	sadd.s32 $0x2400, s0;
	s5 =	sadd.s32 $0x286E00, s0;
	s9 =	smul.u32 $0x2710, s8  }
0x8: {  	s10 =	ssub.s32 $0x2, s3;
	s8 =	smul.u32 $0x13880, s8;
	s7 =	sadd.s32 s7, s6  }
0x9: {  	s26 =	sshrl.u32 s10, $0x1;
	s6 =	sadd.s32 $0x4F7E00, s0;
	s7 =	sshrl.u32 s7, $0x3  }
0xa: {  	s11 =	sadd.s32 $0x28, s9;
	s12 =	sshrl.u32 s9, $0x3;
	s8 =	sadd.s32 s5, s8  }
0xb: {  	s17 =	sadd.s32 $0x50, s9;
	s23 =	sadd.s32 $0xA0, s9;
	[dreg:$0x6] =	wrdreg s8  }
0xc: {  	s20 =	sadd.s32 $0x78, s9;
	s24 =	sadd.s32 $0xC8, s9;
	[dreg:$0xc] =	wrdreg s23  }
0xd: {  	s0 =	sadd.s32 s7, s0;
	s12 =	sadd.s32 s4, s12;
	[dreg:$0xd] =	wrdreg s24  }
0xe: {  	s7 =	ssub.s32 s10, s26;
	s26 =	sadd.s32 $0xF0, s9;
	[dreg:$0x4] =	wrdreg s12  }
0xf: {  	s13 =	sshrl.u32 s11, $0x3;
	s9 =	sadd.s32 $0x118, s9;
	[dreg:$0xe] =	wrdreg s26  }
0x10: {  	s16 =	sshll.u32 s11, $0x3;
	s15 =	sadd.s32 s4, s13;
	[dreg:$0xf] =	wrdreg s9  }
0x11: {  	s10 =	sshll.u32 s17, $0x3;
	s8 =	sadd.s32 s5, s16;
	[dreg:$0x5] =	wrdreg s15  }
0x12: {  	s21 =	sshrl.u32 s20, $0x3;
	s19 =	sadd.s32 s5, s10;
	[dreg:$0x7] =	wrdreg s8  }
0x13: {  	s18 =	sshrl.u32 s17, $0x3;
	s10 =	sadd.s32 s4, s21;
	[dreg:$0x9] =	wrdreg s19  }
0x14: {  	s22 =	smul.u32 $0x5A000, s14;
	s8 =	sadd.s32 s4, s18;
	[dreg:$0xa] =	wrdreg s10  }
0x15: {  	s7 =	smax.u32 s7, $0x1;
	[dreg:$0x8] =	wrdreg s8;
	s8 =	sshll.u32 s20, $0x3  }
0x16: {  	[dreg:$0x10] =	wrdreg s7;
	s8 =	sadd.s32 s5, s8  }
0x17: {  	s0 =	sadd.s32 $0x15E00, s0;
	[dreg:$0xb] =	wrdreg s8;
	s8 =	sshrl.u32 s22, $0x2  }
0x18: {  	[dreg:$0x15] =	wrdreg s0;
	s18 =	sadd.s32 s8, s1  }
0x19: {  	s10 =	sadd.s32 $0x1680, s18;
	[dreg:$0x11] =	wrdreg s18  }
0x1a: {  	s11 =	sadd.s32 $0x2D00, s18;
	[dreg:$0x12] =	wrdreg s10  }
0x1b: {  	s28 =	simm.s32 $0x1;
	s12 =	sadd.s32 $0x4380, s18;
	[dreg:$0x13] =	wrdreg s11  }
0x1c: {  	s30 =	simm.s32 $0x2;
	s13 =	sadd.s32 $0x5A00, s18;
	[dreg:$0x14] =	wrdreg s12  }
0x1d: {  	s25 =	smul.u32 $0x2800, s14;
	s14 =	sadd.s32 $0x7080, s18;
	[dreg:$0x16] =	wrdreg s13  }
0x1e: {  	s29 =	simm.s32 $0x10;
	s15 =	sadd.s32 $0x8700, s18;
	[dreg:$0x17] =	wrdreg s14  }
0x1f: {  	s3 =	smul.u32 $0x28000, s3;
	s16 =	sadd.s32 $0x9D80, s18;
	[dreg:$0x18] =	wrdreg s15  }
0x20: {  	s31 =	simm.s32 $0x12;
	s17 =	sadd.s32 $0xB400, s18;
	[dreg:$0x19] =	wrdreg s16  }
0x21: {  	s3 =	sadd.s32 s25, s3;
	s19 =	sadd.s32 $0xCA80, s18;
	[dreg:$0x1a] =	wrdreg s17  }
0x22: {  	s3 =	sshrl.u32 s3, $0x3;
	s20 =	sadd.s32 $0xE100, s18;
	[dreg:$0x1b] =	wrdreg s19  }
0x23: {  	s23 =	sadd.s32 s3, s2;
	s21 =	sadd.s32 $0xF780, s18;
	[dreg:$0x1c] =	wrdreg s20  }
0x24: {  	s2 =	simm.s32 $0x5;
	s22 =	sadd.s32 $0x10E00, s18;
	[dreg:$0x1d] =	wrdreg s21  }
0x25: {  	s3 =	simm.s32 $0xB;
	s24 =	sadd.s32 $0x12480, s18;
	[dreg:$0x1e] =	wrdreg s22  }
0x26: {  	s7 =	simm.s32 $0x9;
	s25 =	sadd.s32 $0x13B00, s18;
	[dreg:$0x1f] =	wrdreg s24  }
0x27: {  	s8 =	simm.s32 $0x0;
	s26 =	sadd.s32 $0x15180, s18;
	[smem:$0x7FC] =	sst s25  }
0x28: {  	[smem:$0x7FD] =	sst s26;
	s12 =	simm.s32 $0x5140;
	s13 =	simm.s32 $0xF  }
0x29: {  	s14 =	simm.s32 $0x28;
	s19 =	simm.s32 $0x4E200;
	s22 =	simm.s32 $0x50  }
0x2a: {  	v0 =	vimm.f32 $0.0e+00;
	vm0 =	vcmask $0x300;
	s11 =	simm.s32 $0x4;
	s20 =	simm.s32 $0x7;
	s21 =	simm.s32 $0xD  }
0x2b: {  	v1 =	vsel vm0, $0x3F800000, v0;
	s25 =	simm.s32 $0x8;
	s24 =	simm.s32 $0xC;
	s26 =	simm.s32 $0xE  }
.LBB2_1:
0x2c: {  	[smem:$0x7FB] =	sst s8;
	s0 =	simm.s32 $0x0;
	s8 =	simm.s32 $0x240  }
.LBB2_2:
0x2d: {  	p0 =	sne.s32 s8, $0x57C0;
	[tilespmem:s0+$0x51C0] =	vst v0  }
0x2e: {  	[tilespmem:s0+$0x5140] =	vst v0  }
0x2f: {  	[tilespmem:s0+$0x5150] =	vst v0  }
0x30: {  	[tilespmem:s0+$0x5160] =	vst v0  }
.Ltmp0:
0x31: {  	[tilespmem:s0+$0x5170] =	vst v0;
	(pc) =	sbr.rel @p0 .LBB2_2-.Ltmp0, $4  }
0x32: {  	[tilespmem:s0+$0x5180] =	vst v0  }
0x33: {  	[tilespmem:s0+$0x5190] =	vst v0  }
0x34: {  	[tilespmem:s0+$0x51A0] =	vst v0  }
0x35: {  	[tilespmem:s0+$0x51B0] =	vst v0;
	s0 =	sshra.s32 s8, $0x2;
	s8 =	sadd.s32 $0x240, s8  }
0x36: {  	[tilespmem:s0+$0x51C0] =	vst v0  }
0x37: {  	[tilespmem:s0+$0x5140] =	vst v0  }
0x38: {  	[tilespmem:s0+$0x5150] =	vst v0  }
0x39: {  	[tilespmem:s0+$0x5160] =	vst v0  }
0x3a: {  	[tilespmem:s0+$0x5170] =	vst v0  }
0x3b: {  	[tilespmem:s0+$0x5180] =	vst v0  }
0x3c: {  	[tilespmem:s0+$0x5190] =	vst v0  }
0x3d: {  	[tilespmem:s0+$0x51A0] =	vst v0  }
0x3e: {  	[tilespmem:s0+$0x51B0] =	vst v0  }
0x3f: {  	[spmem:s18] =	stream.linear.scatter [tilespmem:s12], [sflag:$0xF], $0x1680, $0x38;
	[tilespmem:$0x1E640] =	vst v63  }
0x40: {  	_ =	swait.ge [sflag:s13], $0x1680  }
0x41: {  	[sflag:s13] =	ssyncset.done $0x0  }
0x42: {  	s18 =	rddreg [dreg:$0x12];
	[sflag:s13] =	ssyncadd.s32 $0xFFFFE980  }
0x43: {  	[spmem:s18] =	stream.linear.scatter [tilespmem:s12], [sflag:$0xF], $0x1680, $0x38;
	[tilespmem:$0x1E640] =	vst v63  }
0x44: {  	_ =	swait.ge [sflag:s13], $0x1680  }
0x45: {  	[sflag:s13] =	ssyncset.done $0x0  }
0x46: {  	s8 =	rddreg [dreg:$0x13];
	[sflag:s13] =	ssyncadd.s32 $0xFFFFE980  }
0x47: {  	[spmem:s8] =	stream.linear.scatter [tilespmem:s12], [sflag:$0xF], $0x1680, $0x38;
	[tilespmem:$0x1E640] =	vst v63  }
0x48: {  	_ =	swait.ge [sflag:s13], $0x1680  }
0x49: {  	[sflag:s13] =	ssyncset.done $0x0  }
0x4a: {  	s9 =	rddreg [dreg:$0x14];
	[sflag:s13] =	ssyncadd.s32 $0xFFFFE980  }
0x4b: {  	[spmem:s9] =	stream.linear.scatter [tilespmem:s12], [sflag:$0xF], $0x1680, $0x38;
	[tilespmem:$0x1E640] =	vst v63  }
0x4c: {  	_ =	swait.ge [sflag:s13], $0x1680  }
0x4d: {  	[sflag:s13] =	ssyncset.done $0x0  }
0x4e: {  	s10 =	rddreg [dreg:$0x16];
	[sflag:s13] =	ssyncadd.s32 $0xFFFFE980  }
0x4f: {  	[spmem:s10] =	stream.linear.scatter [tilespmem:s12], [sflag:$0xF], $0x1680, $0x38;
	[tilespmem:$0x1E640] =	vst v63  }
0x50: {  	_ =	swait.ge [sflag:s13], $0x1680  }
0x51: {  	[sflag:s13] =	ssyncset.done $0x0  }
0x52: {  	s15 =	rddreg [dreg:$0x17];
	[sflag:s13] =	ssyncadd.s32 $0xFFFFE980  }
0x53: {  	[spmem:s15] =	stream.linear.scatter [tilespmem:s12], [sflag:$0xF], $0x1680, $0x38;
	[tilespmem:$0x1E640] =	vst v63  }
0x54: {  	_ =	swait.ge [sflag:s13], $0x1680  }
0x55: {  	[sflag:s13] =	ssyncset.done $0x0  }
0x56: {  	s16 =	rddreg [dreg:$0x18];
	[sflag:s13] =	ssyncadd.s32 $0xFFFFE980  }
0x57: {  	[spmem:s16] =	stream.linear.scatter [tilespmem:s12], [sflag:$0xF], $0x1680, $0x38;
	[tilespmem:$0x1E640] =	vst v63  }
0x58: {  	_ =	swait.ge [sflag:s13], $0x1680  }
0x59: {  	[sflag:s13] =	ssyncset.done $0x0  }
0x5a: {  	s17 =	rddreg [dreg:$0x19];
	[sflag:s13] =	ssyncadd.s32 $0xFFFFE980  }
0x5b: {  	[spmem:s17] =	stream.linear.scatter [tilespmem:s12], [sflag:$0xF], $0x1680, $0x38;
	[tilespmem:$0x1E640] =	vst v63  }
0x5c: {  	_ =	swait.ge [sflag:s13], $0x1680  }
0x5d: {  	[sflag:s13] =	ssyncset.done $0x0  }
0x5e: {  	s18 =	rddreg [dreg:$0x1a];
	[sflag:s13] =	ssyncadd.s32 $0xFFFFE980  }
0x5f: {  	[spmem:s18] =	stream.linear.scatter [tilespmem:s12], [sflag:$0xF], $0x1680, $0x38;
	[tilespmem:$0x1E640] =	vst v63  }
0x60: {  	_ =	swait.ge [sflag:s13], $0x1680  }
0x61: {  	[sflag:s13] =	ssyncset.done $0x0  }
0x62: {  	s8 =	rddreg [dreg:$0x1b];
	[sflag:s13] =	ssyncadd.s32 $0xFFFFE980  }
0x63: {  	[spmem:s8] =	stream.linear.scatter [tilespmem:s12], [sflag:$0xF], $0x1680, $0x38;
	[tilespmem:$0x1E640] =	vst v63  }
0x64: {  	_ =	swait.ge [sflag:s13], $0x1680  }
0x65: {  	[sflag:s13] =	ssyncset.done $0x0  }
0x66: {  	s9 =	rddreg [dreg:$0x1c];
	[sflag:s13] =	ssyncadd.s32 $0xFFFFE980  }
0x67: {  	[spmem:s9] =	stream.linear.scatter [tilespmem:s12], [sflag:$0xF], $0x1680, $0x38;
	[tilespmem:$0x1E640] =	vst v63  }
0x68: {  	_ =	swait.ge [sflag:s13], $0x1680  }
0x69: {  	[sflag:s13] =	ssyncset.done $0x0  }
0x6a: {  	s10 =	rddreg [dreg:$0x1d];
	[sflag:s13] =	ssyncadd.s32 $0xFFFFE980  }
0x6b: {  	[spmem:s10] =	stream.linear.scatter [tilespmem:s12], [sflag:$0xF], $0x1680, $0x38;
	[tilespmem:$0x1E640] =	vst v63  }
0x6c: {  	_ =	swait.ge [sflag:s13], $0x1680  }
0x6d: {  	[sflag:s13] =	ssyncset.done $0x0  }
0x6e: {  	s15 =	rddreg [dreg:$0x1e];
	[sflag:s13] =	ssyncadd.s32 $0xFFFFE980  }
0x6f: {  	[spmem:s15] =	stream.linear.scatter [tilespmem:s12], [sflag:$0xF], $0x1680, $0x38;
	[tilespmem:$0x1E640] =	vst v63  }
0x70: {  	_ =	swait.ge [sflag:s13], $0x1680  }
0x71: {  	[sflag:s13] =	ssyncset.done $0x0  }
0x72: {  	s16 =	rddreg [dreg:$0x1f];
	[sflag:s13] =	ssyncadd.s32 $0xFFFFE980  }
0x73: {  	[spmem:s16] =	stream.linear.scatter [tilespmem:s12], [sflag:$0xF], $0x1680, $0x38;
	[tilespmem:$0x1E640] =	vst v63  }
0x74: {  	_ =	swait.ge [sflag:s13], $0x1680  }
0x75: {  	s17 =	sld [smem:$0x7FC]  }
0x76: {  	[sflag:s13] =	ssyncset.done $0x0  }
0x77: {  	[sflag:s13] =	ssyncadd.s32 $0xFFFFE980  }
0x78: {  	[spmem:s17] =	stream.linear.scatter [tilespmem:s12], [sflag:$0xF], $0x1680, $0x38;
	[tilespmem:$0x1E640] =	vst v63  }
0x79: {  	_ =	swait.ge [sflag:s13], $0x1680  }
0x7a: {  	s18 =	sld [smem:$0x7FD]  }
0x7b: {  	[sflag:s13] =	ssyncset.done $0x0  }
0x7c: {  	[sflag:s13] =	ssyncadd.s32 $0xFFFFE980  }
0x7d: {  	[spmem:s18] =	stream.linear.scatter [tilespmem:s12], [sflag:$0xF], $0x1680, $0x38;
	[tilespmem:$0x1E640] =	vst v63  }
0x7e: {  	_ =	swait.ge [sflag:s13], $0x1680  }
0x7f: {  	[sflag:s13] =	ssyncset.done $0x0  }
0x80: {  	s0 =	simm.s32 $0x440;
	s8 =	simm.s32 $0x80;
	[sflag:s13] =	ssyncadd.s32 $0xFFFFE980  }
.LBB2_4:
0x81: {  	p0 =	sne.s32 s0, $0x59C0;
	[tilespmem:s8+$0x5140] =	vst v1;
	s9 =	smov.u32 s0;
	s0 =	sadd.s32 $0x240, s0  }
.Ltmp1:
0x82: {  	[tilespmem:s8+$0x67C0] =	vst v1;
	(pc) =	sbr.rel @p0 .LBB2_4-.Ltmp1, $2  }
0x83: {  	_ =	sdelay $0x2  }
0x84: {  	s8 =	sshra.s32 s9, $0x2  }
0x85: {  	[tilespmem:s8+$0x5140] =	vst v1  }
0x86: {  	[tilespmem:s8+$0x67C0] =	vst v1  }
0x87: {  	[bflag:$0x0] =	sbarrier.arrive $0xFFFF  }
0x88: {  	s0 =	simm.s32 $0x0;
	s9 =	rddreg [dreg:$0x4]  }
0x89: {  	[tilespmem:s0], [sflag:$0x1] =	stream.strided.gather [hbm4b:s9+s14], $0x50, s19, s14, $0x38;
	[tilespmem:$0x1E640] =	vst v63  }
0x8a: {  	s10 =	rddreg [dreg:$0x5]  }
0x8b: {  	[tilespmem:s22], [sflag:$0x2] =	stream.strided.gather [hbm4b:s10+s14], $0x50, s19, s14, $0x38;
	[tilespmem:$0x1E640] =	vst v63  }
0x8c: {  	s15 =	rddreg [dreg:$0x6];
	s9 =	simm.s32 $0x140  }
0x8d: {  	[tilespmem:s9], [sflag:$0x5] =	stream.linear.gather [hbm4b:s15+s0], $0xA00, $0x38;
	[tilespmem:$0x1E640] =	vst v63  }
0x8e: {  	s17 =	simm.s32 $0xB40;
	s16 =	rddreg [dreg:$0x7]  }
0x8f: {  	[tilespmem:s17], [sflag:$0x6] =	stream.linear.gather [hbm4b:s16+s0], $0xA00, $0x38;
	[tilespmem:$0x1E640] =	vst v63  }
0x90: {  	_ =	swait.ge [sflag:s28], $0x50  }
0x91: {  	[sflag:s28] =	ssyncset.done $0x0  }
0x92: {  	s18 =	simm.s32 $0x2940;
	[sflag:s28] =	ssyncadd.s32 $0xFFFFFFB0  }
0x93: {  	[tilespmem:s18], [sflag:$0x9] =	stream.indirect.gather [hbm4b:s6+s14], $0x40, s14, s14, $0xb8;
	[tilespmem:$0x1E640] =	vst v63  }
0x94: {  	_ =	swait.ge [sflag:s30], $0x50  }
0x95: {  	[sflag:s30] =	ssyncset.done $0x0  }
0x96: {  	s10 =	simm.s32 $0x3340;
	s9 =	simm.s32 $0x78;
	[sflag:s30] =	ssyncadd.s32 $0xFFFFFFB0  }
0x97: {  	[tilespmem:s10], [sflag:$0xA] =	stream.indirect.gather [hbm4b:s6+s14], $0x40, s9, s14, $0xb8;
	[tilespmem:$0x1E640] =	vst v63  }
0x98: {  	_ =	swait.ge [sflag:s2], $0xA00  }
0x99: {  	[sflag:s2] =	ssyncset.done $0x0  }
0x9a: {  	[sflag:s2] =	ssyncadd.s32 $0xFFFFF600  }
0x9b: {  	_ =	swait.ge [sflag:s7], $0xA00  }
0x9c: {  	[sflag:s7] =	ssyncset.done $0x0  }
0x9d: {  	s16 =	simm.s32 $0xA0;
	s15 =	rddreg [dreg:$0x8];
	[sflag:s7] =	ssyncadd.s32 $0xFFFFF600  }
0x9e: {  	[tilespmem:s16], [sflag:$0x3] =	stream.strided.gather [hbm4b:s15+s14], $0x50, s19, s14, $0x38;
	[tilespmem:$0x1E640] =	vst v63  }
0x9f: {  	s8 =	simm.s32 $0x0;
	s18 =	simm.s32 $0x1540;
	s17 =	rddreg [dreg:$0x9]  }
0xa0: {  	[tilespmem:s18], [sflag:$0x7] =	stream.linear.gather [hbm4b:s17+s0], $0xA00, $0x38;
	[tilespmem:$0x1E640] =	vst v63  }
0xa1: {  	v2 =	vld [tilespmem:s8+$0x140]  }
0xa2: {  	v3 =	vld [tilespmem:s8+$0x2940];
	_ =	sdelay $0x4  }
0xa3: {  	v2 =	vmul.bf16 v3, v2;
	_ =	sdelay $0x1  }
0xa4: {  	s0 =	simm.s32 $0x51D0;
	v3 =	vunpack.i.l.bf16.f32 v2  }
0xa5: {  	v2 =	vunpack.i.u.bf16.f32 v2;
	[tilespmem:s0+$0xFFFFFF70] =	vst v3  }
0xa6: {  	[tilespmem:s0+$0xFFFFFF80] =	vst v2  }
0xa7: {  	v2 =	vld [tilespmem:s8+$0x150]  }
0xa8: {  	v3 =	vld [tilespmem:s8+$0x2950];
	_ =	sdelay $0x4  }
0xa9: {  	v2 =	vmul.bf16 v3, v2;
	_ =	sdelay $0x1  }
0xaa: {  	v3 =	vunpack.i.l.bf16.f32 v2  }
0xab: {  	v2 =	vunpack.i.u.bf16.f32 v2;
	[tilespmem:s0+$0xFFFFFF90] =	vst v3  }
0xac: {  	[tilespmem:s0+$0xFFFFFFA0] =	vst v2  }
0xad: {  	v2 =	vld [tilespmem:s8+$0x160]  }
0xae: {  	v3 =	vld [tilespmem:s8+$0x2960];
	_ =	sdelay $0x4  }
0xaf: {  	v2 =	vmul.bf16 v3, v2;
	_ =	sdelay $0x1  }
0xb0: {  	v3 =	vunpack.i.l.bf16.f32 v2  }
0xb1: {  	v2 =	vunpack.i.u.bf16.f32 v2;
	[tilespmem:s0+$0xFFFFFFB0] =	vst v3  }
0xb2: {  	[tilespmem:s0+$0xFFFFFFC0] =	vst v2  }
0xb3: {  	v2 =	vld [tilespmem:s8+$0x170]  }
0xb4: {  	v3 =	vld [tilespmem:s8+$0x2970];
	_ =	sdelay $0x4  }
0xb5: {  	v2 =	vmul.bf16 v3, v2;
	_ =	sdelay $0x1  }
0xb6: {  	v3 =	vunpack.i.l.bf16.f32 v2  }
0xb7: {  	v2 =	vunpack.i.u.bf16.f32 v2;
	[tilespmem:s0+$0xFFFFFFD0] =	vst v3  }
0xb8: {  	[tilespmem:s0+$0xFFFFFFE0] =	vst v2  }
0xb9: {  	v2 =	vld [tilespmem:s8+$0x180]  }
0xba: {  	v3 =	vld [tilespmem:s8+$0x2980];
	_ =	sdelay $0x4  }
0xbb: {  	v2 =	vmul.bf16 v3, v2;
	_ =	sdelay $0x1  }
0xbc: {  	v3 =	vunpack.i.l.bf16.f32 v2  }
0xbd: {  	v2 =	vunpack.i.u.bf16.f32 v2;
	[tilespmem:s0+$0x0] =	vst v3  }
0xbe: {  	[tilespmem:s0+$0x10] =	vst v2  }
0xbf: {  	v2 =	vld [tilespmem:s8+$0x190]  }
0xc0: {  	v3 =	vld [tilespmem:s8+$0x2990];
	_ =	sdelay $0x4  }
0xc1: {  	v2 =	vmul.bf16 v3, v2;
	_ =	sdelay $0x1  }
0xc2: {  	v3 =	vunpack.i.l.bf16.f32 v2  }
0xc3: {  	v2 =	vunpack.i.u.bf16.f32 v2;
	[tilespmem:s0+$0x20] =	vst v3  }
0xc4: {  	[tilespmem:s0+$0x30] =	vst v2  }
0xc5: {  	v2 =	vld [tilespmem:s8+$0x1A0]  }
0xc6: {  	s9 =	simm.s32 $0x51D0;
	s15 =	simm.s32 $0x200;
	v3 =	vld [tilespmem:s8+$0x29A0]  }
.LBB2_6:
0xc7: {  	_ =	sdelay $0x1  }
0xc8: {  	p0 =	sne.s32 s15, $0x2600  }
0xc9: {  	s0 =	sadd.s32 $0x120, s0;
	s16 =	smov.u32 s15;
	s15 =	sadd.s32 $0x200, s15  }
0xca: {  	v2 =	vmul.bf16 v3, v2;
	_ =	sdelay $0x1  }
0xcb: {  	v3 =	vunpack.i.u.bf16.f32 v2;
	v2 =	vunpack.i.l.bf16.f32 v2  }
0xcc: {  	[tilespmem:s9+$0x40] =	vst v2  }
0xcd: {  	[tilespmem:s9+$0x50] =	vst v3  }
0xce: {  	v2 =	vld [tilespmem:s8+$0x1B0]  }
0xcf: {  	v3 =	vld [tilespmem:s8+$0x29B0];
	_ =	sdelay $0x4  }
0xd0: {  	v2 =	vmul.bf16 v3, v2;
	_ =	sdelay $0x1  }
0xd1: {  	v3 =	vunpack.i.u.bf16.f32 v2;
	v2 =	vunpack.i.l.bf16.f32 v2  }
0xd2: {  	[tilespmem:s9+$0x60] =	vst v2  }
0xd3: {  	s8 =	sshra.s32 s16, $0x2;
	[tilespmem:s9+$0x70] =	vst v3;
	s9 =	smov.u32 s0  }
0xd4: {  	v2 =	vld [tilespmem:s8+$0x140]  }
0xd5: {  	v3 =	vld [tilespmem:s8+$0x2940];
	_ =	sdelay $0x4  }
0xd6: {  	v2 =	vmul.bf16 v3, v2;
	_ =	sdelay $0x1  }
0xd7: {  	v3 =	vunpack.i.u.bf16.f32 v2;
	v2 =	vunpack.i.l.bf16.f32 v2  }
0xd8: {  	[tilespmem:s0+$0xFFFFFF70] =	vst v2  }
0xd9: {  	[tilespmem:s0+$0xFFFFFF80] =	vst v3  }
0xda: {  	v2 =	vld [tilespmem:s8+$0x150]  }
0xdb: {  	v3 =	vld [tilespmem:s8+$0x2950];
	_ =	sdelay $0x4  }
0xdc: {  	v2 =	vmul.bf16 v3, v2;
	_ =	sdelay $0x1  }
0xdd: {  	v3 =	vunpack.i.u.bf16.f32 v2;
	v2 =	vunpack.i.l.bf16.f32 v2  }
0xde: {  	[tilespmem:s0+$0xFFFFFF90] =	vst v2  }
0xdf: {  	[tilespmem:s0+$0xFFFFFFA0] =	vst v3  }
0xe0: {  	v2 =	vld [tilespmem:s8+$0x160]  }
0xe1: {  	v3 =	vld [tilespmem:s8+$0x2960];
	_ =	sdelay $0x4  }
0xe2: {  	v2 =	vmul.bf16 v3, v2;
	_ =	sdelay $0x1  }
0xe3: {  	v3 =	vunpack.i.u.bf16.f32 v2;
	v2 =	vunpack.i.l.bf16.f32 v2  }
0xe4: {  	[tilespmem:s0+$0xFFFFFFB0] =	vst v2  }
0xe5: {  	[tilespmem:s0+$0xFFFFFFC0] =	vst v3  }
0xe6: {  	v2 =	vld [tilespmem:s8+$0x170]  }
0xe7: {  	v3 =	vld [tilespmem:s8+$0x2970];
	_ =	sdelay $0x4  }
0xe8: {  	v2 =	vmul.bf16 v3, v2;
	_ =	sdelay $0x1  }
0xe9: {  	v3 =	vunpack.i.u.bf16.f32 v2;
	v2 =	vunpack.i.l.bf16.f32 v2  }
0xea: {  	[tilespmem:s0+$0xFFFFFFD0] =	vst v2  }
0xeb: {  	[tilespmem:s0+$0xFFFFFFE0] =	vst v3  }
0xec: {  	v2 =	vld [tilespmem:s8+$0x180]  }
0xed: {  	v3 =	vld [tilespmem:s8+$0x2980];
	_ =	sdelay $0x4  }
0xee: {  	v2 =	vmul.bf16 v3, v2;
	_ =	sdelay $0x1  }
0xef: {  	v3 =	vunpack.i.u.bf16.f32 v2;
	v2 =	vunpack.i.l.bf16.f32 v2  }
0xf0: {  	[tilespmem:s0+$0x0] =	vst v2  }
0xf1: {  	[tilespmem:s0+$0x10] =	vst v3  }
0xf2: {  	v2 =	vld [tilespmem:s8+$0x190]  }
0xf3: {  	v3 =	vld [tilespmem:s8+$0x2990];
	_ =	sdelay $0x4  }
0xf4: {  	v2 =	vmul.bf16 v3, v2;
	_ =	sdelay $0x1  }
.Ltmp2:
0xf5: {  	v3 =	vunpack.i.u.bf16.f32 v2;
	v2 =	vunpack.i.l.bf16.f32 v2;
	(pc) =	sbr.rel @p0 .LBB2_6-.Ltmp2, $4  }
0xf6: {  	[tilespmem:s0+$0x20] =	vst v2  }
0xf7: {  	[tilespmem:s0+$0x30] =	vst v3  }
0xf8: {  	v2 =	vld [tilespmem:s8+$0x1A0]  }
0xf9: {  	v3 =	vld [tilespmem:s8+$0x29A0]  }
0xfa: {  	_ =	sdelay $0x3  }
0xfb: {  	v2 =	vmul.bf16 v3, v2;
	_ =	sdelay $0x1  }
0xfc: {  	v3 =	vunpack.i.l.bf16.f32 v2  }
0xfd: {  	v2 =	vunpack.i.u.bf16.f32 v2;
	[tilespmem:s9+$0x40] =	vst v3  }
0xfe: {  	[tilespmem:s9+$0x50] =	vst v2  }
0xff: {  	v2 =	vld [tilespmem:s8+$0x1B0]  }
0x100: {  	v3 =	vld [tilespmem:s8+$0x29B0];
	_ =	sdelay $0x4  }
0x101: {  	v2 =	vmul.bf16 v3, v2;
	_ =	sdelay $0x1  }
0x102: {  	v3 =	vunpack.i.l.bf16.f32 v2  }
0x103: {  	v2 =	vunpack.i.u.bf16.f32 v2;
	[tilespmem:s9+$0x60] =	vst v3  }
0x104: {  	s0 =	simm.s32 $0x0;
	s16 =	simm.s32 $0x3;
	[tilespmem:s9+$0x70] =	vst v2  }
0x105: {  	[spmem:s1] =	stream.indirect.scatter.add.f32 [tilespmem:s12], [sflag:$0xD], $0x90, s0, s14, $0xb8;
	[tilespmem:$0x1E640] =	vst v63  }
0x106: {  	_ =	swait.ge [sflag:s16], $0x50  }
0x107: {  	s17 =	simm.s32 $0xC8;
	[sflag:s16] =	ssyncset.done $0x0  }
0x108: {  	s18 =	simm.s32 $0x3D40;
	s9 =	simm.s32 $0x6;
	[sflag:s16] =	ssyncadd.s32 $0xFFFFFFB0  }
0x109: {  	[tilespmem:s18], [sflag:$0xB] =	stream.indirect.gather [hbm4b:s6+s14], $0x40, s17, s14, $0xb8;
	[tilespmem:$0x1E640] =	vst v63  }
0x10a: {  	_ =	swait.ge [sflag:s9], $0xA00  }
0x10b: {  	[sflag:s9] =	ssyncset.done $0x0  }
0x10c: {  	s10 =	simm.s32 $0xA;
	[sflag:s9] =	ssyncadd.s32 $0xFFFFF600  }
0x10d: {  	_ =	swait.ge [sflag:s10], $0xA00  }
0x10e: {  	[sflag:s10] =	ssyncset.done $0x0  }
0x10f: {  	s16 =	simm.s32 $0xF0;
	s15 =	rddreg [dreg:$0xa];
	[sflag:s10] =	ssyncadd.s32 $0xFFFFF600  }
0x110: {  	[tilespmem:s16], [sflag:$0x4] =	stream.strided.gather [hbm4b:s15+s14], $0x50, s19, s14, $0x38;
	[tilespmem:$0x1E640] =	vst v63  }
0x111: {  	s8 =	simm.s32 $0x0;
	s18 =	simm.s32 $0x1F40;
	s17 =	rddreg [dreg:$0xb]  }
0x112: {  	[tilespmem:s18], [sflag:$0x8] =	stream.linear.gather [hbm4b:s17+s0], $0xA00, $0x38;
	[tilespmem:$0x1E640] =	vst v63  }
0x113: {  	v2 =	vld [tilespmem:s8+$0xB40]  }
0x114: {  	v3 =	vld [tilespmem:s8+$0x3340];
	_ =	sdelay $0x4  }
0x115: {  	v2 =	vmul.bf16 v3, v2;
	_ =	sdelay $0x1  }
0x116: {  	s0 =	simm.s32 $0x6850;
	v3 =	vunpack.i.l.bf16.f32 v2  }
0x117: {  	v2 =	vunpack.i.u.bf16.f32 v2;
	[tilespmem:s0+$0xFFFFFF70] =	vst v3  }
0x118: {  	[tilespmem:s0+$0xFFFFFF80] =	vst v2  }
0x119: {  	v2 =	vld [tilespmem:s8+$0xB50]  }
0x11a: {  	v3 =	vld [tilespmem:s8+$0x3350];
	_ =	sdelay $0x4  }
0x11b: {  	v2 =	vmul.bf16 v3, v2;
	_ =	sdelay $0x1  }
0x11c: {  	v3 =	vunpack.i.l.bf16.f32 v2  }
0x11d: {  	v2 =	vunpack.i.u.bf16.f32 v2;
	[tilespmem:s0+$0xFFFFFF90] =	vst v3  }
0x11e: {  	[tilespmem:s0+$0xFFFFFFA0] =	vst v2  }
0x11f: {  	v2 =	vld [tilespmem:s8+$0xB60]  }
0x120: {  	v3 =	vld [tilespmem:s8+$0x3360];
	_ =	sdelay $0x4  }
0x121: {  	v2 =	vmul.bf16 v3, v2;
	_ =	sdelay $0x1  }
0x122: {  	v3 =	vunpack.i.l.bf16.f32 v2  }
0x123: {  	v2 =	vunpack.i.u.bf16.f32 v2;
	[tilespmem:s0+$0xFFFFFFB0] =	vst v3  }
0x124: {  	[tilespmem:s0+$0xFFFFFFC0] =	vst v2  }
0x125: {  	v2 =	vld [tilespmem:s8+$0xB70]  }
0x126: {  	v3 =	vld [tilespmem:s8+$0x3370];
	_ =	sdelay $0x4  }
0x127: {  	v2 =	vmul.bf16 v3, v2;
	_ =	sdelay $0x1  }
0x128: {  	v3 =	vunpack.i.l.bf16.f32 v2  }
0x129: {  	v2 =	vunpack.i.u.bf16.f32 v2;
	[tilespmem:s0+$0xFFFFFFD0] =	vst v3  }
0x12a: {  	[tilespmem:s0+$0xFFFFFFE0] =	vst v2  }
0x12b: {  	v2 =	vld [tilespmem:s8+$0xB80]  }
0x12c: {  	v3 =	vld [tilespmem:s8+$0x3380];
	_ =	sdelay $0x4  }
0x12d: {  	v2 =	vmul.bf16 v3, v2;
	_ =	sdelay $0x1  }
0x12e: {  	v3 =	vunpack.i.l.bf16.f32 v2  }
0x12f: {  	v2 =	vunpack.i.u.bf16.f32 v2;
	[tilespmem:s0+$0x0] =	vst v3  }
0x130: {  	[tilespmem:s0+$0x10] =	vst v2  }
0x131: {  	v2 =	vld [tilespmem:s8+$0xB90]  }
0x132: {  	v3 =	vld [tilespmem:s8+$0x3390];
	_ =	sdelay $0x4  }
0x133: {  	v2 =	vmul.bf16 v3, v2;
	_ =	sdelay $0x1  }
0x134: {  	v3 =	vunpack.i.l.bf16.f32 v2  }
0x135: {  	v2 =	vunpack.i.u.bf16.f32 v2;
	[tilespmem:s0+$0x20] =	vst v3  }
0x136: {  	[tilespmem:s0+$0x30] =	vst v2  }
0x137: {  	v2 =	vld [tilespmem:s8+$0xBA0]  }
0x138: {  	s9 =	simm.s32 $0x6850;
	s15 =	simm.s32 $0x200;
	v3 =	vld [tilespmem:s8+$0x33A0]  }
.LBB2_8:
0x139: {  	_ =	sdelay $0x1  }
0x13a: {  	p0 =	sne.s32 s15, $0x2600  }
0x13b: {  	s0 =	sadd.s32 $0x120, s0;
	s16 =	smov.u32 s15;
	s15 =	sadd.s32 $0x200, s15  }
0x13c: {  	v2 =	vmul.bf16 v3, v2;
	_ =	sdelay $0x1  }
0x13d: {  	v3 =	vunpack.i.u.bf16.f32 v2;
	v2 =	vunpack.i.l.bf16.f32 v2  }
0x13e: {  	[tilespmem:s9+$0x40] =	vst v2  }
0x13f: {  	[tilespmem:s9+$0x50] =	vst v3  }
0x140: {  	v2 =	vld [tilespmem:s8+$0xBB0]  }
0x141: {  	v3 =	vld [tilespmem:s8+$0x33B0];
	_ =	sdelay $0x4  }
0x142: {  	v2 =	vmul.bf16 v3, v2;
	_ =	sdelay $0x1  }
0x143: {  	v3 =	vunpack.i.u.bf16.f32 v2;
	v2 =	vunpack.i.l.bf16.f32 v2  }
0x144: {  	[tilespmem:s9+$0x60] =	vst v2  }
0x145: {  	s8 =	sshra.s32 s16, $0x2;
	[tilespmem:s9+$0x70] =	vst v3;
	s9 =	smov.u32 s0  }
0x146: {  	v2 =	vld [tilespmem:s8+$0xB40]  }
0x147: {  	v3 =	vld [tilespmem:s8+$0x3340];
	_ =	sdelay $0x4  }
0x148: {  	v2 =	vmul.bf16 v3, v2;
	_ =	sdelay $0x1  }
0x149: {  	v3 =	vunpack.i.u.bf16.f32 v2;
	v2 =	vunpack.i.l.bf16.f32 v2  }
0x14a: {  	[tilespmem:s0+$0xFFFFFF70] =	vst v2  }
0x14b: {  	[tilespmem:s0+$0xFFFFFF80] =	vst v3  }
0x14c: {  	v2 =	vld [tilespmem:s8+$0xB50]  }
0x14d: {  	v3 =	vld [tilespmem:s8+$0x3350];
	_ =	sdelay $0x4  }
0x14e: {  	v2 =	vmul.bf16 v3, v2;
	_ =	sdelay $0x1  }
0x14f: {  	v3 =	vunpack.i.u.bf16.f32 v2;
	v2 =	vunpack.i.l.bf16.f32 v2  }
0x150: {  	[tilespmem:s0+$0xFFFFFF90] =	vst v2  }
0x151: {  	[tilespmem:s0+$0xFFFFFFA0] =	vst v3  }
0x152: {  	v2 =	vld [tilespmem:s8+$0xB60]  }
0x153: {  	v3 =	vld [tilespmem:s8+$0x3360];
	_ =	sdelay $0x4  }
0x154: {  	v2 =	vmul.bf16 v3, v2;
	_ =	sdelay $0x1  }
0x155: {  	v3 =	vunpack.i.u.bf16.f32 v2;
	v2 =	vunpack.i.l.bf16.f32 v2  }
0x156: {  	[tilespmem:s0+$0xFFFFFFB0] =	vst v2  }
0x157: {  	[tilespmem:s0+$0xFFFFFFC0] =	vst v3  }
0x158: {  	v2 =	vld [tilespmem:s8+$0xB70]  }
0x159: {  	v3 =	vld [tilespmem:s8+$0x3370];
	_ =	sdelay $0x4  }
0x15a: {  	v2 =	vmul.bf16 v3, v2;
	_ =	sdelay $0x1  }
0x15b: {  	v3 =	vunpack.i.u.bf16.f32 v2;
	v2 =	vunpack.i.l.bf16.f32 v2  }
0x15c: {  	[tilespmem:s0+$0xFFFFFFD0] =	vst v2  }
0x15d: {  	[tilespmem:s0+$0xFFFFFFE0] =	vst v3  }
0x15e: {  	v2 =	vld [tilespmem:s8+$0xB80]  }
0x15f: {  	v3 =	vld [tilespmem:s8+$0x3380];
	_ =	sdelay $0x4  }
0x160: {  	v2 =	vmul.bf16 v3, v2;
	_ =	sdelay $0x1  }
0x161: {  	v3 =	vunpack.i.u.bf16.f32 v2;
	v2 =	vunpack.i.l.bf16.f32 v2  }
0x162: {  	[tilespmem:s0+$0x0] =	vst v2  }
0x163: {  	[tilespmem:s0+$0x10] =	vst v3  }
0x164: {  	v2 =	vld [tilespmem:s8+$0xB90]  }
0x165: {  	v3 =	vld [tilespmem:s8+$0x3390];
	_ =	sdelay $0x4  }
0x166: {  	v2 =	vmul.bf16 v3, v2;
	_ =	sdelay $0x1  }
.Ltmp3:
0x167: {  	v3 =	vunpack.i.u.bf16.f32 v2;
	v2 =	vunpack.i.l.bf16.f32 v2;
	(pc) =	sbr.rel @p0 .LBB2_8-.Ltmp3, $4  }
0x168: {  	[tilespmem:s0+$0x20] =	vst v2  }
0x169: {  	[tilespmem:s0+$0x30] =	vst v3  }
0x16a: {  	v2 =	vld [tilespmem:s8+$0xBA0]  }
0x16b: {  	v3 =	vld [tilespmem:s8+$0x33A0]  }
0x16c: {  	_ =	sdelay $0x3  }
0x16d: {  	v2 =	vmul.bf16 v3, v2;
	_ =	sdelay $0x1  }
0x16e: {  	v3 =	vunpack.i.l.bf16.f32 v2  }
0x16f: {  	v2 =	vunpack.i.u.bf16.f32 v2;
	[tilespmem:s9+$0x40] =	vst v3  }
0x170: {  	[tilespmem:s9+$0x50] =	vst v2  }
0x171: {  	v2 =	vld [tilespmem:s8+$0xBB0]  }
0x172: {  	v3 =	vld [tilespmem:s8+$0x33B0];
	_ =	sdelay $0x4  }
0x173: {  	v2 =	vmul.bf16 v3, v2;
	_ =	sdelay $0x1  }
0x174: {  	v3 =	vunpack.i.l.bf16.f32 v2  }
0x175: {  	v2 =	vunpack.i.u.bf16.f32 v2;
	[tilespmem:s9+$0x60] =	vst v3  }
0x176: {  	s0 =	simm.s32 $0x67C0;
	[tilespmem:s9+$0x70] =	vst v2  }
0x177: {  	[spmem:s1] =	stream.indirect.scatter.add.f32 [tilespmem:s0], [sflag:$0xE], $0x90, s22, s14, $0xb8;
	[tilespmem:$0x1E640] =	vst v63  }
0x178: {  	s8 =	simm.s32 $0x0;
	s0 =	simm.s32 $0x0  }
.LBB2_10:
0x179: {  	_ =	swait.ge [sflag:s11], $0x50  }
0x17a: {  	[sflag:s11] =	ssyncset.done $0x0  }
0x17b: {  	s9 =	simm.s32 $0x118;
	s10 =	simm.s32 $0x4740;
	[sflag:s11] =	ssyncadd.s32 $0xFFFFFFB0  }
0x17c: {  	[tilespmem:s10], [sflag:$0xC] =	stream.indirect.gather [hbm4b:s6+s14], $0x40, s9, s14, $0xb8;
	[tilespmem:$0x1E640] =	vst v63  }
0x17d: {  	_ =	swait.ge [sflag:s20], $0xA00  }
0x17e: {  	[sflag:s20] =	ssyncset.done $0x0  }
0x17f: {  	[sflag:s20] =	ssyncadd.s32 $0xFFFFF600  }
0x180: {  	_ =	swait.ge [sflag:s3], $0xA00  }
0x181: {  	[sflag:s3] =	ssyncset.done $0x0  }
0x182: {  	[sflag:s3] =	ssyncadd.s32 $0xFFFFF600  }
0x183: {  	s9 =	smul.u32 $0xA0, s8;
	_ =	swait.ge [sflag:s21], $0x1680  }
0x184: {  	s17 =	rddreg [dreg:$0xc]  }
0x185: {  	s15 =	sadd.s32 s9, s17  }
0x186: {  	[sflag:s21] =	ssyncset.done $0x0;
	s16 =	sshrl.u32 s15, $0x3;
	s15 =	sshll.u32 s15, $0x3  }
0x187: {  	[sflag:s21] =	ssyncadd.s32 $0xFFFFE980;
	s16 =	sadd.s32 s4, s16;
	s15 =	sand.u32 $0xFFFFF80, s15  }
0x188: {  	[tilespmem:s0], [sflag:$0x1] =	stream.strided.gather [hbm4b:s16+s14], $0x50, s19, s14, $0x38;
	[tilespmem:$0x1E640] =	vst v63  }
0x189: {  	s18 =	simm.s32 $0x140;
	s15 =	sadd.s32 s5, s15;
	s16 =	simm.s32 $0x0  }
0x18a: {  	[tilespmem:s18], [sflag:$0x5] =	stream.linear.gather [hbm4b:s15+s0], $0xA00, $0x38;
	[tilespmem:$0x1E640] =	vst v63  }
0x18b: {  	v2 =	vld [tilespmem:s16+$0x1540]  }
0x18c: {  	v3 =	vld [tilespmem:s16+$0x3D40];
	_ =	sdelay $0x4  }
0x18d: {  	v2 =	vmul.bf16 v3, v2;
	_ =	sdelay $0x1  }
0x18e: {  	s15 =	simm.s32 $0x51D0;
	v3 =	vunpack.i.l.bf16.f32 v2  }
0x18f: {  	v2 =	vunpack.i.u.bf16.f32 v2;
	[tilespmem:s15+$0xFFFFFF70] =	vst v3  }
0x190: {  	[tilespmem:s15+$0xFFFFFF80] =	vst v2  }
0x191: {  	v2 =	vld [tilespmem:s16+$0x1550]  }
0x192: {  	v3 =	vld [tilespmem:s16+$0x3D50];
	_ =	sdelay $0x4  }
0x193: {  	v2 =	vmul.bf16 v3, v2;
	_ =	sdelay $0x1  }
0x194: {  	v3 =	vunpack.i.l.bf16.f32 v2  }
0x195: {  	v2 =	vunpack.i.u.bf16.f32 v2;
	[tilespmem:s15+$0xFFFFFF90] =	vst v3  }
0x196: {  	[tilespmem:s15+$0xFFFFFFA0] =	vst v2  }
0x197: {  	v2 =	vld [tilespmem:s16+$0x1560]  }
0x198: {  	v3 =	vld [tilespmem:s16+$0x3D60];
	_ =	sdelay $0x4  }
0x199: {  	v2 =	vmul.bf16 v3, v2;
	_ =	sdelay $0x1  }
0x19a: {  	v3 =	vunpack.i.l.bf16.f32 v2  }
0x19b: {  	v2 =	vunpack.i.u.bf16.f32 v2;
	[tilespmem:s15+$0xFFFFFFB0] =	vst v3  }
0x19c: {  	[tilespmem:s15+$0xFFFFFFC0] =	vst v2  }
0x19d: {  	v2 =	vld [tilespmem:s16+$0x1570]  }
0x19e: {  	v3 =	vld [tilespmem:s16+$0x3D70];
	_ =	sdelay $0x4  }
0x19f: {  	v2 =	vmul.bf16 v3, v2;
	_ =	sdelay $0x1  }
0x1a0: {  	v3 =	vunpack.i.l.bf16.f32 v2  }
0x1a1: {  	v2 =	vunpack.i.u.bf16.f32 v2;
	[tilespmem:s15+$0xFFFFFFD0] =	vst v3  }
0x1a2: {  	[tilespmem:s15+$0xFFFFFFE0] =	vst v2  }
0x1a3: {  	v2 =	vld [tilespmem:s16+$0x1580]  }
0x1a4: {  	v3 =	vld [tilespmem:s16+$0x3D80];
	_ =	sdelay $0x4  }
0x1a5: {  	v2 =	vmul.bf16 v3, v2;
	_ =	sdelay $0x1  }
0x1a6: {  	v3 =	vunpack.i.l.bf16.f32 v2  }
0x1a7: {  	v2 =	vunpack.i.u.bf16.f32 v2;
	[tilespmem:s15+$0x0] =	vst v3  }
0x1a8: {  	[tilespmem:s15+$0x10] =	vst v2  }
0x1a9: {  	v2 =	vld [tilespmem:s16+$0x1590]  }
0x1aa: {  	v3 =	vld [tilespmem:s16+$0x3D90];
	_ =	sdelay $0x4  }
0x1ab: {  	v2 =	vmul.bf16 v3, v2;
	_ =	sdelay $0x1  }
0x1ac: {  	v3 =	vunpack.i.l.bf16.f32 v2  }
0x1ad: {  	v2 =	vunpack.i.u.bf16.f32 v2;
	[tilespmem:s15+$0x20] =	vst v3  }
0x1ae: {  	[tilespmem:s15+$0x30] =	vst v2  }
0x1af: {  	v2 =	vld [tilespmem:s16+$0x15A0]  }
0x1b0: {  	s17 =	simm.s32 $0x51D0;
	s18 =	simm.s32 $0x200;
	v3 =	vld [tilespmem:s16+$0x3DA0]  }
.LBB2_11:
0x1b1: {  	_ =	sdelay $0x1  }
0x1b2: {  	p0 =	sne.s32 s18, $0x2600  }
0x1b3: {  	s15 =	sadd.s32 $0x120, s15;
	s10 =	smov.u32 s18;
	s18 =	sadd.s32 $0x200, s18  }
0x1b4: {  	v2 =	vmul.bf16 v3, v2;
	_ =	sdelay $0x1  }
0x1b5: {  	v3 =	vunpack.i.u.bf16.f32 v2;
	v2 =	vunpack.i.l.bf16.f32 v2  }
0x1b6: {  	[tilespmem:s17+$0x40] =	vst v2  }
0x1b7: {  	[tilespmem:s17+$0x50] =	vst v3  }
0x1b8: {  	v2 =	vld [tilespmem:s16+$0x15B0]  }
0x1b9: {  	v3 =	vld [tilespmem:s16+$0x3DB0];
	_ =	sdelay $0x4  }
0x1ba: {  	v2 =	vmul.bf16 v3, v2;
	_ =	sdelay $0x1  }
0x1bb: {  	v3 =	vunpack.i.u.bf16.f32 v2;
	v2 =	vunpack.i.l.bf16.f32 v2  }
0x1bc: {  	[tilespmem:s17+$0x60] =	vst v2  }
0x1bd: {  	s16 =	sshra.s32 s10, $0x2;
	[tilespmem:s17+$0x70] =	vst v3;
	s17 =	smov.u32 s15  }
0x1be: {  	v2 =	vld [tilespmem:s16+$0x1540]  }
0x1bf: {  	v3 =	vld [tilespmem:s16+$0x3D40];
	_ =	sdelay $0x4  }
0x1c0: {  	v2 =	vmul.bf16 v3, v2;
	_ =	sdelay $0x1  }
0x1c1: {  	v3 =	vunpack.i.u.bf16.f32 v2;
	v2 =	vunpack.i.l.bf16.f32 v2  }
0x1c2: {  	[tilespmem:s15+$0xFFFFFF70] =	vst v2  }
0x1c3: {  	[tilespmem:s15+$0xFFFFFF80] =	vst v3  }
0x1c4: {  	v2 =	vld [tilespmem:s16+$0x1550]  }
0x1c5: {  	v3 =	vld [tilespmem:s16+$0x3D50];
	_ =	sdelay $0x4  }
0x1c6: {  	v2 =	vmul.bf16 v3, v2;
	_ =	sdelay $0x1  }
0x1c7: {  	v3 =	vunpack.i.u.bf16.f32 v2;
	v2 =	vunpack.i.l.bf16.f32 v2  }
0x1c8: {  	[tilespmem:s15+$0xFFFFFF90] =	vst v2  }
0x1c9: {  	[tilespmem:s15+$0xFFFFFFA0] =	vst v3  }
0x1ca: {  	v2 =	vld [tilespmem:s16+$0x1560]  }
0x1cb: {  	v3 =	vld [tilespmem:s16+$0x3D60];
	_ =	sdelay $0x4  }
0x1cc: {  	v2 =	vmul.bf16 v3, v2;
	_ =	sdelay $0x1  }
0x1cd: {  	v3 =	vunpack.i.u.bf16.f32 v2;
	v2 =	vunpack.i.l.bf16.f32 v2  }
0x1ce: {  	[tilespmem:s15+$0xFFFFFFB0] =	vst v2  }
0x1cf: {  	[tilespmem:s15+$0xFFFFFFC0] =	vst v3  }
0x1d0: {  	v2 =	vld [tilespmem:s16+$0x1570]  }
0x1d1: {  	v3 =	vld [tilespmem:s16+$0x3D70];
	_ =	sdelay $0x4  }
0x1d2: {  	v2 =	vmul.bf16 v3, v2;
	_ =	sdelay $0x1  }
0x1d3: {  	v3 =	vunpack.i.u.bf16.f32 v2;
	v2 =	vunpack.i.l.bf16.f32 v2  }
0x1d4: {  	[tilespmem:s15+$0xFFFFFFD0] =	vst v2  }
0x1d5: {  	[tilespmem:s15+$0xFFFFFFE0] =	vst v3  }
0x1d6: {  	v2 =	vld [tilespmem:s16+$0x1580]  }
0x1d7: {  	v3 =	vld [tilespmem:s16+$0x3D80];
	_ =	sdelay $0x4  }
0x1d8: {  	v2 =	vmul.bf16 v3, v2;
	_ =	sdelay $0x1  }
0x1d9: {  	v3 =	vunpack.i.u.bf16.f32 v2;
	v2 =	vunpack.i.l.bf16.f32 v2  }
0x1da: {  	[tilespmem:s15+$0x0] =	vst v2  }
0x1db: {  	[tilespmem:s15+$0x10] =	vst v3  }
0x1dc: {  	v2 =	vld [tilespmem:s16+$0x1590]  }
0x1dd: {  	v3 =	vld [tilespmem:s16+$0x3D90];
	_ =	sdelay $0x4  }
0x1de: {  	v2 =	vmul.bf16 v3, v2;
	_ =	sdelay $0x1  }
.Ltmp4:
0x1df: {  	v3 =	vunpack.i.u.bf16.f32 v2;
	v2 =	vunpack.i.l.bf16.f32 v2;
	(pc) =	sbr.rel @p0 .LBB2_11-.Ltmp4, $4  }
0x1e0: {  	[tilespmem:s15+$0x20] =	vst v2  }
0x1e1: {  	[tilespmem:s15+$0x30] =	vst v3  }
0x1e2: {  	v2 =	vld [tilespmem:s16+$0x15A0]  }
0x1e3: {  	v3 =	vld [tilespmem:s16+$0x3DA0]  }
0x1e4: {  	_ =	sdelay $0x3  }
0x1e5: {  	v2 =	vmul.bf16 v3, v2;
	_ =	sdelay $0x1  }
0x1e6: {  	v3 =	vunpack.i.l.bf16.f32 v2  }
0x1e7: {  	v2 =	vunpack.i.u.bf16.f32 v2;
	[tilespmem:s17+$0x40] =	vst v3  }
0x1e8: {  	[tilespmem:s17+$0x50] =	vst v2  }
0x1e9: {  	v2 =	vld [tilespmem:s16+$0x15B0]  }
0x1ea: {  	v3 =	vld [tilespmem:s16+$0x3DB0];
	_ =	sdelay $0x4  }
0x1eb: {  	v2 =	vmul.bf16 v3, v2;
	_ =	sdelay $0x1  }
0x1ec: {  	v3 =	vunpack.i.l.bf16.f32 v2  }
0x1ed: {  	v2 =	vunpack.i.u.bf16.f32 v2;
	[tilespmem:s17+$0x60] =	vst v3  }
0x1ee: {  	s10 =	simm.s32 $0xA0;
	[tilespmem:s17+$0x70] =	vst v2  }
0x1ef: {  	[spmem:s1] =	stream.indirect.scatter.add.f32 [tilespmem:s12], [sflag:$0xD], $0x90, s10, s14, $0xb8;
	[tilespmem:$0x1E640] =	vst v63  }
0x1f0: {  	_ =	swait.ge [sflag:s28], $0x50  }
0x1f1: {  	[sflag:s28] =	ssyncset.done $0x0  }
0x1f2: {  	s15 =	simm.s32 $0x2940;
	[sflag:s28] =	ssyncadd.s32 $0xFFFFFFB0  }
0x1f3: {  	[tilespmem:s15], [sflag:$0x9] =	stream.indirect.gather [hbm4b:s6+s14], $0x40, s14, s14, $0xb8;
	[tilespmem:$0x1E640] =	vst v63  }
0x1f4: {  	_ =	swait.ge [sflag:s25], $0xA00  }
0x1f5: {  	[sflag:s25] =	ssyncset.done $0x0  }
0x1f6: {  	[sflag:s25] =	ssyncadd.s32 $0xFFFFF600  }
0x1f7: {  	_ =	swait.ge [sflag:s24], $0xA00  }
0x1f8: {  	[sflag:s24] =	ssyncset.done $0x0  }
0x1f9: {  	[sflag:s24] =	ssyncadd.s32 $0xFFFFF600  }
0x1fa: {  	_ =	swait.ge [sflag:s26], $0x1680  }
0x1fb: {  	s16 =	rddreg [dreg:$0xd]  }
0x1fc: {  	s18 =	simm.s32 $0xB40;
	s10 =	sadd.s32 s9, s16  }
0x1fd: {  	[sflag:s26] =	ssyncset.done $0x0;
	s15 =	sshrl.u32 s10, $0x3;
	s10 =	sshll.u32 s10, $0x3  }
0x1fe: {  	[sflag:s26] =	ssyncadd.s32 $0xFFFFE980;
	s15 =	sadd.s32 s4, s15;
	s10 =	sand.u32 $0xFFFFFC0, s10  }
0x1ff: {  	[tilespmem:s22], [sflag:$0x2] =	stream.strided.gather [hbm4b:s15+s14], $0x50, s19, s14, $0x38;
	[tilespmem:$0x1E640] =	vst v63  }
0x200: {  	s17 =	simm.s32 $0x0;
	s16 =	simm.s32 $0x0;
	s10 =	sadd.s32 s5, s10  }
0x201: {  	[tilespmem:s18], [sflag:$0x6] =	stream.linear.gather [hbm4b:s10+s17], $0xA00, $0x38;
	[tilespmem:$0x1E640] =	vst v63  }
0x202: {  	v2 =	vld [tilespmem:s16+$0x1F40]  }
0x203: {  	v3 =	vld [tilespmem:s16+$0x4740];
	_ =	sdelay $0x4  }
0x204: {  	v2 =	vmul.bf16 v3, v2;
	_ =	sdelay $0x1  }
0x205: {  	s15 =	simm.s32 $0x6850;
	v3 =	vunpack.i.l.bf16.f32 v2  }
0x206: {  	v2 =	vunpack.i.u.bf16.f32 v2;
	[tilespmem:s15+$0xFFFFFF70] =	vst v3  }
0x207: {  	[tilespmem:s15+$0xFFFFFF80] =	vst v2  }
0x208: {  	v2 =	vld [tilespmem:s16+$0x1F50]  }
0x209: {  	v3 =	vld [tilespmem:s16+$0x4750];
	_ =	sdelay $0x4  }
0x20a: {  	v2 =	vmul.bf16 v3, v2;
	_ =	sdelay $0x1  }
0x20b: {  	v3 =	vunpack.i.l.bf16.f32 v2  }
0x20c: {  	v2 =	vunpack.i.u.bf16.f32 v2;
	[tilespmem:s15+$0xFFFFFF90] =	vst v3  }
0x20d: {  	[tilespmem:s15+$0xFFFFFFA0] =	vst v2  }
0x20e: {  	v2 =	vld [tilespmem:s16+$0x1F60]  }
0x20f: {  	v3 =	vld [tilespmem:s16+$0x4760];
	_ =	sdelay $0x4  }
0x210: {  	v2 =	vmul.bf16 v3, v2;
	_ =	sdelay $0x1  }
0x211: {  	v3 =	vunpack.i.l.bf16.f32 v2  }
0x212: {  	v2 =	vunpack.i.u.bf16.f32 v2;
	[tilespmem:s15+$0xFFFFFFB0] =	vst v3  }
0x213: {  	[tilespmem:s15+$0xFFFFFFC0] =	vst v2  }
0x214: {  	v2 =	vld [tilespmem:s16+$0x1F70]  }
0x215: {  	v3 =	vld [tilespmem:s16+$0x4770];
	_ =	sdelay $0x4  }
0x216: {  	v2 =	vmul.bf16 v3, v2;
	_ =	sdelay $0x1  }
0x217: {  	v3 =	vunpack.i.l.bf16.f32 v2  }
0x218: {  	v2 =	vunpack.i.u.bf16.f32 v2;
	[tilespmem:s15+$0xFFFFFFD0] =	vst v3  }
0x219: {  	[tilespmem:s15+$0xFFFFFFE0] =	vst v2  }
0x21a: {  	v2 =	vld [tilespmem:s16+$0x1F80]  }
0x21b: {  	v3 =	vld [tilespmem:s16+$0x4780];
	_ =	sdelay $0x4  }
0x21c: {  	v2 =	vmul.bf16 v3, v2;
	_ =	sdelay $0x1  }
0x21d: {  	v3 =	vunpack.i.l.bf16.f32 v2  }
0x21e: {  	v2 =	vunpack.i.u.bf16.f32 v2;
	[tilespmem:s15+$0x0] =	vst v3  }
0x21f: {  	[tilespmem:s15+$0x10] =	vst v2  }
0x220: {  	v2 =	vld [tilespmem:s16+$0x1F90]  }
0x221: {  	v3 =	vld [tilespmem:s16+$0x4790];
	_ =	sdelay $0x4  }
0x222: {  	v2 =	vmul.bf16 v3, v2;
	_ =	sdelay $0x1  }
0x223: {  	v3 =	vunpack.i.l.bf16.f32 v2  }
0x224: {  	v2 =	vunpack.i.u.bf16.f32 v2;
	[tilespmem:s15+$0x20] =	vst v3  }
0x225: {  	[tilespmem:s15+$0x30] =	vst v2  }
0x226: {  	v2 =	vld [tilespmem:s16+$0x1FA0]  }
0x227: {  	s18 =	simm.s32 $0x200;
	s17 =	simm.s32 $0x6850;
	v3 =	vld [tilespmem:s16+$0x47A0]  }
.LBB2_13:
0x228: {  	_ =	sdelay $0x1  }
0x229: {  	p0 =	sne.s32 s18, $0x2600  }
0x22a: {  	s15 =	sadd.s32 $0x120, s15;
	s10 =	smov.u32 s18;
	s18 =	sadd.s32 $0x200, s18  }
0x22b: {  	v2 =	vmul.bf16 v3, v2;
	_ =	sdelay $0x1  }
0x22c: {  	v3 =	vunpack.i.u.bf16.f32 v2;
	v2 =	vunpack.i.l.bf16.f32 v2  }
0x22d: {  	[tilespmem:s17+$0x40] =	vst v2  }
0x22e: {  	[tilespmem:s17+$0x50] =	vst v3  }
0x22f: {  	v2 =	vld [tilespmem:s16+$0x1FB0]  }
0x230: {  	v3 =	vld [tilespmem:s16+$0x47B0];
	_ =	sdelay $0x4  }
0x231: {  	v2 =	vmul.bf16 v3, v2;
	_ =	sdelay $0x1  }
0x232: {  	v3 =	vunpack.i.u.bf16.f32 v2;
	v2 =	vunpack.i.l.bf16.f32 v2  }
0x233: {  	[tilespmem:s17+$0x60] =	vst v2  }
0x234: {  	s16 =	sshra.s32 s10, $0x2;
	[tilespmem:s17+$0x70] =	vst v3;
	s17 =	smov.u32 s15  }
0x235: {  	v2 =	vld [tilespmem:s16+$0x1F40]  }
0x236: {  	v3 =	vld [tilespmem:s16+$0x4740];
	_ =	sdelay $0x4  }
0x237: {  	v2 =	vmul.bf16 v3, v2;
	_ =	sdelay $0x1  }
0x238: {  	v3 =	vunpack.i.u.bf16.f32 v2;
	v2 =	vunpack.i.l.bf16.f32 v2  }
0x239: {  	[tilespmem:s15+$0xFFFFFF70] =	vst v2  }
0x23a: {  	[tilespmem:s15+$0xFFFFFF80] =	vst v3  }
0x23b: {  	v2 =	vld [tilespmem:s16+$0x1F50]  }
0x23c: {  	v3 =	vld [tilespmem:s16+$0x4750];
	_ =	sdelay $0x4  }
0x23d: {  	v2 =	vmul.bf16 v3, v2;
	_ =	sdelay $0x1  }
0x23e: {  	v3 =	vunpack.i.u.bf16.f32 v2;
	v2 =	vunpack.i.l.bf16.f32 v2  }
0x23f: {  	[tilespmem:s15+$0xFFFFFF90] =	vst v2  }
0x240: {  	[tilespmem:s15+$0xFFFFFFA0] =	vst v3  }
0x241: {  	v2 =	vld [tilespmem:s16+$0x1F60]  }
0x242: {  	v3 =	vld [tilespmem:s16+$0x4760];
	_ =	sdelay $0x4  }
0x243: {  	v2 =	vmul.bf16 v3, v2;
	_ =	sdelay $0x1  }
0x244: {  	v3 =	vunpack.i.u.bf16.f32 v2;
	v2 =	vunpack.i.l.bf16.f32 v2  }
0x245: {  	[tilespmem:s15+$0xFFFFFFB0] =	vst v2  }
0x246: {  	[tilespmem:s15+$0xFFFFFFC0] =	vst v3  }
0x247: {  	v2 =	vld [tilespmem:s16+$0x1F70]  }
0x248: {  	v3 =	vld [tilespmem:s16+$0x4770];
	_ =	sdelay $0x4  }
0x249: {  	v2 =	vmul.bf16 v3, v2;
	_ =	sdelay $0x1  }
0x24a: {  	v3 =	vunpack.i.u.bf16.f32 v2;
	v2 =	vunpack.i.l.bf16.f32 v2  }
0x24b: {  	[tilespmem:s15+$0xFFFFFFD0] =	vst v2  }
0x24c: {  	[tilespmem:s15+$0xFFFFFFE0] =	vst v3  }
0x24d: {  	v2 =	vld [tilespmem:s16+$0x1F80]  }
0x24e: {  	v3 =	vld [tilespmem:s16+$0x4780];
	_ =	sdelay $0x4  }
0x24f: {  	v2 =	vmul.bf16 v3, v2;
	_ =	sdelay $0x1  }
0x250: {  	v3 =	vunpack.i.u.bf16.f32 v2;
	v2 =	vunpack.i.l.bf16.f32 v2  }
0x251: {  	[tilespmem:s15+$0x0] =	vst v2  }
0x252: {  	[tilespmem:s15+$0x10] =	vst v3  }
0x253: {  	v2 =	vld [tilespmem:s16+$0x1F90]  }
0x254: {  	v3 =	vld [tilespmem:s16+$0x4790];
	_ =	sdelay $0x4  }
0x255: {  	v2 =	vmul.bf16 v3, v2;
	_ =	sdelay $0x1  }
.Ltmp5:
0x256: {  	v3 =	vunpack.i.u.bf16.f32 v2;
	v2 =	vunpack.i.l.bf16.f32 v2;
	(pc) =	sbr.rel @p0 .LBB2_13-.Ltmp5, $4  }
0x257: {  	[tilespmem:s15+$0x20] =	vst v2  }
0x258: {  	[tilespmem:s15+$0x30] =	vst v3  }
0x259: {  	v2 =	vld [tilespmem:s16+$0x1FA0]  }
0x25a: {  	v3 =	vld [tilespmem:s16+$0x47A0]  }
0x25b: {  	_ =	sdelay $0x3  }
0x25c: {  	v2 =	vmul.bf16 v3, v2;
	_ =	sdelay $0x1  }
0x25d: {  	v3 =	vunpack.i.l.bf16.f32 v2  }
0x25e: {  	v2 =	vunpack.i.u.bf16.f32 v2;
	[tilespmem:s17+$0x40] =	vst v3  }
0x25f: {  	[tilespmem:s17+$0x50] =	vst v2  }
0x260: {  	v2 =	vld [tilespmem:s16+$0x1FB0]  }
0x261: {  	v3 =	vld [tilespmem:s16+$0x47B0];
	_ =	sdelay $0x4  }
0x262: {  	v2 =	vmul.bf16 v3, v2;
	_ =	sdelay $0x1  }
0x263: {  	v3 =	vunpack.i.l.bf16.f32 v2  }
0x264: {  	v2 =	vunpack.i.u.bf16.f32 v2;
	[tilespmem:s17+$0x60] =	vst v3  }
0x265: {  	s10 =	simm.s32 $0xF0;
	s15 =	simm.s32 $0x67C0;
	[tilespmem:s17+$0x70] =	vst v2  }
0x266: {  	[spmem:s1] =	stream.indirect.scatter.add.f32 [tilespmem:s15], [sflag:$0xE], $0x90, s10, s14, $0xb8;
	[tilespmem:$0x1E640] =	vst v63  }
0x267: {  	_ =	swait.ge [sflag:s30], $0x50  }
0x268: {  	[sflag:s30] =	ssyncset.done $0x0  }
0x269: {  	s18 =	simm.s32 $0x3340;
	s17 =	simm.s32 $0x78;
	[sflag:s30] =	ssyncadd.s32 $0xFFFFFFB0  }
0x26a: {  	[tilespmem:s18], [sflag:$0xA] =	stream.indirect.gather [hbm4b:s6+s14], $0x40, s17, s14, $0xb8;
	[tilespmem:$0x1E640] =	vst v63  }
0x26b: {  	_ =	swait.ge [sflag:s2], $0xA00  }
0x26c: {  	[sflag:s2] =	ssyncset.done $0x0  }
0x26d: {  	[sflag:s2] =	ssyncadd.s32 $0xFFFFF600  }
0x26e: {  	_ =	swait.ge [sflag:s7], $0xA00  }
0x26f: {  	[sflag:s7] =	ssyncset.done $0x0  }
0x270: {  	[sflag:s7] =	ssyncadd.s32 $0xFFFFF600  }
0x271: {  	p0 =	seq.s32 s8, $0x3D;
	_ =	swait.ge [sflag:s21], $0x1680  }
0x272: {  	s16 =	simm.s32 @!p0 $0x28;
	s10 =	rddreg [dreg:$0xe]  }
0x273: {  	s17 =	simm.s32 @!p0 $0x4E200;
	s18 =	simm.s32 @!p0 $0xA0;
	s10 =	sadd.s32 @!p0 s9, s10  }
0x274: {  	[sflag:s21] =	ssyncset.done $0x0;
	s15 =	sshrl.u32 @!p0 s10, $0x3;
	s10 =	sshll.u32 @!p0 s10, $0x3  }
0x275: {  	[sflag:s21] =	ssyncadd.s32 $0xFFFFE980;
	s15 =	sadd.s32 @!p0 s4, s15;
	s10 =	sand.u32 @!p0 $0xFFFFF80, s10  }
0x276: {  	[tilespmem:s18], [sflag:$0x3] =	stream.strided.gather @!p0 [hbm4b:s15+s16], $0x50, s17, s16, $0x38;
	[tilespmem:$0x1E640] =	vst v63  }
0x277: {  	s10 =	sadd.s32 @!p0 s5, s10;
	s15 =	simm.s32 @!p0 $0x0;
	s16 =	simm.s32 @!p0 $0x1540  }
0x278: {  	[tilespmem:s16], [sflag:$0x7] =	stream.linear.gather @!p0 [hbm4b:s10+s15], $0xA00, $0x38;
	[tilespmem:$0x1E640] =	vst v63  }
0x279: {  	s16 =	simm.s32 $0x0  }
0x27a: {  	v2 =	vld [tilespmem:s16+$0x140]  }
0x27b: {  	v3 =	vld [tilespmem:s16+$0x2940];
	_ =	sdelay $0x4  }
0x27c: {  	v2 =	vmul.bf16 v3, v2;
	_ =	sdelay $0x1  }
0x27d: {  	s15 =	simm.s32 $0x51D0;
	v3 =	vunpack.i.l.bf16.f32 v2  }
0x27e: {  	v2 =	vunpack.i.u.bf16.f32 v2;
	[tilespmem:s15+$0xFFFFFF70] =	vst v3  }
0x27f: {  	[tilespmem:s15+$0xFFFFFF80] =	vst v2  }
0x280: {  	v2 =	vld [tilespmem:s16+$0x150]  }
0x281: {  	v3 =	vld [tilespmem:s16+$0x2950];
	_ =	sdelay $0x4  }
0x282: {  	v2 =	vmul.bf16 v3, v2;
	_ =	sdelay $0x1  }
0x283: {  	v3 =	vunpack.i.l.bf16.f32 v2  }
0x284: {  	v2 =	vunpack.i.u.bf16.f32 v2;
	[tilespmem:s15+$0xFFFFFF90] =	vst v3  }
0x285: {  	[tilespmem:s15+$0xFFFFFFA0] =	vst v2  }
0x286: {  	v2 =	vld [tilespmem:s16+$0x160]  }
0x287: {  	v3 =	vld [tilespmem:s16+$0x2960];
	_ =	sdelay $0x4  }
0x288: {  	v2 =	vmul.bf16 v3, v2;
	_ =	sdelay $0x1  }
0x289: {  	v3 =	vunpack.i.l.bf16.f32 v2  }
0x28a: {  	v2 =	vunpack.i.u.bf16.f32 v2;
	[tilespmem:s15+$0xFFFFFFB0] =	vst v3  }
0x28b: {  	[tilespmem:s15+$0xFFFFFFC0] =	vst v2  }
0x28c: {  	v2 =	vld [tilespmem:s16+$0x170]  }
0x28d: {  	v3 =	vld [tilespmem:s16+$0x2970];
	_ =	sdelay $0x4  }
0x28e: {  	v2 =	vmul.bf16 v3, v2;
	_ =	sdelay $0x1  }
0x28f: {  	v3 =	vunpack.i.l.bf16.f32 v2  }
0x290: {  	v2 =	vunpack.i.u.bf16.f32 v2;
	[tilespmem:s15+$0xFFFFFFD0] =	vst v3  }
0x291: {  	[tilespmem:s15+$0xFFFFFFE0] =	vst v2  }
0x292: {  	v2 =	vld [tilespmem:s16+$0x180]  }
0x293: {  	v3 =	vld [tilespmem:s16+$0x2980];
	_ =	sdelay $0x4  }
0x294: {  	v2 =	vmul.bf16 v3, v2;
	_ =	sdelay $0x1  }
0x295: {  	v3 =	vunpack.i.l.bf16.f32 v2  }
0x296: {  	v2 =	vunpack.i.u.bf16.f32 v2;
	[tilespmem:s15+$0x0] =	vst v3  }
0x297: {  	[tilespmem:s15+$0x10] =	vst v2  }
0x298: {  	v2 =	vld [tilespmem:s16+$0x190]  }
0x299: {  	v3 =	vld [tilespmem:s16+$0x2990];
	_ =	sdelay $0x4  }
0x29a: {  	v2 =	vmul.bf16 v3, v2;
	_ =	sdelay $0x1  }
0x29b: {  	v3 =	vunpack.i.l.bf16.f32 v2  }
0x29c: {  	v2 =	vunpack.i.u.bf16.f32 v2;
	[tilespmem:s15+$0x20] =	vst v3  }
0x29d: {  	[tilespmem:s15+$0x30] =	vst v2  }
0x29e: {  	v2 =	vld [tilespmem:s16+$0x1A0]  }
0x29f: {  	s18 =	simm.s32 $0x200;
	s17 =	simm.s32 $0x51D0;
	v3 =	vld [tilespmem:s16+$0x29A0]  }
.LBB2_15:
0x2a0: {  	_ =	sdelay $0x1  }
0x2a1: {  	p1 =	sne.s32 s18, $0x2600  }
0x2a2: {  	s15 =	sadd.s32 $0x120, s15;
	s10 =	smov.u32 s18;
	s18 =	sadd.s32 $0x200, s18  }
0x2a3: {  	v2 =	vmul.bf16 v3, v2;
	_ =	sdelay $0x1  }
0x2a4: {  	v3 =	vunpack.i.u.bf16.f32 v2;
	v2 =	vunpack.i.l.bf16.f32 v2  }
0x2a5: {  	[tilespmem:s17+$0x40] =	vst v2  }
0x2a6: {  	[tilespmem:s17+$0x50] =	vst v3  }
0x2a7: {  	v2 =	vld [tilespmem:s16+$0x1B0]  }
0x2a8: {  	v3 =	vld [tilespmem:s16+$0x29B0];
	_ =	sdelay $0x4  }
0x2a9: {  	v2 =	vmul.bf16 v3, v2;
	_ =	sdelay $0x1  }
0x2aa: {  	v3 =	vunpack.i.u.bf16.f32 v2;
	v2 =	vunpack.i.l.bf16.f32 v2  }
0x2ab: {  	[tilespmem:s17+$0x60] =	vst v2  }
0x2ac: {  	s16 =	sshra.s32 s10, $0x2;
	[tilespmem:s17+$0x70] =	vst v3;
	s17 =	smov.u32 s15  }
0x2ad: {  	v2 =	vld [tilespmem:s16+$0x140]  }
0x2ae: {  	v3 =	vld [tilespmem:s16+$0x2940];
	_ =	sdelay $0x4  }
0x2af: {  	v2 =	vmul.bf16 v3, v2;
	_ =	sdelay $0x1  }
0x2b0: {  	v3 =	vunpack.i.u.bf16.f32 v2;
	v2 =	vunpack.i.l.bf16.f32 v2  }
0x2b1: {  	[tilespmem:s15+$0xFFFFFF70] =	vst v2  }
0x2b2: {  	[tilespmem:s15+$0xFFFFFF80] =	vst v3  }
0x2b3: {  	v2 =	vld [tilespmem:s16+$0x150]  }
0x2b4: {  	v3 =	vld [tilespmem:s16+$0x2950];
	_ =	sdelay $0x4  }
0x2b5: {  	v2 =	vmul.bf16 v3, v2;
	_ =	sdelay $0x1  }
0x2b6: {  	v3 =	vunpack.i.u.bf16.f32 v2;
	v2 =	vunpack.i.l.bf16.f32 v2  }
0x2b7: {  	[tilespmem:s15+$0xFFFFFF90] =	vst v2  }
0x2b8: {  	[tilespmem:s15+$0xFFFFFFA0] =	vst v3  }
0x2b9: {  	v2 =	vld [tilespmem:s16+$0x160]  }
0x2ba: {  	v3 =	vld [tilespmem:s16+$0x2960];
	_ =	sdelay $0x4  }
0x2bb: {  	v2 =	vmul.bf16 v3, v2;
	_ =	sdelay $0x1  }
0x2bc: {  	v3 =	vunpack.i.u.bf16.f32 v2;
	v2 =	vunpack.i.l.bf16.f32 v2  }
0x2bd: {  	[tilespmem:s15+$0xFFFFFFB0] =	vst v2  }
0x2be: {  	[tilespmem:s15+$0xFFFFFFC0] =	vst v3  }
0x2bf: {  	v2 =	vld [tilespmem:s16+$0x170]  }
0x2c0: {  	v3 =	vld [tilespmem:s16+$0x2970];
	_ =	sdelay $0x4  }
0x2c1: {  	v2 =	vmul.bf16 v3, v2;
	_ =	sdelay $0x1  }
0x2c2: {  	v3 =	vunpack.i.u.bf16.f32 v2;
	v2 =	vunpack.i.l.bf16.f32 v2  }
0x2c3: {  	[tilespmem:s15+$0xFFFFFFD0] =	vst v2  }
0x2c4: {  	[tilespmem:s15+$0xFFFFFFE0] =	vst v3  }
0x2c5: {  	v2 =	vld [tilespmem:s16+$0x180]  }
0x2c6: {  	v3 =	vld [tilespmem:s16+$0x2980];
	_ =	sdelay $0x4  }
0x2c7: {  	v2 =	vmul.bf16 v3, v2;
	_ =	sdelay $0x1  }
0x2c8: {  	v3 =	vunpack.i.u.bf16.f32 v2;
	v2 =	vunpack.i.l.bf16.f32 v2  }
0x2c9: {  	[tilespmem:s15+$0x0] =	vst v2  }
0x2ca: {  	[tilespmem:s15+$0x10] =	vst v3  }
0x2cb: {  	v2 =	vld [tilespmem:s16+$0x190]  }
0x2cc: {  	v3 =	vld [tilespmem:s16+$0x2990];
	_ =	sdelay $0x4  }
0x2cd: {  	v2 =	vmul.bf16 v3, v2;
	_ =	sdelay $0x1  }
.Ltmp6:
0x2ce: {  	v3 =	vunpack.i.u.bf16.f32 v2;
	v2 =	vunpack.i.l.bf16.f32 v2;
	(pc) =	sbr.rel @p1 .LBB2_15-.Ltmp6, $4  }
0x2cf: {  	[tilespmem:s15+$0x20] =	vst v2  }
0x2d0: {  	[tilespmem:s15+$0x30] =	vst v3  }
0x2d1: {  	v2 =	vld [tilespmem:s16+$0x1A0]  }
0x2d2: {  	v3 =	vld [tilespmem:s16+$0x29A0]  }
0x2d3: {  	_ =	sdelay $0x3  }
0x2d4: {  	v2 =	vmul.bf16 v3, v2;
	_ =	sdelay $0x1  }
0x2d5: {  	v3 =	vunpack.i.l.bf16.f32 v2  }
0x2d6: {  	v2 =	vunpack.i.u.bf16.f32 v2;
	[tilespmem:s17+$0x40] =	vst v3  }
0x2d7: {  	[tilespmem:s17+$0x50] =	vst v2  }
0x2d8: {  	v2 =	vld [tilespmem:s16+$0x1B0]  }
0x2d9: {  	v3 =	vld [tilespmem:s16+$0x29B0];
	_ =	sdelay $0x4  }
0x2da: {  	v2 =	vmul.bf16 v3, v2;
	_ =	sdelay $0x1  }
0x2db: {  	v3 =	vunpack.i.l.bf16.f32 v2  }
0x2dc: {  	v2 =	vunpack.i.u.bf16.f32 v2;
	[tilespmem:s17+$0x60] =	vst v3  }
0x2dd: {  	s10 =	simm.s32 $0x0;
	[tilespmem:s17+$0x70] =	vst v2  }
0x2de: {  	[spmem:s1] =	stream.indirect.scatter.add.f32 [tilespmem:s12], [sflag:$0xD], $0x90, s10, s14, $0xb8;
	[tilespmem:$0x1E640] =	vst v63  }
0x2df: {  	s10 =	simm.s32 @p0 $0x6  }
0x2e0: {  	_ =	swait.ge @p0 [sflag:s10], $0xA00  }
0x2e1: {  	[sflag:s10] =	ssyncset.done @p0 $0x0  }
0x2e2: {  	[sflag:s10] =	ssyncadd.s32 @p0 $0xFFFFF600;
	s10 =	simm.s32 @p0 $0xA  }
0x2e3: {  	_ =	swait.ge @p0 [sflag:s10], $0xA00  }
0x2e4: {  	[sflag:s10] =	ssyncset.done @p0 $0x0  }
0x2e5: {  	[sflag:s10] =	ssyncadd.s32 @p0 $0xFFFFF600;
	s10 =	simm.s32 @p0 $0xE  }
0x2e6: {  	_ =	swait.ge @p0 [sflag:s10], $0x1680  }
0x2e7: {  	[sflag:s10] =	ssyncset.done @p0 $0x0  }
0x2e8: {  	[sflag:s10] =	ssyncadd.s32 @p0 $0xFFFFE980;
	s10 =	simm.s32 @!p0 $0x3  }
0x2e9: {  	_ =	swait.ge @!p0 [sflag:s10], $0x50  }
0x2ea: {  	s15 =	simm.s32 @!p0 $0xC8;
	[sflag:s10] =	ssyncset.done @!p0 $0x0  }
0x2eb: {  	s16 =	simm.s32 @!p0 $0x3D40;
	[sflag:s10] =	ssyncadd.s32 @!p0 $0xFFFFFFB0;
	s10 =	simm.s32 @!p0 $0x28  }
0x2ec: {  	[tilespmem:s16], [sflag:$0xB] =	stream.indirect.gather @!p0 [hbm4b:s6+s10], $0x40, s15, s10, $0xb8;
	[tilespmem:$0x1E640] =	vst v63  }
0x2ed: {  	s15 =	simm.s32 @!p0 $0x6  }
0x2ee: {  	_ =	swait.ge @!p0 [sflag:s15], $0xA00  }
0x2ef: {  	[sflag:s15] =	ssyncset.done @!p0 $0x0  }
0x2f0: {  	[sflag:s15] =	ssyncadd.s32 @!p0 $0xFFFFF600;
	s15 =	simm.s32 @!p0 $0xA  }
0x2f1: {  	_ =	swait.ge @!p0 [sflag:s15], $0xA00  }
0x2f2: {  	[sflag:s15] =	ssyncset.done @!p0 $0x0  }
0x2f3: {  	[sflag:s15] =	ssyncadd.s32 @!p0 $0xFFFFF600;
	s15 =	simm.s32 @!p0 $0xE  }
0x2f4: {  	_ =	swait.ge @!p0 [sflag:s15], $0x1680  }
0x2f5: {  	s16 =	rddreg [dreg:$0xf]  }
0x2f6: {  	s17 =	simm.s32 @!p0 $0xF0;
	[sflag:s15] =	ssyncset.done @!p0 $0x0;
	s9 =	sadd.s32 @!p0 s9, s16  }
0x2f7: {  	[sflag:s15] =	ssyncadd.s32 @!p0 $0xFFFFE980;
	s15 =	sshrl.u32 @!p0 s9, $0x3;
	s9 =	sshll.u32 @!p0 s9, $0x3  }
0x2f8: {  	s16 =	simm.s32 @!p0 $0x4E200;
	s15 =	sadd.s32 @!p0 s4, s15;
	s9 =	sand.u32 @!p0 $0xFFFFFC0, s9  }
0x2f9: {  	[tilespmem:s17], [sflag:$0x4] =	stream.strided.gather @!p0 [hbm4b:s15+s10], $0x50, s16, s10, $0x38;
	[tilespmem:$0x1E640] =	vst v63  }
0x2fa: {  	s9 =	sadd.s32 @!p0 s5, s9;
	s10 =	simm.s32 @!p0 $0x0;
	s15 =	simm.s32 @!p0 $0x1F40  }
0x2fb: {  	[tilespmem:s15], [sflag:$0x8] =	stream.linear.gather @!p0 [hbm4b:s9+s10], $0xA00, $0x38;
	[tilespmem:$0x1E640] =	vst v63  }
0x2fc: {  	s15 =	simm.s32 $0x0  }
0x2fd: {  	v2 =	vld [tilespmem:s15+$0xB40]  }
0x2fe: {  	v3 =	vld [tilespmem:s15+$0x3340];
	_ =	sdelay $0x4  }
0x2ff: {  	v2 =	vmul.bf16 v3, v2;
	_ =	sdelay $0x1  }
0x300: {  	s9 =	simm.s32 $0x6850;
	v3 =	vunpack.i.l.bf16.f32 v2  }
0x301: {  	v2 =	vunpack.i.u.bf16.f32 v2;
	[tilespmem:s9+$0xFFFFFF70] =	vst v3  }
0x302: {  	[tilespmem:s9+$0xFFFFFF80] =	vst v2  }
0x303: {  	v2 =	vld [tilespmem:s15+$0xB50]  }
0x304: {  	v3 =	vld [tilespmem:s15+$0x3350];
	_ =	sdelay $0x4  }
0x305: {  	v2 =	vmul.bf16 v3, v2;
	_ =	sdelay $0x1  }
0x306: {  	v3 =	vunpack.i.l.bf16.f32 v2  }
0x307: {  	v2 =	vunpack.i.u.bf16.f32 v2;
	[tilespmem:s9+$0xFFFFFF90] =	vst v3  }
0x308: {  	[tilespmem:s9+$0xFFFFFFA0] =	vst v2  }
0x309: {  	v2 =	vld [tilespmem:s15+$0xB60]  }
0x30a: {  	v3 =	vld [tilespmem:s15+$0x3360];
	_ =	sdelay $0x4  }
0x30b: {  	v2 =	vmul.bf16 v3, v2;
	_ =	sdelay $0x1  }
0x30c: {  	v3 =	vunpack.i.l.bf16.f32 v2  }
0x30d: {  	v2 =	vunpack.i.u.bf16.f32 v2;
	[tilespmem:s9+$0xFFFFFFB0] =	vst v3  }
0x30e: {  	[tilespmem:s9+$0xFFFFFFC0] =	vst v2  }
0x30f: {  	v2 =	vld [tilespmem:s15+$0xB70]  }
0x310: {  	v3 =	vld [tilespmem:s15+$0x3370];
	_ =	sdelay $0x4  }
0x311: {  	v2 =	vmul.bf16 v3, v2;
	_ =	sdelay $0x1  }
0x312: {  	v3 =	vunpack.i.l.bf16.f32 v2  }
0x313: {  	v2 =	vunpack.i.u.bf16.f32 v2;
	[tilespmem:s9+$0xFFFFFFD0] =	vst v3  }
0x314: {  	[tilespmem:s9+$0xFFFFFFE0] =	vst v2  }
0x315: {  	v2 =	vld [tilespmem:s15+$0xB80]  }
0x316: {  	v3 =	vld [tilespmem:s15+$0x3380];
	_ =	sdelay $0x4  }
0x317: {  	v2 =	vmul.bf16 v3, v2;
	_ =	sdelay $0x1  }
0x318: {  	v3 =	vunpack.i.l.bf16.f32 v2  }
0x319: {  	v2 =	vunpack.i.u.bf16.f32 v2;
	[tilespmem:s9+$0x0] =	vst v3  }
0x31a: {  	[tilespmem:s9+$0x10] =	vst v2  }
0x31b: {  	v2 =	vld [tilespmem:s15+$0xB90]  }
0x31c: {  	v3 =	vld [tilespmem:s15+$0x3390];
	_ =	sdelay $0x4  }
0x31d: {  	v2 =	vmul.bf16 v3, v2;
	_ =	sdelay $0x1  }
0x31e: {  	v3 =	vunpack.i.l.bf16.f32 v2  }
0x31f: {  	v2 =	vunpack.i.u.bf16.f32 v2;
	[tilespmem:s9+$0x20] =	vst v3  }
0x320: {  	[tilespmem:s9+$0x30] =	vst v2  }
0x321: {  	v2 =	vld [tilespmem:s15+$0xBA0]  }
0x322: {  	s17 =	simm.s32 $0x200;
	s16 =	simm.s32 $0x6850;
	v3 =	vld [tilespmem:s15+$0x33A0]  }
.LBB2_17:
0x323: {  	_ =	sdelay $0x1  }
0x324: {  	p0 =	sne.s32 s17, $0x2600  }
0x325: {  	s9 =	sadd.s32 $0x120, s9;
	s10 =	smov.u32 s17;
	s17 =	sadd.s32 $0x200, s17  }
0x326: {  	v2 =	vmul.bf16 v3, v2;
	_ =	sdelay $0x1  }
0x327: {  	v3 =	vunpack.i.u.bf16.f32 v2;
	v2 =	vunpack.i.l.bf16.f32 v2  }
0x328: {  	[tilespmem:s16+$0x40] =	vst v2  }
0x329: {  	[tilespmem:s16+$0x50] =	vst v3  }
0x32a: {  	v2 =	vld [tilespmem:s15+$0xBB0]  }
0x32b: {  	v3 =	vld [tilespmem:s15+$0x33B0];
	_ =	sdelay $0x4  }
0x32c: {  	v2 =	vmul.bf16 v3, v2;
	_ =	sdelay $0x1  }
0x32d: {  	v3 =	vunpack.i.u.bf16.f32 v2;
	v2 =	vunpack.i.l.bf16.f32 v2  }
0x32e: {  	[tilespmem:s16+$0x60] =	vst v2  }
0x32f: {  	s15 =	sshra.s32 s10, $0x2;
	[tilespmem:s16+$0x70] =	vst v3;
	s16 =	smov.u32 s9  }
0x330: {  	v2 =	vld [tilespmem:s15+$0xB40]  }
0x331: {  	v3 =	vld [tilespmem:s15+$0x3340];
	_ =	sdelay $0x4  }
0x332: {  	v2 =	vmul.bf16 v3, v2;
	_ =	sdelay $0x1  }
0x333: {  	v3 =	vunpack.i.u.bf16.f32 v2;
	v2 =	vunpack.i.l.bf16.f32 v2  }
0x334: {  	[tilespmem:s9+$0xFFFFFF70] =	vst v2  }
0x335: {  	[tilespmem:s9+$0xFFFFFF80] =	vst v3  }
0x336: {  	v2 =	vld [tilespmem:s15+$0xB50]  }
0x337: {  	v3 =	vld [tilespmem:s15+$0x3350];
	_ =	sdelay $0x4  }
0x338: {  	v2 =	vmul.bf16 v3, v2;
	_ =	sdelay $0x1  }
0x339: {  	v3 =	vunpack.i.u.bf16.f32 v2;
	v2 =	vunpack.i.l.bf16.f32 v2  }
0x33a: {  	[tilespmem:s9+$0xFFFFFF90] =	vst v2  }
0x33b: {  	[tilespmem:s9+$0xFFFFFFA0] =	vst v3  }
0x33c: {  	v2 =	vld [tilespmem:s15+$0xB60]  }
0x33d: {  	v3 =	vld [tilespmem:s15+$0x3360];
	_ =	sdelay $0x4  }
0x33e: {  	v2 =	vmul.bf16 v3, v2;
	_ =	sdelay $0x1  }
0x33f: {  	v3 =	vunpack.i.u.bf16.f32 v2;
	v2 =	vunpack.i.l.bf16.f32 v2  }
0x340: {  	[tilespmem:s9+$0xFFFFFFB0] =	vst v2  }
0x341: {  	[tilespmem:s9+$0xFFFFFFC0] =	vst v3  }
0x342: {  	v2 =	vld [tilespmem:s15+$0xB70]  }
0x343: {  	v3 =	vld [tilespmem:s15+$0x3370];
	_ =	sdelay $0x4  }
0x344: {  	v2 =	vmul.bf16 v3, v2;
	_ =	sdelay $0x1  }
0x345: {  	v3 =	vunpack.i.u.bf16.f32 v2;
	v2 =	vunpack.i.l.bf16.f32 v2  }
0x346: {  	[tilespmem:s9+$0xFFFFFFD0] =	vst v2  }
0x347: {  	[tilespmem:s9+$0xFFFFFFE0] =	vst v3  }
0x348: {  	v2 =	vld [tilespmem:s15+$0xB80]  }
0x349: {  	v3 =	vld [tilespmem:s15+$0x3380];
	_ =	sdelay $0x4  }
0x34a: {  	v2 =	vmul.bf16 v3, v2;
	_ =	sdelay $0x1  }
0x34b: {  	v3 =	vunpack.i.u.bf16.f32 v2;
	v2 =	vunpack.i.l.bf16.f32 v2  }
0x34c: {  	[tilespmem:s9+$0x0] =	vst v2  }
0x34d: {  	[tilespmem:s9+$0x10] =	vst v3  }
0x34e: {  	v2 =	vld [tilespmem:s15+$0xB90]  }
0x34f: {  	v3 =	vld [tilespmem:s15+$0x3390];
	_ =	sdelay $0x4  }
0x350: {  	v2 =	vmul.bf16 v3, v2;
	_ =	sdelay $0x1  }
.Ltmp7:
0x351: {  	v3 =	vunpack.i.u.bf16.f32 v2;
	v2 =	vunpack.i.l.bf16.f32 v2;
	(pc) =	sbr.rel @p0 .LBB2_17-.Ltmp7, $4  }
0x352: {  	[tilespmem:s9+$0x20] =	vst v2  }
0x353: {  	[tilespmem:s9+$0x30] =	vst v3  }
0x354: {  	v2 =	vld [tilespmem:s15+$0xBA0]  }
0x355: {  	v3 =	vld [tilespmem:s15+$0x33A0]  }
0x356: {  	_ =	sdelay $0x3  }
0x357: {  	v2 =	vmul.bf16 v3, v2;
	_ =	sdelay $0x1  }
0x358: {  	v3 =	vunpack.i.l.bf16.f32 v2  }
0x359: {  	v2 =	vunpack.i.u.bf16.f32 v2;
	[tilespmem:s16+$0x40] =	vst v3  }
0x35a: {  	[tilespmem:s16+$0x50] =	vst v2  }
0x35b: {  	v2 =	vld [tilespmem:s15+$0xBB0]  }
0x35c: {  	v3 =	vld [tilespmem:s15+$0x33B0];
	_ =	sdelay $0x3  }
0x35d: {  	s8 =	sadd.s32 $0x1, s8  }
0x35e: {  	p0 =	sne.s32 s8, $0x3E;
	v2 =	vmul.bf16 v3, v2  }
.Ltmp8:
0x35f: {  	_ = 	snop;
	(pc) =	sbr.rel @p0 .LBB2_10-.Ltmp8, $4  }
0x360: {  	v3 =	vunpack.i.l.bf16.f32 v2  }
0x361: {  	v2 =	vunpack.i.u.bf16.f32 v2;
	[tilespmem:s16+$0x60] =	vst v3  }
0x362: {  	s9 =	simm.s32 $0x67C0;
	[tilespmem:s16+$0x70] =	vst v2  }
0x363: {  	[spmem:s1] =	stream.indirect.scatter.add.f32 [tilespmem:s9], [sflag:$0xE], $0x90, s22, s14, $0xb8;
	[tilespmem:$0x1E640] =	vst v63  }
0x364: {  	_ =	swait.ge [sflag:s21], $0x1680  }
0x365: {  	[sflag:s21] =	ssyncset.done $0x0  }
0x366: {  	[sflag:s21] =	ssyncadd.s32 $0xFFFFE980  }
0x367: {  	_ =	swait.ge [sflag:s26], $0x1680  }
0x368: {  	[sflag:s26] =	ssyncset.done $0x0  }
0x369: {  	[sflag:s26] =	ssyncadd.s32 $0xFFFFE980  }
0x36a: {  	s0 =	stileid.u32;
	[bflag:$0x0] =	sbarrier.arrive $0xFFFF  }
0x36b: {  	s0 =	sshll.u32 s0, $0x6;
	s18 =	rddreg [dreg:$0x11]  }
0x36c: {  	s0 =	sor.u32 $0x1C0F, s0;
	s15 =	rddreg [dreg:$0x15];
	s8 =	sshrl.u32 s18, $0x3  }
0x36d: {  	[hbm:s15@s29], [sflag:s0] =	dma.strided [spmem:s8@s31], $0x280, s28, $0x10   }
0x36e: {  	_ =	swait.ge [sflag:s13], $0x280  }
0x36f: {  	s17 =	sadd.s32 $0x80, s18;
	[sflag:s13] =	ssyncset.done $0x0  }
0x370: {  	s9 =	sadd.s32 $0x0, s23;
	s8 =	sshrl.u32 s17, $0x3;
	[sflag:s13] =	ssyncadd.s32 $0xFFFFFD80  }
0x371: {  	[hbm:s9@s30], [sflag:s0] =	dma.strided [spmem:s8@s31], $0x50, s28, $0x2   }
0x372: {  	s16 =	simm.s32 $0xA0;
	_ =	swait.ge [sflag:s13], $0x50  }
0x373: {  	s8 =	simm.s32 $0x50;
	[sflag:s13] =	ssyncset.done $0x0;
	s9 =	rddreg [dreg:$0x12]  }
.LBB2_20:
0x374: {  	[sflag:s13] =	ssyncadd.s32 $0xFFFFFFB0;
	s15 =	sadd.s32 $0x280, s15  }
0x375: {  	p0 =	sne.s32 s16, $0x4B0;
	s10 =	sshrl.u32 s9, $0x3  }
0x376: {  	[hbm:s15@s29], [sflag:s0] =	dma.strided [spmem:s10@s31], $0x280, s28, $0x10   }
0x377: {  	s10 =	smov.u32 s16;
	s16 =	sadd.s32 $0x50, s16;
	_ =	swait.ge [sflag:s13], $0x280  }
.Ltmp9:
0x378: {  	s17 =	sadd.s32 $0x80, s9;
	[sflag:s13] =	ssyncset.done $0x0;
	(pc) =	sbr.rel @p0 .LBB2_20-.Ltmp9, $4  }
0x379: {  	s8 =	sadd.s32 s8, s23;
	s17 =	sshrl.u32 s17, $0x3;
	[sflag:s13] =	ssyncadd.s32 $0xFFFFFD80  }
0x37a: {  	[hbm:s8@s30], [sflag:s0] =	dma.strided [spmem:s17@s31], $0x50, s28, $0x2   }
0x37b: {  	s8 =	smov.u32 s10;
	_ =	swait.ge [sflag:s13], $0x50  }
0x37c: {  	s9 =	sadd.s32 $0x1680, s9;
	[sflag:s13] =	ssyncset.done $0x0  }
0x37d: {  	[sflag:s13] =	ssyncadd.s32 $0xFFFFFFB0;
	s10 =	sadd.s32 $0x280, s15;
	s17 =	sshrl.u32 s9, $0x3  }
0x37e: {  	[hbm:s10@s29], [sflag:s0] =	dma.strided [spmem:s17@s31], $0x280, s28, $0x10   }
0x37f: {  	_ =	swait.ge [sflag:s13], $0x280  }
0x380: {  	s15 =	sadd.s32 $0x80, s9;
	[sflag:s13] =	ssyncset.done $0x0  }
0x381: {  	s8 =	sadd.s32 s8, s23;
	s9 =	sshrl.u32 s15, $0x3;
	[sflag:s13] =	ssyncadd.s32 $0xFFFFFD80  }
0x382: {  	[hbm:s8@s30], [sflag:s0] =	dma.strided [spmem:s9@s31], $0x50, s28, $0x2   }
0x383: {  	_ =	swait.ge [sflag:s13], $0x50  }
0x384: {  	s16 =	sld [smem:$0x7FB];
	_ =	sdelay $0x2  }
0x385: {  	s17 =	rddreg [dreg:$0x10];
	s8 =	sadd.s32 $0x1, s16  }
0x386: {  	p0 =	sne.s32 s8, s17  }
.Ltmp10:
0x387: {  	_ = 	snop;
	(pc) =	sbr.rel @p0 .LBB2_1-.Ltmp10, $3  }
0x388: {  	_ =	sdelay $0x1  }
0x389: {  	[sflag:s13] =	ssyncset.done $0x0  }
0x38a: {  	[sflag:s13] =	ssyncadd.s32 $0xFFFFFFB0  }
0x38b: {  	_ =	sfence.sel $0x180000  }
0x38c: {  	[bflag:$0x0] =	sbarrier.arrive $0xFFFF  }
0x38d: {  	_ =	strace $0x9000004D  }
0x38e: {  	s0 =	stileid.u32;
	[bflag:$0x2] =	sbarrier.arrive $0xFFFF  }
0x38f: {  	p0 =	sne.s32 s0, $0x0;
	s0 =	rddreg [dreg:$0x3]  }
0x390: {  	s0 =	sadd.s32 @!p0 $0x100000, s0  }
0x391: {  	[sflag:s0] =	ssyncadd.tile.s32 @!p0 $0x1;
	_ =	shalt  }
.Lfunc_end2:
_tile_overlayer_lowered:
.L_overlay_start_2:
0x392: {  	(tag) =	ssettag $0x2  }
0x393: {  	s0 =	rddreg [dreg:$0x0];
	s2 =	stileid.u32  }
0x394: {  	s1 =	rddreg [dreg:$0x1];
	p0 =	sne.s32 s2, $0x0  }
0x395: {  	s3 =	rddreg [dreg:$0x2];
	[bflag:$0x3] =	sbarrier.arrive $0xFFFF;
	s2 =	simm.s32 @!p0 $0x1C0F  }
0x396: {  	[timem:s3], [sflag:s2] =	dma.local @!p0 [hbm:s0], s1  }
0x397: {  	s0 =	simm.s32 @!p0 $0xF  }
0x398: {  	_ =	swait.ge @!p0 [sflag:s0], s1  }
0x399: {  	s1 =	ssub.s32 @!p0 $0x0, s1;
	[sflag:s0] =	ssyncset.done @!p0 $0x0  }
0x39a: {  	[sflag:s0] =	ssyncadd.s32 @!p0 s1  }
0x39b: {  	[bflag:$0x3] =	sbarrier.arrive $0xFFFF  }
0x39c: {  	_ =	shalt  }

// kernel: sparse-core-data-format-call.cloned.1.call-start
scs
called_computation_lowered:
.L_overlay_start_0:
0x0: {  	s1 =	sld [smem:$0x3FD9]  }
0x1: {  	s2 =	sld [smem:$0x3FFE];
	_ =	sdelay $0x1  }
0x2: {  	s3 =	srdreg.scid  }
0x3: {  	s0 =	sand.u32 $0x1, s3  }
0x4: {  	s17 =	sshll.u32 s0, $0xA;
	s1 =	sadd.s32 s2, s1  }
0x5: {  	s1 =	sadd.s32 s1, s17  }
0x6: {  	[smem:$0x3FBA] =	sst s1  }
0x7: {  	_ = 	snop  }
0x8: {  	(tm) =	ssettm $0x1  }
0x9: {  	s18 =	sld [smem:$0x3FFB];
	_ =	sdelay $0x3  }
0xa: {  	_ =	strace s18  }
0xb: {  	s1 =	sld [smem:$0x3FFC];
	_ =	sdelay $0x3  }
0xc: {  	_ =	strace s1  }
0xd: {  	s1 =	sld [smem:$0x3FFD];
	_ =	sdelay $0x3  }
0xe: {  	_ =	strace s1  }
0xf: {  	_ =	strace $0x8FFFFFFF  }
0x10: {  	s19 =	sld [smem:$0x3FDB];
	_ =	sdelay $0x1  }
0x11: {  	s20 =	simm.s32 $_scs_section_size  }
0x12: {  	s4 =	simm.s32 $_size__tile_overlayer_lowered;
	s5 =	simm.s32 $_tile_overlayer_lowered  }
0x13: {  	s23 =	simm.s32 $0x1BFF;
	s22 =	sshll.u32 s5, $0x1;
	s1 =	sadd.s32 s20, s19  }
0x14: {  	s6 =	simm.s32 $0x0;
	s21 =	sshll.u32 s4, $0x1;
	s4 =	sadd.s32 s22, s1  }
0x15: {  	[timem:s6], [sflag:s23] =	dma.local [hbm:s4], s21  }
0x16: {  	_ =	swait.ge [sflag:s23], s21  }
0x17: {  	s2 =	ssub.s32 $0x0, s21;
	[sflag:s23] =	ssyncset.done $0x0  }
0x18: {  	[sflag:s23] =	ssyncadd.s32 s2;
	_ =	sdelay $0x1  }
0x19: {  	s24 =	simm.s32 $0x1B8B  }
0x1a: {  	_ =	swait.ge [sflag:s24], $0x1  }
0x1b: {  	[sflag:s24] =	ssyncset.done $0x0  }
0x1c: {  	s26 =	simm.s32 $0x1B8E;
	s25 =	sld [smem:$0x3FFE];
	[sflag:s24] =	ssyncadd.s32 $0xFFFFFFFF  }
0x1d: {  	s27 =	simm.s32 $execute0_lowered;
	[smem:$0x3FD2] =	sst s26  }
0x1e: {  	s4 =	sshll.u32 s27, $0x1;
	_ =	strace $0x80000049;
	[dreg:$0x1] =	wrdreg $0xFFFFFFFF  }
0x1f: {  	s28 =	simm.s32 $_size_execute0_lowered;
	s1 =	sadd.s32 s1, s4;
	[dreg:$0x0] =	wrdreg $0x0  }
0x20: {  	s4 =	sshll.u32 s28, $0x1;
	[dreg:$0x2] =	wrdreg s1  }
0x21: {  	[dreg:$0x3] =	wrdreg s4  }
0x22: {  	[dreg:$0x4] =	wrdreg $0xC0  }
0x23: {  	_ =	task [dreg:s6], $0x5FFFF  }
0x24: {  	[dreg:$0x1] =	wrdreg $0xFFFFFFFF  }
0x25: {  	[dreg:$0x0] =	wrdreg $0x60  }
0x26: {  	[dreg:$0x2] =	wrdreg s25  }
0x27: {  	[dreg:$0x3] =	wrdreg $0x9  }
0x28: {  	_ =	task.clear_ibuf [dreg:s6], $0x4FFFF;
	_ =	strace $0x90000049  }
0x29: {  	s29 =	simm.s32 $0x9;
	_ =	strace $0x8000004B  }
0x2a: {  	_ =	swait.ge [sflag:s29], $0x1  }
0x2b: {  	[sflag:s29] =	ssyncadd.s32 $0xFFFFFFFF  }
0x2c: {  	_ =	strace $0x9000004B  }
0x2d: {  	_ =	sfence  }
0x2e: {  	s30 =	sld [smem:$0x0];
	_ =	sdelay $0x2  }
0x2f: {  	s31 =	sshll.u32 s3, $0xD;
	s3 =	sshrl.u32 s3, $0x2  }
0x30: {  	s2 =	sand.u32 $0x4000, s31;
	s1 =	sadd.s32 s3, s30  }
0x31: {  	s0 =	sor.u32 s2, s0;
	s1 =	sshll.u32 s1, $0x11  }
0x32: {  	s0 =	sor.u32 s1, s0  }
0x33: {  	s0 =	sadd.s32 $0x8F2B, s0  }
0x34: {  	[sflag:s0] =	ssyncadd.remote.s32 $0x1  }
0x35: {  	_ =	sfence.sel $0xFFFF  }
0x36: {  	[dreg:$0x0] =	wrdreg $0xFFFFFFFF;
	(pc) =	sbr.abs _section_cstart, $3  }
0x37: {  	[dreg:$0x1] =	wrdreg $0xFFFFFFFF  }
0x38: {  	_ =	task.clear_ibuf [dreg:s6], $0x2FFFF;
	_ =	strace $0x9FFFFFFF  }
0x39: {  	(tm) =	ssettm $0x7FFFFFFF  }
tec
execute0_lowered:
.L_overlay_start_1:
0x0: {  	(tag) =	ssettag $0x1  }
0x1: {  	s0 =	srdreg.scid  }
0x2: {  	s1 =	sshll.u32 s0, $0x4  }
0x3: {  	s4 =	rddreg [dreg:$0x0];
	s0 =	stileid.u32;
	s1 =	sand.u32 $0x10, s1  }
0x4: {  	s7 =	simm.s32 $0x1;
	s8 =	simm.s32 $0x2;
	s1 =	sor.u32 s0, s1  }
0x5: {  	s9 =	simm.s32 $0x0;
	s12 =	simm.s32 $0x0;
	s2 =	sshll.u32 s1, $0x4  }
0x6: {  	s11 =	simm.s32 $0x0;
	s3 =	sadd.s32 $0x15E00, s4;
	s6 =	ssub.s32 $0x4E20, s2  }
.Ltmp0:
0x7: {  	s4 =	sadd.s32 $0x286E00, s4;
	s5 =	sand.u32 $0x1F0, s6;
	(pc) =	sbr.rel .LBB1_1-.Ltmp0, $4  }
0x8: {  	s1 =	rddreg [dreg:$0x1];
	_ =	strace $0x8000004A;
	p0 =	sne.s32 s5, $0x0  }
0x9: {  	s6 =	sshrl.u32 s6, $0x9;
	s5 =	simm.s32 $0x1;
	s7 =	simm.s32 @!p0 $0x0  }
0xa: {  	s10 =	smov.u32 s2;
	[sflag:s5] =	ssyncpa.u1 $0x0;
	s6 =	sadd.s32 s7, s6  }
0xb: {  	[sflag:s8] =	ssyncpa.u1 $0x0;
	s8 =	simm.s32 $0x0;
	s7 =	sadd.s32 $0x1, s6  }
.LBB1_7:
0xc: {  	s14 =	sadd.s32 $0x200, s10  }
0xd: {  	p1 =	sgt.s32 s14, $0x4E1F  }
0xe: {  	s14 =	smov.u32 @p1 s2;
	p1 =	sne.s32 s11, s7  }
.Ltmp1:
0xf: {  	p0 =	slt.u32 s11, $0x2;
	(pc) =	sbr.rel @!p1 .LBB1_8-.Ltmp1, $4  }
0x10: {  	s13 =	simm.s32 @!p0 $0x2  }
0x11: {  	s15 =	sadd.s32 $0x1, s11;
	_ =	swait.ge @!p0 [sflag:s13], $0x4000  }
0x12: {  	s12 =	smov.u32 s10;
	s9 =	sadd.s32 $0x8000, s9;
	[sflag:s13] =	ssyncset.done @!p0 $0x0  }
0x13: {  	s11 =	smov.u32 s15;
	s10 =	smov.u32 s14;
	[sflag:s13] =	ssyncadd.s32 @!p0 $0xFFFFC000  }
.LBB1_1:
0x14: {  	p0 =	sge.u32 s11, s6  }
0x15: {  	s13 =	sxor.u32 @!p0 $0xFFFFFFFF, s11  }
0x16: {  	s31 =	sadd.s32 $0xFFFFFFFF, s11;
	s14 =	sshll.u32 @!p0 s10, $0x7;
	s13 =	sshll.u32 @!p0 s13, $0xE  }
0x17: {  	s15 =	simm.s32 @!p0 $0x0;
	s14 =	sadd.s32 @!p0 s3, s14;
	s13 =	sand.u32 @!p0 $0x4000, s13  }
0x18: {  	[tilespmem:s13], [sflag:$0x1] =	stream.linear.gather @!p0 [hbm4b:s14+s15], $0x4000, $0x38;
	[tilespmem:$0x10000] =	vst v63  }
0x19: {  	p0 =	sge.u32 s31, s6  }
.Ltmp2:
0x1a: {  	_ = 	snop;
	(pc) =	sbr.rel @p0 .LBB1_7-.Ltmp2, $1  }
0x1b: {  	_ =	sdelay $0x3  }
0x1c: {  	s13 =	sshrl.u32 s9, $0x1;
	_ =	swait.ge [sflag:s5], $0x4000  }
0x1d: {  	s15 =	sshll.u32 s11, $0xE;
	s16 =	simm.s32 $0x0;
	s14 =	sand.u32 $0x4000, s13  }
0x1e: {  	[sflag:s5] =	ssyncset.done $0x0;
	s15 =	sand.u32 $0x4000, s15;
	s13 =	sor.u32 $0x200, s14  }
0x1f: {  	s14 =	sor.u32 $0x8080, s14;
	[sflag:s5] =	ssyncadd.s32 $0xFFFFC000;
	s15 =	sor.u32 $0x8000, s15  }
.LBB1_3:
0x20: {  	v0 =	vld [tilespmem:s13+$0xFFFFFE70]  }
0x21: {  	v1 =	vld [tilespmem:s13+$0x70]  }
0x22: {  	v2 =	vld [tilespmem:s13+$0x0]  }
0x23: {  	v3 =	vld [tilespmem:s13+$0xFFFFFE10]  }
0x24: {  	v4 =	vld [tilespmem:s13+$0x10]  }
0x25: {  	v5 =	vld [tilespmem:s13+$0xFFFFFE20]  }
0x26: {  	v7 =	vld [tilespmem:s13+$0x20]  }
0x27: {  	v11 =	vld [tilespmem:s13+$0x30];
	v6 =	vunpack.i.l.s16.s32 v0;
	v8 =	vunpack.i.u.s16.s32 v0;
	v9 =	vunpack.i.u.s16.s32 v1  }
0x28: {  	v10 =	vunpack.i.l.s16.s32 v1;
	v0 =	vunpack.i.u.s16.s32 v2;
	v1 =	vunpack.i.l.s16.s32 v2;
	v2 =	vld [tilespmem:s13+$0xFFFFFE30]  }
0x29: {  	v8 =	vpack.i.b32.b16 v9, v8;
	v9 =	vunpack.i.u.s16.s32 v3;
	v3 =	vunpack.i.l.s16.s32 v3  }
0x2a: {  	v12 =	vld [tilespmem:s13+$0xFFFFFE40];
	v6 =	vpack.i.b32.b16 v10, v6;
	[tilespmem:s14+$0x70] =	vst v8;
	v8 =	vunpack.i.u.s16.s32 v4;
	v4 =	vunpack.i.l.s16.s32 v4  }
0x2b: {  	v13 =	vld [tilespmem:s13+$0x40];
	v10 =	vunpack.i.u.s16.s32 v5;
	v5 =	vunpack.i.l.s16.s32 v5;
	[tilespmem:s14+$0xFFFFFFF0] =	vst v6;
	v3 =	vpack.i.b32.b16 v4, v3  }
0x2c: {  	v6 =	vunpack.i.l.s16.s32 v7;
	v4 =	vld [tilespmem:s13+$0xFFFFFE50];
	[tilespmem:s14+$0xFFFFFF90] =	vst v3;
	v3 =	vpack.i.b32.b16 v8, v9;
	v8 =	vunpack.i.u.s16.s32 v7  }
0x2d: {  	v7 =	vunpack.i.l.s16.s32 v11;
	[tilespmem:s14+$0x10] =	vst v3;
	v3 =	vpack.i.b32.b16 v6, v5;
	v9 =	vunpack.i.u.s16.s32 v2;
	v6 =	vld [tilespmem:s13+$0x50]  }
0x2e: {  	v5 =	vunpack.i.l.s16.s32 v2;
	v2 =	vld [tilespmem:s13+$0xFFFFFE60];
	[tilespmem:s14+$0xFFFFFFA0] =	vst v3;
	v3 =	vpack.i.b32.b16 v8, v10;
	v10 =	vunpack.i.u.s16.s32 v11  }
0x2f: {  	s19 =	simm.s32 $0x0;
	v11 =	vpack.i.b32.b16 v7, v5;
	v7 =	vunpack.i.u.s16.s32 v12;
	v8 =	vunpack.i.l.s16.s32 v12;
	[tilespmem:s14+$0x20] =	vst v3;
	v3 =	vld [tilespmem:s13+$0x60]  }
0x30: {  	s20 =	sadd.s32 $0x80, s13;
	s18 =	smov.u32 s14;
	s17 =	smov.u32 s14;
	v5 =	vld [tilespmem:s13+$0xFFFFFE00];
	[tilespmem:s14+$0xFFFFFFB0] =	vst v11;
	v10 =	vpack.i.b32.b16 v10, v9;
	v9 =	vunpack.i.u.s16.s32 v13;
	v11 =	vunpack.i.l.s16.s32 v13  }
.LBB1_4:
0x31: {  	v12 =	vld [tilespmem:s20+$0xFFFFFE70];
	[tilespmem:s18+$0x30] =	vst v10;
	v8 =	vpack.i.b32.b16 v11, v8;
	v10 =	vunpack.i.u.s16.s32 v4;
	v4 =	vunpack.i.l.s16.s32 v4  }
0x32: {  	s19 =	sadd.s32 $0x2, s19;
	v7 =	vpack.i.b32.b16 v9, v7;
	v11 =	vld [tilespmem:s20+$0x70];
	[tilespmem:s18+$0xFFFFFFC0] =	vst v8;
	v8 =	vunpack.i.u.s16.s32 v6;
	v6 =	vunpack.i.l.s16.s32 v6  }
0x33: {  	p0 =	slt.u32 s19, $0x6;
	v9 =	vld [tilespmem:s20+$0x0];
	[tilespmem:s18+$0x40] =	vst v7;
	v4 =	vpack.i.b32.b16 v6, v4;
	v6 =	vunpack.i.u.s16.s32 v2;
	v2 =	vunpack.i.l.s16.s32 v2  }
0x34: {  	v7 =	vld [tilespmem:s20+$0xFFFFFE10];
	[tilespmem:s18+$0xFFFFFFD0] =	vst v4;
	v4 =	vpack.i.b32.b16 v8, v10;
	v8 =	vunpack.i.u.s16.s32 v3;
	v3 =	vunpack.i.l.s16.s32 v3  }
0x35: {  	v10 =	vld [tilespmem:s20+$0x10];
	v13 =	vunpack.i.u.s16.s32 v5;
	v5 =	vunpack.i.l.s16.s32 v5;
	[tilespmem:s18+$0x50] =	vst v4;
	v2 =	vpack.i.b32.b16 v3, v2  }
0x36: {  	v3 =	vld [tilespmem:s20+$0xFFFFFE20];
	v4 =	vunpack.i.l.s16.s32 v12;
	v1 =	vpack.i.b32.b16 v1, v5;
	v5 =	vpack.i.b32.b16 v0, v13;
	[tilespmem:s18+$0xFFFFFFE0] =	vst v2  }
0x37: {  	v12 =	vunpack.i.u.s16.s32 v12;
	v2 =	vld [tilespmem:s20+$0x20];
	v13 =	vunpack.i.u.s16.s32 v11;
	v11 =	vunpack.i.l.s16.s32 v11;
	[tilespmem:s18+$0xFFFFFF80] =	vst v1  }
0x38: {  	s18 =	sadd.s32 $0x100, s18;
	v0 =	vunpack.i.u.s16.s32 v9;
	v1 =	vunpack.i.l.s16.s32 v9;
	v9 =	vld [tilespmem:s20+$0xFFFFFE30];
	v12 =	vpack.i.b32.b16 v13, v12;
	[tilespmem:s17+$0x0] =	vst v5  }
0x39: {  	v6 =	vpack.i.b32.b16 v8, v6;
	v5 =	vunpack.i.u.s16.s32 v7;
	v7 =	vunpack.i.l.s16.s32 v7;
	v13 =	vld [tilespmem:s20+$0x30];
	[tilespmem:s18+$0x70] =	vst v12  }
0x3a: {  	v4 =	vpack.i.b32.b16 v11, v4;
	v8 =	vunpack.i.u.s16.s32 v10;
	v10 =	vunpack.i.l.s16.s32 v10;
	v12 =	vld [tilespmem:s20+$0xFFFFFE40];
	[tilespmem:s17+$0x60] =	vst v6;
	s17 =	smov.u32 s18  }
0x3b: {  	v6 =	vpack.i.b32.b16 v10, v7;
	v7 =	vunpack.i.u.s16.s32 v3;
	v3 =	vunpack.i.l.s16.s32 v3;
	v11 =	vld [tilespmem:s20+$0x40];
	[tilespmem:s18+$0xFFFFFFF0] =	vst v4  }
.Ltmp3:
0x3c: {  	v5 =	vpack.i.b32.b16 v8, v5;
	[tilespmem:s18+$0xFFFFFF90] =	vst v6;
	v8 =	vunpack.i.u.s16.s32 v2;
	v2 =	vunpack.i.l.s16.s32 v2;
	v4 =	vld [tilespmem:s20+$0xFFFFFE50];
	(pc) =	sbr.rel @p0 .LBB1_4-.Ltmp3, $4  }
0x3d: {  	[tilespmem:s18+$0x10] =	vst v5;
	v2 =	vpack.i.b32.b16 v2, v3;
	v10 =	vunpack.i.u.s16.s32 v9;
	v3 =	vunpack.i.l.s16.s32 v9;
	v6 =	vld [tilespmem:s20+$0x50]  }
0x3e: {  	v5 =	vpack.i.b32.b16 v8, v7;
	[tilespmem:s18+$0xFFFFFFA0] =	vst v2;
	v9 =	vunpack.i.u.s16.s32 v13;
	v7 =	vunpack.i.l.s16.s32 v13;
	v2 =	vld [tilespmem:s20+$0xFFFFFE60]  }
0x3f: {  	[tilespmem:s18+$0x20] =	vst v5;
	v13 =	vpack.i.b32.b16 v7, v3;
	v7 =	vunpack.i.u.s16.s32 v12;
	v8 =	vunpack.i.l.s16.s32 v12;
	v3 =	vld [tilespmem:s20+$0x60]  }
0x40: {  	v10 =	vpack.i.b32.b16 v9, v10;
	v5 =	vld [tilespmem:s20+$0xFFFFFE00];
	[tilespmem:s18+$0xFFFFFFB0] =	vst v13;
	v9 =	vunpack.i.u.s16.s32 v11;
	v11 =	vunpack.i.l.s16.s32 v11;
	s20 =	sadd.s32 $0x80, s20  }
0x41: {  	[tilespmem:s18+$0x30] =	vst v10;
	v8 =	vpack.i.b32.b16 v11, v8  }
0x42: {  	v51 =	vunpack.i.l.s16.s32 v4;
	v7 =	vpack.i.b32.b16 v9, v7;
	[tilespmem:s18+$0xFFFFFFC0] =	vst v8;
	v52 =	vunpack.i.l.s16.s32 v6  }
0x43: {  	v53 =	vunpack.i.u.s16.s32 v4;
	s16 =	sadd.s32 $0x1, s16;
	v54 =	vunpack.i.u.s16.s32 v6;
	[tilespmem:s18+$0x40] =	vst v7;
	v55 =	vpack.i.b32.b16 v52, v51  }
0x44: {  	p0 =	sne.s32 s16, $0x10;
	v56 =	vunpack.i.l.s16.s32 v2;
	v4 =	vpack.i.b32.b16 v54, v53;
	[tilespmem:s18+$0xFFFFFFD0] =	vst v55;
	v57 =	vunpack.i.l.s16.s32 v3  }
.Ltmp4:
0x45: {  	[tilespmem:s18+$0x50] =	vst v4;
	v58 =	vunpack.i.l.s16.s32 v5;
	v59 =	vpack.i.b32.b16 v57, v56;
	(pc) =	sbr.rel @p0 .LBB1_3-.Ltmp4, $4  }
0x46: {  	v61 =	vunpack.i.u.s16.s32 v2;
	v62 =	vunpack.i.u.s16.s32 v3;
	v1 =	vpack.i.b32.b16 v1, v58;
	[tilespmem:s18+$0xFFFFFFE0] =	vst v59  }
0x47: {  	v60 =	vunpack.i.u.s16.s32 v5;
	v63 =	vpack.i.b32.b16 v62, v61;
	[tilespmem:s18+$0xFFFFFF80] =	vst v1  }
0x48: {  	v0 =	vpack.i.b32.b16 v0, v60;
	[tilespmem:s17+$0x60] =	vst v63  }
0x49: {  	s13 =	sadd.s32 $0x400, s13;
	s14 =	sadd.s32 $0x400, s14;
	[tilespmem:s17+$0x0] =	vst v0  }
.Ltmp5:
0x4a: {  	(pc) =	sbr.rel .LBB1_7-.Ltmp5, $4  }
0x4b: {  	_ = 	snop  }
0x4c: {  	s12 =	sshll.u32 s12, $0x7  }
0x4d: {  	s12 =	sadd.s32 s4, s12  }
0x4e: {  	[hbm4b:s12+s8] =	stream.linear.scatter [tilespmem:s15], [sflag:$0x2], $0x4000, $0x38;
	[tilespmem:$0x10000] =	vst v63  }
.LBB1_8:
0x4f: {  	_ =	sfence.sel $0x180000  }
0x50: {  	s2 =	simm.s32 $0x1;
	[bflag:$0x0] =	sbarrier.arrive $0xFFFF  }
0x51: {  	s31 =	simm.s32 $0x2;
	[sflag:s2] =	ssyncpa.u1 $0x1  }
0x52: {  	[sflag:s31] =	ssyncpa.u1 $0x1  }
0x53: {  	p0 =	sne.s32 s0, $0x0;
	_ =	strace $0x9000004A  }
0x54: {  	s0 =	sadd.s32 @!p0 $0x100000, s1;
	[bflag:$0x2] =	sbarrier.arrive $0xFFFF  }
0x55: {  	[sflag:s0] =	ssyncadd.tile.s32 @!p0 $0x1;
	_ =	shalt  }
.Lfunc_end1:
_tile_overlayer_lowered:
.L_overlay_start_2:
0x56: {  	(tag) =	ssettag $0x2  }
0x57: {  	s0 =	rddreg [dreg:$0x0];
	s2 =	stileid.u32  }
0x58: {  	s1 =	rddreg [dreg:$0x1];
	p0 =	sne.s32 s2, $0x0  }
0x59: {  	s3 =	rddreg [dreg:$0x2];
	[bflag:$0x3] =	sbarrier.arrive $0xFFFF;
	s2 =	simm.s32 @!p0 $0x1C01  }
0x5a: {  	[timem:s3], [sflag:s2] =	dma.local @!p0 [hbm:s0], s1  }
0x5b: {  	s0 =	simm.s32 @!p0 $0x1  }
0x5c: {  	_ =	swait.ge @!p0 [sflag:s0], s1  }
0x5d: {  	s1 =	ssub.s32 @!p0 $0x0, s1;
	[sflag:s0] =	ssyncset.done @!p0 $0x0  }
0x5e: {  	[sflag:s0] =	ssyncadd.s32 @!p0 s1  }
0x5f: {  	[bflag:$0x3] =	sbarrier.arrive $0xFFFF  }
0x60: {  	_ =	shalt  }

</sc_bundles>
